<compile_context>
chip_gen: v7x
topology: tpu7x:2x2x1
jax: 0.10.2.dev20260603
libtpu: 0.0.44.dev20260713+nightly
codegen_flags: <defaults>
</compile_context>

<pallas_src>
import functools

import jax
import jax.numpy as jnp
from jax import lax
from jax.experimental import pallas as pl
from jax.experimental.pallas import tpu as pltpu
from jax.experimental.pallas import tpu_sc as plsc

E = 16
TOP_K = 8
D = 1024
F = 512
T = 2048
RSF = 1.0

TB = 256
SPAD = T * TOP_K + E * TB
NBT = SPAD // TB
NT = T // TB
NSC = 32
TPW = T // NSC

_CONTRACT_MINOR = (((1,), (1,)), ((), ()))


def _route_a_body(x_ref, rw_ref, pn_ref, ce_ref, ob_ref, nb_ref, run_s):
    t = pl.program_id(0)

    @pl.when(t == 0)
    def _():
        run_s[...] = jnp.zeros_like(run_s)

    xb = x_ref[...]
    logits = lax.dot_general(xb, rw_ref[...], _CONTRACT_MINOR,
                             preferred_element_type=jnp.float32)
    m = jnp.max(logits, axis=1, keepdims=True)
    p = jnp.exp(logits - m)
    p = p / jnp.sum(p, axis=1, keepdims=True)

    iota = lax.broadcasted_iota(jnp.int32, p.shape, 1)
    sel = jnp.zeros(p.shape, dtype=jnp.bool_)
    cur = p
    for _ in range(TOP_K):
        mx = jnp.max(cur, axis=1, keepdims=True)
        cand = cur == mx
        fi = jnp.min(jnp.where(cand, iota, E), axis=1, keepdims=True)
        selm = iota == fi
        sel = jnp.logical_or(sel, selm)
        cur = jnp.where(selm, -1.0, cur)
    pn = jnp.where(sel, p, 0.0)
    pn_ref[...] = pn / jnp.sum(pn, axis=1, keepdims=True) * RSF

    self32 = sel.astype(jnp.float32)
    ii = lax.broadcasted_iota(jnp.int32, (TB, TB), 0)
    jj = lax.broadcasted_iota(jnp.int32, (TB, TB), 1)
    tril = (ii > jj).astype(jnp.float32)
    ce = lax.dot_general(tril, self32, (((1,), (0,)), ((), ())),
                         preferred_element_type=jnp.float32)
    ce_ref[...] = ce + run_s[...]
    run_s[...] = run_s[...] + jnp.sum(self32, axis=0, keepdims=True)

    counts = run_s[...]
    nbf = jnp.ceil(counts / TB)
    ei = lax.broadcasted_iota(jnp.int32, (E, E), 0)
    ej = lax.broadcasted_iota(jnp.int32, (E, E), 1)
    excl = (ei < ej).astype(jnp.float32)
    obf = lax.dot_general(nbf, excl, (((1,), (0,)), ((), ())),
                          preferred_element_type=jnp.float32)
    ob_ref[...] = obf.astype(jnp.int32)
    nb_ref[...] = nbf.astype(jnp.int32)


def _route_a(x, router_w):
    return pl.pallas_call(
        _route_a_body,
        grid=(NT,),
        in_specs=[
            pl.BlockSpec((TB, D), lambda t: (t, 0)),
            pl.BlockSpec((E, D), lambda t: (0, 0)),
        ],
        out_specs=[
            pl.BlockSpec((TB, E), lambda t: (t, 0)),
            pl.BlockSpec((TB, E), lambda t: (t, 0)),
            pl.BlockSpec((1, E), lambda t: (0, 0)),
            pl.BlockSpec((1, E), lambda t: (0, 0)),
        ],
        out_shape=[
            jax.ShapeDtypeStruct((T, E), jnp.float32),
            jax.ShapeDtypeStruct((T, E), jnp.float32),
            jax.ShapeDtypeStruct((1, E), jnp.int32),
            jax.ShapeDtypeStruct((1, E), jnp.int32),
        ],
        scratch_shapes=[
            pltpu.VMEM((1, E), jnp.float32),
        ],
        compiler_params=pltpu.CompilerParams(
            dimension_semantics=("arbitrary",),
        ),
    )(x, router_w)


def _route_b_body(pn_ref, ce_ref, ob_ref, dest_ref, w8_ref):
    pn = pn_ref[...]
    ce = ce_ref[...]
    sel = pn > 0.0
    selp = sel.astype(jnp.float32)
    ei = lax.broadcasted_iota(jnp.int32, (E, E), 0)
    ej = lax.broadcasted_iota(jnp.int32, (E, E), 1)
    incl = (ei <= ej).astype(jnp.float32)
    r = lax.dot_general(selp, incl, (((1,), (0,)), ((), ())),
                        preferred_element_type=jnp.float32)
    base = ob_ref[...].astype(jnp.float32) * TB + ce
    for k in range(TOP_K):
        mk = jnp.where(jnp.logical_and(sel, r == (k + 1)), 1.0, 0.0)
        dk = jnp.sum(mk * base, axis=1, keepdims=True)
        wk = jnp.sum(mk * pn, axis=1, keepdims=True)
        dest_ref[:, k:k + 1] = dk.astype(jnp.int32)
        w8_ref[:, k:k + 1] = wk


def _route_b(pn, ce, ob):
    return pl.pallas_call(
        _route_b_body,
        grid=(NT,),
        in_specs=[
            pl.BlockSpec((TB, E), lambda t: (t, 0)),
            pl.BlockSpec((TB, E), lambda t: (t, 0)),
            pl.BlockSpec((1, E), lambda t: (0, 0)),
        ],
        out_specs=[
            pl.BlockSpec((TB, TOP_K), lambda t: (t, 0)),
            pl.BlockSpec((TB, TOP_K), lambda t: (t, 0)),
        ],
        out_shape=[
            jax.ShapeDtypeStruct((T, TOP_K), jnp.int32),
            jax.ShapeDtypeStruct((T, TOP_K), jnp.float32),
        ],
        compiler_params=pltpu.CompilerParams(
            dimension_semantics=("arbitrary",),
        ),
    )(pn, ce, ob)


@functools.cache
def _sc_mesh():
    return plsc.VectorSubcoreMesh(core_axis_name="c", subcore_axis_name="s")


def _dispatch_body(x16v_hbm, destr_hbm, xs_hbm, dv, xv, sem):
    wid = lax.axis_index("s") * 2 + lax.axis_index("c")
    tok0 = wid * TPW
    pltpu.sync_copy(destr_hbm.at[wid], dv)
    pltpu.sync_copy(x16v_hbm.at[pl.ds(tok0, TPW)], xv)
    copies = [pltpu.async_copy(xv, xs_hbm.at[dv.at[k]], sem)
              for k in range(TOP_K)]
    for c in copies:
        c.wait()


def _dispatch(x16v, destr):
    return pl.kernel(
        _dispatch_body,
        out_type=jax.ShapeDtypeStruct((SPAD, 4, 128), jnp.int32),
        mesh=_sc_mesh(),
        scratch_types=[
            pltpu.VMEM((TOP_K, TPW), jnp.int32),
            pltpu.VMEM((TPW, 4, 128), jnp.int32),
            pltpu.SemaphoreType.DMA,
        ],
    )(x16v, destr)


def _gmm_body(ob_ref, nb_ref, xs_ref, wg_ref, wu_ref, wd_ref, ys_ref,
              wg_s, wu_s, wd_s):
    e = pl.program_id(0)
    lb = pl.program_id(1)

    @pl.when(jnp.logical_and(lb == 0, nb_ref[e] > 0))
    def _():
        wg_s[...] = wg_ref[0].astype(jnp.bfloat16)
        wu_s[...] = wu_ref[0].astype(jnp.bfloat16)
        wd_s[...] = wd_ref[0].astype(jnp.bfloat16)

    @pl.when(lb < nb_ref[e])
    def _():
        xb = xs_ref[...]
        g = lax.dot_general(xb, wg_s[...], _CONTRACT_MINOR,
                            preferred_element_type=jnp.float32)
        u = lax.dot_general(xb, wu_s[...], _CONTRACT_MINOR,
                            preferred_element_type=jnp.float32)
        h = ((g * (1.0 / (1.0 + jnp.exp(-g)))) * u).astype(jnp.bfloat16)
        y = lax.dot_general(h, wd_s[...], _CONTRACT_MINOR,
                            preferred_element_type=jnp.float32)
        ys_ref[...] = y.astype(jnp.bfloat16)


def _gmm(ob, nb, xs2, w_gate, w_up, w_down):
    def xs_idx(e, lb, ob_r, nb_r):
        blk = ob_r[e] + jnp.minimum(lb, jnp.maximum(nb_r[e] - 1, 0))
        return (jnp.minimum(blk, NBT - 1), 0)

    grid_spec = pltpu.PrefetchScalarGridSpec(
        num_scalar_prefetch=2,
        grid=(E, TOP_K),
        in_specs=[
            pl.BlockSpec((TB, D), xs_idx),
            pl.BlockSpec((1, F, D), lambda e, lb, ob_r, nb_r: (e, 0, 0)),
            pl.BlockSpec((1, F, D), lambda e, lb, ob_r, nb_r: (e, 0, 0)),
            pl.BlockSpec((1, D, F), lambda e, lb, ob_r, nb_r: (e, 0, 0)),
        ],
        out_specs=pl.BlockSpec((TB, D), xs_idx),
        scratch_shapes=[
            pltpu.VMEM((F, D), jnp.bfloat16),
            pltpu.VMEM((F, D), jnp.bfloat16),
            pltpu.VMEM((D, F), jnp.bfloat16),
        ],
    )
    return pl.pallas_call(
        _gmm_body,
        grid_spec=grid_spec,
        out_shape=jax.ShapeDtypeStruct((SPAD, D), jnp.bfloat16),
        compiler_params=pltpu.CompilerParams(
            dimension_semantics=("arbitrary", "arbitrary"),
        ),
    )(ob, nb, xs2, w_gate, w_up, w_down)


def _combine_gather_body(ysv_hbm, destr_hbm, ysg_hbm, dv, buf, sem):
    wid = lax.axis_index("s") * 2 + lax.axis_index("c")
    tok0 = wid * TPW
    pltpu.sync_copy(destr_hbm.at[wid], dv)
    for k in range(TOP_K):
        pltpu.async_copy(ysv_hbm.at[dv.at[k]], buf, sem).wait()
        pltpu.sync_copy(buf, ysg_hbm.at[pl.ds(k * T + tok0, TPW)])


def _combine_gather(ysv, destr):
    return pl.kernel(
        _combine_gather_body,
        out_type=jax.ShapeDtypeStruct((TOP_K * T, 4, 128), jnp.int32),
        mesh=_sc_mesh(),
        scratch_types=[
            pltpu.VMEM((TOP_K, TPW), jnp.int32),
            pltpu.VMEM((TPW, 4, 128), jnp.int32),
            pltpu.SemaphoreType.DMA,
        ],
    )(ysv, destr)


def _final_body(x16_ref, w8_ref, ysg_ref, sg_ref, su_ref, sd_ref, out_ref,
                wg_s, wu_s, wd_s):
    t = pl.program_id(0)

    @pl.when(t == 0)
    def _():
        wg_s[...] = sg_ref[...].astype(jnp.bfloat16)
        wu_s[...] = su_ref[...].astype(jnp.bfloat16)
        wd_s[...] = sd_ref[...].astype(jnp.bfloat16)

    xb = x16_ref[...]
    g = lax.dot_general(xb, wg_s[...], _CONTRACT_MINOR,
                        preferred_element_type=jnp.float32)
    u = lax.dot_general(xb, wu_s[...], _CONTRACT_MINOR,
                        preferred_element_type=jnp.float32)
    h = ((g * (1.0 / (1.0 + jnp.exp(-g)))) * u).astype(jnp.bfloat16)
    acc = lax.dot_general(h, wd_s[...], _CONTRACT_MINOR,
                          preferred_element_type=jnp.float32)
    for k in range(TOP_K):
        yk = ysg_ref[k].astype(jnp.float32)
        acc = acc + yk * w8_ref[:, k:k + 1]
    out_ref[...] = acc


def _final(x16, w8, ysg3, ws_gate, ws_up, ws_down):
    return pl.pallas_call(
        _final_body,
        grid=(NT,),
        in_specs=[
            pl.BlockSpec((TB, D), lambda t: (t, 0)),
            pl.BlockSpec((TB, TOP_K), lambda t: (t, 0)),
            pl.BlockSpec((TOP_K, TB, D), lambda t: (0, t, 0)),
            pl.BlockSpec((F, D), lambda t: (0, 0)),
            pl.BlockSpec((F, D), lambda t: (0, 0)),
            pl.BlockSpec((D, F), lambda t: (0, 0)),
        ],
        out_specs=pl.BlockSpec((TB, D), lambda t: (t, 0)),
        out_shape=jax.ShapeDtypeStruct((T, D), jnp.float32),
        scratch_shapes=[
            pltpu.VMEM((F, D), jnp.bfloat16),
            pltpu.VMEM((F, D), jnp.bfloat16),
            pltpu.VMEM((D, F), jnp.bfloat16),
        ],
        compiler_params=pltpu.CompilerParams(
            dimension_semantics=("arbitrary",),
        ),
    )(x16, w8, ysg3, ws_gate, ws_up, ws_down)


@jax.jit
def kernel(hidden_states, router_w, w_gate, w_up, w_down,
           ws_gate, ws_up, ws_down):
    x = hidden_states
    x16 = x.astype(jnp.bfloat16)

    pn, ce, ob, nb = _route_a(x, router_w)
    dest, w8 = _route_b(pn, ce, ob)

    destr = dest.reshape(NSC, TPW, TOP_K).transpose(0, 2, 1)
    x16v = lax.bitcast_convert_type(
        x16.reshape(T, D // 2, 2), jnp.int32).reshape(T, 4, 128)

    xs_i = _dispatch(x16v, destr)
    xs16 = lax.bitcast_convert_type(
        xs_i.reshape(SPAD, D // 2), jnp.bfloat16).reshape(SPAD, D)
    ys = _gmm(ob.reshape(E), nb.reshape(E), xs16, w_gate, w_up, w_down)
    ys_i = lax.bitcast_convert_type(
        ys.reshape(SPAD, D // 2, 2), jnp.int32).reshape(SPAD, 4, 128)
    ysg_i = _combine_gather(ys_i, destr)
    ysg = lax.bitcast_convert_type(
        ysg_i.reshape(TOP_K * T, D // 2), jnp.bfloat16).reshape(TOP_K, T, D)
    out = _final(x16, w8, ysg, ws_gate, ws_up, ws_down)
    return out

# --- scband reference (transcript-rebuilt; emitter-appended) ---
"""Pipeline reference for scband-bailing-mo-elinear-decoder-layer-50311246905461 (READ-ONLY COPY).

The authoritative reference and input builder live on the scoring server;
editing this copy changes nothing except your own understanding.
"""

import jax, jax.numpy as jnp
import numpy as np

E = 16          # num_experts
TOP_K = 8       # num_experts_per_tok
D = 1024        # hidden_size
F = 512         # moe_intermediate_size
NS = 1          # num_shared_experts
T = 2048        # num tokens (batch=1 * seq_len=2048)
RSF = 1.0       # routed_scaling_factor


def setup_inputs(seed: int = 0) -> dict:
    key = jax.random.key(seed)
    ks = jax.random.split(key, 8)
    s = 0.02
    return {
        "hidden_states": jax.random.normal(ks[0], (T, D), dtype=jnp.float32),
        "router_w": jax.random.normal(ks[1], (E, D), dtype=jnp.float32) * s,
        "w_gate": jax.random.normal(ks[2], (E, F, D), dtype=jnp.float32) * s,
        "w_up": jax.random.normal(ks[3], (E, F, D), dtype=jnp.float32) * s,
        "w_down": jax.random.normal(ks[4], (E, D, F), dtype=jnp.float32) * s,
        "ws_gate": jax.random.normal(ks[5], (F * NS, D), dtype=jnp.float32) * s,
        "ws_up": jax.random.normal(ks[6], (F * NS, D), dtype=jnp.float32) * s,
        "ws_down": jax.random.normal(ks[7], (D, F * NS), dtype=jnp.float32) * s,
    }


def _moe_forward(x, router_w, w_gate, w_up, w_down, ws_gate, ws_up, ws_down):
    num_tokens = x.shape[0]
    # --- shared experts (BailingMLP with SiluAndMul) ---
    sg = x @ ws_gate.T
    su = x @ ws_up.T
    shared_output = (jax.nn.silu(sg) * su) @ ws_down.T
    # --- router gate (fp32 router dtype) ---
    router_logits = (x.astype(jnp.float32) @ router_w.T).astype(x.dtype)
    # --- TopK: softmax -> top_k -> renormalize (norm_topk_prob=True) ---
    probs = jax.nn.softmax(router_logits.astype(jnp.float32), axis=-1)
    topk_weights, topk_ids = jax.lax.top_k(probs, TOP_K)
    topk_weights = topk_weights / jnp.sum(topk_weights, axis=-1, keepdims=True)
    # scatter routing weights into dense (T, E) combine matrix
    combine = jnp.zeros((num_tokens, E), dtype=jnp.float32)
    combine = combine.at[jnp.arange(num_tokens)[:, None], topk_ids].add(topk_weights)
    # --- FusedMoE experts: SiLU-gated MLP per expert ---
    eg = jnp.einsum('td,efd->etf', x, w_gate)
    eu = jnp.einsum('td,efd->etf', x, w_up)
    eh = jax.nn.silu(eg) * eu
    eo = jnp.einsum('etf,edf->etd', eh, w_down)
    routed = jnp.einsum('te,etd->td', combine, eo) * RSF
    final = routed + shared_output
    return final.astype(x.dtype)


def reference(hidden_states, router_w, w_gate, w_up, w_down, ws_gate, ws_up, ws_down):
    return _moe_forward(hidden_states, router_w, w_gate, w_up, w_down, ws_gate, ws_up, ws_down)

if __name__ == "__main__":
    import jax
    _d = setup_inputs()
    print(jax.jit(kernel)(*tuple(_d.values())))

</pallas_src>

<mosaic_0001>
#map = affine_map<(d0, d1) -> (0, 0, 0)>
module attributes {stable_mosaic.version = 14 : i64} {
  func.func @_dispatch_body(%arg0: i32, %arg1: i32, %arg2: memref<2048x4x128xi32, #tpu.memory_space<hbm>>, %arg3: memref<32x8x64xi32, #tpu.memory_space<hbm>>, %arg4: memref<20480x4x128xi32, #tpu.memory_space<hbm>>, %arg5: memref<8x64xi32, #tpu.memory_space<vmem>>, %arg6: memref<64x4x128xi32, #tpu.memory_space<vmem>>, %arg7: memref<!tpu.dma_semaphore, #tpu.memory_space<semaphore_mem>>) attributes {dimension_semantics = [#tpu.dimension_semantics<core_parallel>, #tpu.dimension_semantics<subcore_parallel>], iteration_bounds = array<i64: 2, 16>, scalar_prefetch = 0 : i64, scratch_operands = 3 : i64, tpu.core_type = #tpu.core_type<sc_vector_subcore>, window_params = [{transform_indices = #map}, {transform_indices = #map}, {transform_indices = #map}]} {
    %mul3A = arith.constant 2 : i32
    %mul3A_0 = arith.muli %arg1, %mul3A : i32
    %add3A = arith.addi %mul3A_0, %arg0 : i32
    %mul3A_1 = arith.constant 64 : i32
    %mul3A_2 = arith.muli %add3A, %mul3A_1 : i32
    "tpu.region"() ({
      %run_scoped3A = tpu.sem_alloc : memref<!tpu.dma_semaphore, #tpu.memory_space<semaphore_mem>>
      %dma_start3A_129 = arith.constant 0 : i32
      %dma_start3A_130 = arith.constant 0 : i32
      %dma_start3A_131 = tpu.memref_slice %arg3[%add3A, %dma_start3A_129, %dma_start3A_130] : memref<32x8x64xi32, #tpu.memory_space<hbm>> -> memref<1x8x64xi32, #tpu.memory_space<hbm>>
      %dma_start3A_132 = tpu.memref_squeeze %dma_start3A_131 : memref<1x8x64xi32, #tpu.memory_space<hbm>> -> memref<8x64xi32, #tpu.memory_space<hbm>>
      %dma_start3A_133 = arith.constant 0 : i32
      %dma_start3A_134 = arith.constant 0 : i32
      %dma_start3A_135 = tpu.memref_slice %arg3[%add3A, %dma_start3A_133, %dma_start3A_134] : memref<32x8x64xi32, #tpu.memory_space<hbm>> -> memref<1x8x64xi32, #tpu.memory_space<hbm>>
      %dma_start3A_136 = tpu.memref_squeeze %dma_start3A_135 : memref<1x8x64xi32, #tpu.memory_space<hbm>> -> memref<8x64xi32, #tpu.memory_space<hbm>>
      tpu.enqueue_dma source(%dma_start3A_136 : memref<8x64xi32, #tpu.memory_space<hbm>>) target(%arg5 : memref<8x64xi32, #tpu.memory_space<vmem>>) target_semaphore(%run_scoped3A : memref<!tpu.dma_semaphore, #tpu.memory_space<semaphore_mem>>)
      %dma_wait3A_137 = arith.constant 0 : i32
      %dma_wait3A_138 = arith.constant 0 : i32
      %dma_wait3A_139 = tpu.memref_slice %arg3[%add3A, %dma_wait3A_137, %dma_wait3A_138] : memref<32x8x64xi32, #tpu.memory_space<hbm>> -> memref<1x8x64xi32, #tpu.memory_space<hbm>>
      %dma_wait3A_140 = tpu.memref_squeeze %dma_wait3A_139 : memref<1x8x64xi32, #tpu.memory_space<hbm>> -> memref<8x64xi32, #tpu.memory_space<hbm>>
      %dma_wait3A_141 = arith.constant 0 : i32
      %dma_wait3A_142 = arith.constant 0 : i32
      %dma_wait3A_143 = tpu.memref_slice %arg3[%add3A, %dma_wait3A_141, %dma_wait3A_142] : memref<32x8x64xi32, #tpu.memory_space<hbm>> -> memref<1x8x64xi32, #tpu.memory_space<hbm>>
      %dma_wait3A_144 = tpu.memref_squeeze %dma_wait3A_143 : memref<1x8x64xi32, #tpu.memory_space<hbm>> -> memref<8x64xi32, #tpu.memory_space<hbm>>
      tpu.wait_dma2 semaphore(%run_scoped3A : memref<!tpu.dma_semaphore, #tpu.memory_space<semaphore_mem>>) src(%dma_wait3A_144 : memref<8x64xi32, #tpu.memory_space<hbm>>) dst(%arg5 : memref<8x64xi32, #tpu.memory_space<vmem>>)
      tpu.yield
    }) : () -> ()
    "tpu.region"() ({
      %run_scoped3A = tpu.sem_alloc : memref<!tpu.dma_semaphore, #tpu.memory_space<semaphore_mem>>
      %dma_start3A_129 = arith.constant 0 : i32
      %dma_start3A_130 = arith.constant 0 : i32
      %dma_start3A_131 = tpu.memref_slice %arg2[%mul3A_2, %dma_start3A_129, %dma_start3A_130] : memref<2048x4x128xi32, #tpu.memory_space<hbm>> -> memref<64x4x128xi32, #tpu.memory_space<hbm>>
      %dma_start3A_132 = arith.constant 0 : i32
      %dma_start3A_133 = arith.constant 0 : i32
      %dma_start3A_134 = tpu.memref_slice %arg2[%mul3A_2, %dma_start3A_132, %dma_start3A_133] : memref<2048x4x128xi32, #tpu.memory_space<hbm>> -> memref<64x4x128xi32, #tpu.memory_space<hbm>>
      tpu.enqueue_dma source(%dma_start3A_134 : memref<64x4x128xi32, #tpu.memory_space<hbm>>) target(%arg6 : memref<64x4x128xi32, #tpu.memory_space<vmem>>) target_semaphore(%run_scoped3A : memref<!tpu.dma_semaphore, #tpu.memory_space<semaphore_mem>>)
      %dma_wait3A_135 = arith.constant 0 : i32
      %dma_wait3A_136 = arith.constant 0 : i32
      %dma_wait3A_137 = tpu.memref_slice %arg2[%mul3A_2, %dma_wait3A_135, %dma_wait3A_136] : memref<2048x4x128xi32, #tpu.memory_space<hbm>> -> memref<64x4x128xi32, #tpu.memory_space<hbm>>
      %dma_wait3A_138 = arith.constant 0 : i32
      %dma_wait3A_139 = arith.constant 0 : i32
      %dma_wait3A_140 = tpu.memref_slice %arg2[%mul3A_2, %dma_wait3A_138, %dma_wait3A_139] : memref<2048x4x128xi32, #tpu.memory_space<hbm>> -> memref<64x4x128xi32, #tpu.memory_space<hbm>>
      tpu.wait_dma2 semaphore(%run_scoped3A : memref<!tpu.dma_semaphore, #tpu.memory_space<semaphore_mem>>) src(%dma_wait3A_140 : memref<64x4x128xi32, #tpu.memory_space<hbm>>) dst(%arg6 : memref<64x4x128xi32, #tpu.memory_space<vmem>>)
      tpu.yield
    }) : () -> ()
    %dma_start3A = arith.constant 0 : i32
    %dma_start3A_3 = arith.constant 0 : i32
    %dma_start3A_4 = tpu.memref_slice %arg5[%dma_start3A, %dma_start3A_3] : memref<8x64xi32, #tpu.memory_space<vmem>> -> memref<1x64xi32, #tpu.memory_space<vmem>>
    %dma_start3A_5 = tpu.memref_squeeze %dma_start3A_4 : memref<1x64xi32, #tpu.memory_space<vmem>> -> memref<64xi32, #tpu.memory_space<vmem>>
    %dma_start3A_6 = arith.constant 0 : i32
    %dma_start3A_7 = arith.constant 0 : i32
    %dma_start3A_8 = arith.constant 0 : i32
    %dma_start3A_9 = tpu.memref_slice %arg4[%dma_start3A_6, %dma_start3A_7, %dma_start3A_8] : memref<20480x4x128xi32, #tpu.memory_space<hbm>> -> memref<20480x4x128xi32, #tpu.memory_space<hbm>>
    tpu.enqueue_indirect_dma source(%arg6 : memref<64x4x128xi32, #tpu.memory_space<vmem>>) target(%dma_start3A_9 : memref<20480x4x128xi32, #tpu.memory_space<hbm>>) offsets(%dma_start3A_5 : memref<64xi32, #tpu.memory_space<vmem>>) semaphore(%arg7 : memref<!tpu.dma_semaphore, #tpu.memory_space<semaphore_mem>>)
    %dma_start3A_10 = arith.constant 1 : i32
    %dma_start3A_11 = arith.constant 0 : i32
    %dma_start3A_12 = tpu.memref_slice %arg5[%dma_start3A_10, %dma_start3A_11] : memref<8x64xi32, #tpu.memory_space<vmem>> -> memref<1x64xi32, #tpu.memory_space<vmem>>
    %dma_start3A_13 = tpu.memref_squeeze %dma_start3A_12 : memref<1x64xi32, #tpu.memory_space<vmem>> -> memref<64xi32, #tpu.memory_space<vmem>>
    %dma_start3A_14 = arith.constant 0 : i32
    %dma_start3A_15 = arith.constant 0 : i32
    %dma_start3A_16 = arith.constant 0 : i32
    %dma_start3A_17 = tpu.memref_slice %arg4[%dma_start3A_14, %dma_start3A_15, %dma_start3A_16] : memref<20480x4x128xi32, #tpu.memory_space<hbm>> -> memref<20480x4x128xi32, #tpu.memory_space<hbm>>
    tpu.enqueue_indirect_dma source(%arg6 : memref<64x4x128xi32, #tpu.memory_space<vmem>>) target(%dma_start3A_17 : memref<20480x4x128xi32, #tpu.memory_space<hbm>>) offsets(%dma_start3A_13 : memref<64xi32, #tpu.memory_space<vmem>>) semaphore(%arg7 : memref<!tpu.dma_semaphore, #tpu.memory_space<semaphore_mem>>)
    %dma_start3A_18 = arith.constant 2 : i32
    %dma_start3A_19 = arith.constant 0 : i32
    %dma_start3A_20 = tpu.memref_slice %arg5[%dma_start3A_18, %dma_start3A_19] : memref<8x64xi32, #tpu.memory_space<vmem>> -> memref<1x64xi32, #tpu.memory_space<vmem>>
    %dma_start3A_21 = tpu.memref_squeeze %dma_start3A_20 : memref<1x64xi32, #tpu.memory_space<vmem>> -> memref<64xi32, #tpu.memory_space<vmem>>
    %dma_start3A_22 = arith.constant 0 : i32
    %dma_start3A_23 = arith.constant 0 : i32
    %dma_start3A_24 = arith.constant 0 : i32
    %dma_start3A_25 = tpu.memref_slice %arg4[%dma_start3A_22, %dma_start3A_23, %dma_start3A_24] : memref<20480x4x128xi32, #tpu.memory_space<hbm>> -> memref<20480x4x128xi32, #tpu.memory_space<hbm>>
    tpu.enqueue_indirect_dma source(%arg6 : memref<64x4x128xi32, #tpu.memory_space<vmem>>) target(%dma_start3A_25 : memref<20480x4x128xi32, #tpu.memory_space<hbm>>) offsets(%dma_start3A_21 : memref<64xi32, #tpu.memory_space<vmem>>) semaphore(%arg7 : memref<!tpu.dma_semaphore, #tpu.memory_space<semaphore_mem>>)
    %dma_start3A_26 = arith.constant 3 : i32
    %dma_start3A_27 = arith.constant 0 : i32
    %dma_start3A_28 = tpu.memref_slice %arg5[%dma_start3A_26, %dma_start3A_27] : memref<8x64xi32, #tpu.memory_space<vmem>> -> memref<1x64xi32, #tpu.memory_space<vmem>>
    %dma_start3A_29 = tpu.memref_squeeze %dma_start3A_28 : memref<1x64xi32, #tpu.memory_space<vmem>> -> memref<64xi32, #tpu.memory_space<vmem>>
    %dma_start3A_30 = arith.constant 0 : i32
    %dma_start3A_31 = arith.constant 0 : i32
    %dma_start3A_32 = arith.constant 0 : i32
    %dma_start3A_33 = tpu.memref_slice %arg4[%dma_start3A_30, %dma_start3A_31, %dma_start3A_32] : memref<20480x4x128xi32, #tpu.memory_space<hbm>> -> memref<20480x4x128xi32, #tpu.memory_space<hbm>>
    tpu.enqueue_indirect_dma source(%arg6 : memref<64x4x128xi32, #tpu.memory_space<vmem>>) target(%dma_start3A_33 : memref<20480x4x128xi32, #tpu.memory_space<hbm>>) offsets(%dma_start3A_29 : memref<64xi32, #tpu.memory_space<vmem>>) semaphore(%arg7 : memref<!tpu.dma_semaphore, #tpu.memory_space<semaphore_mem>>)
    %dma_start3A_34 = arith.constant 4 : i32
    %dma_start3A_35 = arith.constant 0 : i32
    %dma_start3A_36 = tpu.memref_slice %arg5[%dma_start3A_34, %dma_start3A_35] : memref<8x64xi32, #tpu.memory_space<vmem>> -> memref<1x64xi32, #tpu.memory_space<vmem>>
    %dma_start3A_37 = tpu.memref_squeeze %dma_start3A_36 : memref<1x64xi32, #tpu.memory_space<vmem>> -> memref<64xi32, #tpu.memory_space<vmem>>
    %dma_start3A_38 = arith.constant 0 : i32
    %dma_start3A_39 = arith.constant 0 : i32
    %dma_start3A_40 = arith.constant 0 : i32
    %dma_start3A_41 = tpu.memref_slice %arg4[%dma_start3A_38, %dma_start3A_39, %dma_start3A_40] : memref<20480x4x128xi32, #tpu.memory_space<hbm>> -> memref<20480x4x128xi32, #tpu.memory_space<hbm>>
    tpu.enqueue_indirect_dma source(%arg6 : memref<64x4x128xi32, #tpu.memory_space<vmem>>) target(%dma_start3A_41 : memref<20480x4x128xi32, #tpu.memory_space<hbm>>) offsets(%dma_start3A_37 : memref<64xi32, #tpu.memory_space<vmem>>) semaphore(%arg7 : memref<!tpu.dma_semaphore, #tpu.memory_space<semaphore_mem>>)
    %dma_start3A_42 = arith.constant 5 : i32
    %dma_start3A_43 = arith.constant 0 : i32
    %dma_start3A_44 = tpu.memref_slice %arg5[%dma_start3A_42, %dma_start3A_43] : memref<8x64xi32, #tpu.memory_space<vmem>> -> memref<1x64xi32, #tpu.memory_space<vmem>>
    %dma_start3A_45 = tpu.memref_squeeze %dma_start3A_44 : memref<1x64xi32, #tpu.memory_space<vmem>> -> memref<64xi32, #tpu.memory_space<vmem>>
    %dma_start3A_46 = arith.constant 0 : i32
    %dma_start3A_47 = arith.constant 0 : i32
    %dma_start3A_48 = arith.constant 0 : i32
    %dma_start3A_49 = tpu.memref_slice %arg4[%dma_start3A_46, %dma_start3A_47, %dma_start3A_48] : memref<20480x4x128xi32, #tpu.memory_space<hbm>> -> memref<20480x4x128xi32, #tpu.memory_space<hbm>>
    tpu.enqueue_indirect_dma source(%arg6 : memref<64x4x128xi32, #tpu.memory_space<vmem>>) target(%dma_start3A_49 : memref<20480x4x128xi32, #tpu.memory_space<hbm>>) offsets(%dma_start3A_45 : memref<64xi32, #tpu.memory_space<vmem>>) semaphore(%arg7 : memref<!tpu.dma_semaphore, #tpu.memory_space<semaphore_mem>>)
    %dma_start3A_50 = arith.constant 6 : i32
    %dma_start3A_51 = arith.constant 0 : i32
    %dma_start3A_52 = tpu.memref_slice %arg5[%dma_start3A_50, %dma_start3A_51] : memref<8x64xi32, #tpu.memory_space<vmem>> -> memref<1x64xi32, #tpu.memory_space<vmem>>
    %dma_start3A_53 = tpu.memref_squeeze %dma_start3A_52 : memref<1x64xi32, #tpu.memory_space<vmem>> -> memref<64xi32, #tpu.memory_space<vmem>>
    %dma_start3A_54 = arith.constant 0 : i32
    %dma_start3A_55 = arith.constant 0 : i32
    %dma_start3A_56 = arith.constant 0 : i32
    %dma_start3A_57 = tpu.memref_slice %arg4[%dma_start3A_54, %dma_start3A_55, %dma_start3A_56] : memref<20480x4x128xi32, #tpu.memory_space<hbm>> -> memref<20480x4x128xi32, #tpu.memory_space<hbm>>
    tpu.enqueue_indirect_dma source(%arg6 : memref<64x4x128xi32, #tpu.memory_space<vmem>>) target(%dma_start3A_57 : memref<20480x4x128xi32, #tpu.memory_space<hbm>>) offsets(%dma_start3A_53 : memref<64xi32, #tpu.memory_space<vmem>>) semaphore(%arg7 : memref<!tpu.dma_semaphore, #tpu.memory_space<semaphore_mem>>)
    %dma_start3A_58 = arith.constant 7 : i32
    %dma_start3A_59 = arith.constant 0 : i32
    %dma_start3A_60 = tpu.memref_slice %arg5[%dma_start3A_58, %dma_start3A_59] : memref<8x64xi32, #tpu.memory_space<vmem>> -> memref<1x64xi32, #tpu.memory_space<vmem>>
    %dma_start3A_61 = tpu.memref_squeeze %dma_start3A_60 : memref<1x64xi32, #tpu.memory_space<vmem>> -> memref<64xi32, #tpu.memory_space<vmem>>
    %dma_start3A_62 = arith.constant 0 : i32
    %dma_start3A_63 = arith.constant 0 : i32
    %dma_start3A_64 = arith.constant 0 : i32
    %dma_start3A_65 = tpu.memref_slice %arg4[%dma_start3A_62, %dma_start3A_63, %dma_start3A_64] : memref<20480x4x128xi32, #tpu.memory_space<hbm>> -> memref<20480x4x128xi32, #tpu.memory_space<hbm>>
    tpu.enqueue_indirect_dma source(%arg6 : memref<64x4x128xi32, #tpu.memory_space<vmem>>) target(%dma_start3A_65 : memref<20480x4x128xi32, #tpu.memory_space<hbm>>) offsets(%dma_start3A_61 : memref<64xi32, #tpu.memory_space<vmem>>) semaphore(%arg7 : memref<!tpu.dma_semaphore, #tpu.memory_space<semaphore_mem>>)
    %dma_wait3A = arith.constant 0 : i32
    %dma_wait3A_66 = arith.constant 0 : i32
    %dma_wait3A_67 = tpu.memref_slice %arg5[%dma_wait3A, %dma_wait3A_66] : memref<8x64xi32, #tpu.memory_space<vmem>> -> memref<1x64xi32, #tpu.memory_space<vmem>>
    %dma_wait3A_68 = tpu.memref_squeeze %dma_wait3A_67 : memref<1x64xi32, #tpu.memory_space<vmem>> -> memref<64xi32, #tpu.memory_space<vmem>>
    %dma_wait3A_69 = arith.constant 0 : i32
    %dma_wait3A_70 = arith.constant 0 : i32
    %dma_wait3A_71 = arith.constant 0 : i32
    %dma_wait3A_72 = tpu.memref_slice %arg4[%dma_wait3A_69, %dma_wait3A_70, %dma_wait3A_71] : memref<20480x4x128xi32, #tpu.memory_space<hbm>> -> memref<20480x4x128xi32, #tpu.memory_space<hbm>>
    tpu.wait_indirect_dma semaphore(%arg7 : memref<!tpu.dma_semaphore, #tpu.memory_space<semaphore_mem>>) src(%arg6 : memref<64x4x128xi32, #tpu.memory_space<vmem>>) dst(%dma_wait3A_72 : memref<20480x4x128xi32, #tpu.memory_space<hbm>>)
    %dma_wait3A_73 = arith.constant 1 : i32
    %dma_wait3A_74 = arith.constant 0 : i32
    %dma_wait3A_75 = tpu.memref_slice %arg5[%dma_wait3A_73, %dma_wait3A_74] : memref<8x64xi32, #tpu.memory_space<vmem>> -> memref<1x64xi32, #tpu.memory_space<vmem>>
    %dma_wait3A_76 = tpu.memref_squeeze %dma_wait3A_75 : memref<1x64xi32, #tpu.memory_space<vmem>> -> memref<64xi32, #tpu.memory_space<vmem>>
    %dma_wait3A_77 = arith.constant 0 : i32
    %dma_wait3A_78 = arith.constant 0 : i32
    %dma_wait3A_79 = arith.constant 0 : i32
    %dma_wait3A_80 = tpu.memref_slice %arg4[%dma_wait3A_77, %dma_wait3A_78, %dma_wait3A_79] : memref<20480x4x128xi32, #tpu.memory_space<hbm>> -> memref<20480x4x128xi32, #tpu.memory_space<hbm>>
    tpu.wait_indirect_dma semaphore(%arg7 : memref<!tpu.dma_semaphore, #tpu.memory_space<semaphore_mem>>) src(%arg6 : memref<64x4x128xi32, #tpu.memory_space<vmem>>) dst(%dma_wait3A_80 : memref<20480x4x128xi32, #tpu.memory_space<hbm>>)
    %dma_wait3A_81 = arith.constant 2 : i32
    %dma_wait3A_82 = arith.constant 0 : i32
    %dma_wait3A_83 = tpu.memref_slice %arg5[%dma_wait3A_81, %dma_wait3A_82] : memref<8x64xi32, #tpu.memory_space<vmem>> -> memref<1x64xi32, #tpu.memory_space<vmem>>
    %dma_wait3A_84 = tpu.memref_squeeze %dma_wait3A_83 : memref<1x64xi32, #tpu.memory_space<vmem>> -> memref<64xi32, #tpu.memory_space<vmem>>
    %dma_wait3A_85 = arith.constant 0 : i32
    %dma_wait3A_86 = arith.constant 0 : i32
    %dma_wait3A_87 = arith.constant 0 : i32
    %dma_wait3A_88 = tpu.memref_slice %arg4[%dma_wait3A_85, %dma_wait3A_86, %dma_wait3A_87] : memref<20480x4x128xi32, #tpu.memory_space<hbm>> -> memref<20480x4x128xi32, #tpu.memory_space<hbm>>
    tpu.wait_indirect_dma semaphore(%arg7 : memref<!tpu.dma_semaphore, #tpu.memory_space<semaphore_mem>>) src(%arg6 : memref<64x4x128xi32, #tpu.memory_space<vmem>>) dst(%dma_wait3A_88 : memref<20480x4x128xi32, #tpu.memory_space<hbm>>)
    %dma_wait3A_89 = arith.constant 3 : i32
    %dma_wait3A_90 = arith.constant 0 : i32
    %dma_wait3A_91 = tpu.memref_slice %arg5[%dma_wait3A_89, %dma_wait3A_90] : memref<8x64xi32, #tpu.memory_space<vmem>> -> memref<1x64xi32, #tpu.memory_space<vmem>>
    %dma_wait3A_92 = tpu.memref_squeeze %dma_wait3A_91 : memref<1x64xi32, #tpu.memory_space<vmem>> -> memref<64xi32, #tpu.memory_space<vmem>>
    %dma_wait3A_93 = arith.constant 0 : i32
    %dma_wait3A_94 = arith.constant 0 : i32
    %dma_wait3A_95 = arith.constant 0 : i32
    %dma_wait3A_96 = tpu.memref_slice %arg4[%dma_wait3A_93, %dma_wait3A_94, %dma_wait3A_95] : memref<20480x4x128xi32, #tpu.memory_space<hbm>> -> memref<20480x4x128xi32, #tpu.memory_space<hbm>>
    tpu.wait_indirect_dma semaphore(%arg7 : memref<!tpu.dma_semaphore, #tpu.memory_space<semaphore_mem>>) src(%arg6 : memref<64x4x128xi32, #tpu.memory_space<vmem>>) dst(%dma_wait3A_96 : memref<20480x4x128xi32, #tpu.memory_space<hbm>>)
    %dma_wait3A_97 = arith.constant 4 : i32
    %dma_wait3A_98 = arith.constant 0 : i32
    %dma_wait3A_99 = tpu.memref_slice %arg5[%dma_wait3A_97, %dma_wait3A_98] : memref<8x64xi32, #tpu.memory_space<vmem>> -> memref<1x64xi32, #tpu.memory_space<vmem>>
    %dma_wait3A_100 = tpu.memref_squeeze %dma_wait3A_99 : memref<1x64xi32, #tpu.memory_space<vmem>> -> memref<64xi32, #tpu.memory_space<vmem>>
    %dma_wait3A_101 = arith.constant 0 : i32
    %dma_wait3A_102 = arith.constant 0 : i32
    %dma_wait3A_103 = arith.constant 0 : i32
    %dma_wait3A_104 = tpu.memref_slice %arg4[%dma_wait3A_101, %dma_wait3A_102, %dma_wait3A_103] : memref<20480x4x128xi32, #tpu.memory_space<hbm>> -> memref<20480x4x128xi32, #tpu.memory_space<hbm>>
    tpu.wait_indirect_dma semaphore(%arg7 : memref<!tpu.dma_semaphore, #tpu.memory_space<semaphore_mem>>) src(%arg6 : memref<64x4x128xi32, #tpu.memory_space<vmem>>) dst(%dma_wait3A_104 : memref<20480x4x128xi32, #tpu.memory_space<hbm>>)
    %dma_wait3A_105 = arith.constant 5 : i32
    %dma_wait3A_106 = arith.constant 0 : i32
    %dma_wait3A_107 = tpu.memref_slice %arg5[%dma_wait3A_105, %dma_wait3A_106] : memref<8x64xi32, #tpu.memory_space<vmem>> -> memref<1x64xi32, #tpu.memory_space<vmem>>
    %dma_wait3A_108 = tpu.memref_squeeze %dma_wait3A_107 : memref<1x64xi32, #tpu.memory_space<vmem>> -> memref<64xi32, #tpu.memory_space<vmem>>
    %dma_wait3A_109 = arith.constant 0 : i32
    %dma_wait3A_110 = arith.constant 0 : i32
    %dma_wait3A_111 = arith.constant 0 : i32
    %dma_wait3A_112 = tpu.memref_slice %arg4[%dma_wait3A_109, %dma_wait3A_110, %dma_wait3A_111] : memref<20480x4x128xi32, #tpu.memory_space<hbm>> -> memref<20480x4x128xi32, #tpu.memory_space<hbm>>
    tpu.wait_indirect_dma semaphore(%arg7 : memref<!tpu.dma_semaphore, #tpu.memory_space<semaphore_mem>>) src(%arg6 : memref<64x4x128xi32, #tpu.memory_space<vmem>>) dst(%dma_wait3A_112 : memref<20480x4x128xi32, #tpu.memory_space<hbm>>)
    %dma_wait3A_113 = arith.constant 6 : i32
    %dma_wait3A_114 = arith.constant 0 : i32
    %dma_wait3A_115 = tpu.memref_slice %arg5[%dma_wait3A_113, %dma_wait3A_114] : memref<8x64xi32, #tpu.memory_space<vmem>> -> memref<1x64xi32, #tpu.memory_space<vmem>>
    %dma_wait3A_116 = tpu.memref_squeeze %dma_wait3A_115 : memref<1x64xi32, #tpu.memory_space<vmem>> -> memref<64xi32, #tpu.memory_space<vmem>>
    %dma_wait3A_117 = arith.constant 0 : i32
    %dma_wait3A_118 = arith.constant 0 : i32
    %dma_wait3A_119 = arith.constant 0 : i32
    %dma_wait3A_120 = tpu.memref_slice %arg4[%dma_wait3A_117, %dma_wait3A_118, %dma_wait3A_119] : memref<20480x4x128xi32, #tpu.memory_space<hbm>> -> memref<20480x4x128xi32, #tpu.memory_space<hbm>>
    tpu.wait_indirect_dma semaphore(%arg7 : memref<!tpu.dma_semaphore, #tpu.memory_space<semaphore_mem>>) src(%arg6 : memref<64x4x128xi32, #tpu.memory_space<vmem>>) dst(%dma_wait3A_120 : memref<20480x4x128xi32, #tpu.memory_space<hbm>>)
    %dma_wait3A_121 = arith.constant 7 : i32
    %dma_wait3A_122 = arith.constant 0 : i32
    %dma_wait3A_123 = tpu.memref_slice %arg5[%dma_wait3A_121, %dma_wait3A_122] : memref<8x64xi32, #tpu.memory_space<vmem>> -> memref<1x64xi32, #tpu.memory_space<vmem>>
    %dma_wait3A_124 = tpu.memref_squeeze %dma_wait3A_123 : memref<1x64xi32, #tpu.memory_space<vmem>> -> memref<64xi32, #tpu.memory_space<vmem>>
    %dma_wait3A_125 = arith.constant 0 : i32
    %dma_wait3A_126 = arith.constant 0 : i32
    %dma_wait3A_127 = arith.constant 0 : i32
    %dma_wait3A_128 = tpu.memref_slice %arg4[%dma_wait3A_125, %dma_wait3A_126, %dma_wait3A_127] : memref<20480x4x128xi32, #tpu.memory_space<hbm>> -> memref<20480x4x128xi32, #tpu.memory_space<hbm>>
    tpu.wait_indirect_dma semaphore(%arg7 : memref<!tpu.dma_semaphore, #tpu.memory_space<semaphore_mem>>) src(%arg6 : memref<64x4x128xi32, #tpu.memory_space<vmem>>) dst(%dma_wait3A_128 : memref<20480x4x128xi32, #tpu.memory_space<hbm>>)
    return
  }
}

#map = affine_map<(d0, d1) -> (0, 0, 0)>
module attributes {stable_mosaic.version = 14 : i64} {
  func.func @_combine_gather_body(%arg0: i32, %arg1: i32, %arg2: memref<20480x4x128xi32, #tpu.memory_space<hbm>>, %arg3: memref<32x8x64xi32, #tpu.memory_space<hbm>>, %arg4: memref<16384x4x128xi32, #tpu.memory_space<hbm>>, %arg5: memref<8x64xi32, #tpu.memory_space<vmem>>, %arg6: memref<64x4x128xi32, #tpu.memory_space<vmem>>, %arg7: memref<!tpu.dma_semaphore, #tpu.memory_space<semaphore_mem>>) attributes {dimension_semantics = [#tpu.dimension_semantics<core_parallel>, #tpu.dimension_semantics<subcore_parallel>], iteration_bounds = array<i64: 2, 16>, scalar_prefetch = 0 : i64, scratch_operands = 3 : i64, tpu.core_type = #tpu.core_type<sc_vector_subcore>, window_params = [{transform_indices = #map}, {transform_indices = #map}, {transform_indices = #map}]} {
    %mul3A = arith.constant 2 : i32
    %mul3A_0 = arith.muli %arg1, %mul3A : i32
    %add3A = arith.addi %mul3A_0, %arg0 : i32
    %mul3A_1 = arith.constant 64 : i32
    %mul3A_2 = arith.muli %add3A, %mul3A_1 : i32
    "tpu.region"() ({
      %run_scoped3A = tpu.sem_alloc : memref<!tpu.dma_semaphore, #tpu.memory_space<semaphore_mem>>
      %dma_start3A_145 = arith.constant 0 : i32
      %dma_start3A_146 = arith.constant 0 : i32
      %dma_start3A_147 = tpu.memref_slice %arg3[%add3A, %dma_start3A_145, %dma_start3A_146] : memref<32x8x64xi32, #tpu.memory_space<hbm>> -> memref<1x8x64xi32, #tpu.memory_space<hbm>>
      %dma_start3A_148 = tpu.memref_squeeze %dma_start3A_147 : memref<1x8x64xi32, #tpu.memory_space<hbm>> -> memref<8x64xi32, #tpu.memory_space<hbm>>
      %dma_start3A_149 = arith.constant 0 : i32
      %dma_start3A_150 = arith.constant 0 : i32
      %dma_start3A_151 = tpu.memref_slice %arg3[%add3A, %dma_start3A_149, %dma_start3A_150] : memref<32x8x64xi32, #tpu.memory_space<hbm>> -> memref<1x8x64xi32, #tpu.memory_space<hbm>>
      %dma_start3A_152 = tpu.memref_squeeze %dma_start3A_151 : memref<1x8x64xi32, #tpu.memory_space<hbm>> -> memref<8x64xi32, #tpu.memory_space<hbm>>
      tpu.enqueue_dma source(%dma_start3A_152 : memref<8x64xi32, #tpu.memory_space<hbm>>) target(%arg5 : memref<8x64xi32, #tpu.memory_space<vmem>>) target_semaphore(%run_scoped3A : memref<!tpu.dma_semaphore, #tpu.memory_space<semaphore_mem>>)
      %dma_wait3A_153 = arith.constant 0 : i32
      %dma_wait3A_154 = arith.constant 0 : i32
      %dma_wait3A_155 = tpu.memref_slice %arg3[%add3A, %dma_wait3A_153, %dma_wait3A_154] : memref<32x8x64xi32, #tpu.memory_space<hbm>> -> memref<1x8x64xi32, #tpu.memory_space<hbm>>
      %dma_wait3A_156 = tpu.memref_squeeze %dma_wait3A_155 : memref<1x8x64xi32, #tpu.memory_space<hbm>> -> memref<8x64xi32, #tpu.memory_space<hbm>>
      %dma_wait3A_157 = arith.constant 0 : i32
      %dma_wait3A_158 = arith.constant 0 : i32
      %dma_wait3A_159 = tpu.memref_slice %arg3[%add3A, %dma_wait3A_157, %dma_wait3A_158] : memref<32x8x64xi32, #tpu.memory_space<hbm>> -> memref<1x8x64xi32, #tpu.memory_space<hbm>>
      %dma_wait3A_160 = tpu.memref_squeeze %dma_wait3A_159 : memref<1x8x64xi32, #tpu.memory_space<hbm>> -> memref<8x64xi32, #tpu.memory_space<hbm>>
      tpu.wait_dma2 semaphore(%run_scoped3A : memref<!tpu.dma_semaphore, #tpu.memory_space<semaphore_mem>>) src(%dma_wait3A_160 : memref<8x64xi32, #tpu.memory_space<hbm>>) dst(%arg5 : memref<8x64xi32, #tpu.memory_space<vmem>>)
      tpu.yield
    }) : () -> ()
    %dma_start3A = arith.constant 0 : i32
    %dma_start3A_3 = arith.constant 0 : i32
    %dma_start3A_4 = tpu.memref_slice %arg5[%dma_start3A, %dma_start3A_3] : memref<8x64xi32, #tpu.memory_space<vmem>> -> memref<1x64xi32, #tpu.memory_space<vmem>>
    %dma_start3A_5 = tpu.memref_squeeze %dma_start3A_4 : memref<1x64xi32, #tpu.memory_space<vmem>> -> memref<64xi32, #tpu.memory_space<vmem>>
    %dma_start3A_6 = arith.constant 0 : i32
    %dma_start3A_7 = arith.constant 0 : i32
    %dma_start3A_8 = arith.constant 0 : i32
    %dma_start3A_9 = tpu.memref_slice %arg2[%dma_start3A_6, %dma_start3A_7, %dma_start3A_8] : memref<20480x4x128xi32, #tpu.memory_space<hbm>> -> memref<20480x4x128xi32, #tpu.memory_space<hbm>>
    tpu.enqueue_indirect_dma source(%dma_start3A_9 : memref<20480x4x128xi32, #tpu.memory_space<hbm>>) target(%arg6 : memref<64x4x128xi32, #tpu.memory_space<vmem>>) offsets(%dma_start3A_5 : memref<64xi32, #tpu.memory_space<vmem>>) semaphore(%arg7 : memref<!tpu.dma_semaphore, #tpu.memory_space<semaphore_mem>>)
    %dma_wait3A = arith.constant 0 : i32
    %dma_wait3A_10 = arith.constant 0 : i32
    %dma_wait3A_11 = tpu.memref_slice %arg5[%dma_wait3A, %dma_wait3A_10] : memref<8x64xi32, #tpu.memory_space<vmem>> -> memref<1x64xi32, #tpu.memory_space<vmem>>
    %dma_wait3A_12 = tpu.memref_squeeze %dma_wait3A_11 : memref<1x64xi32, #tpu.memory_space<vmem>> -> memref<64xi32, #tpu.memory_space<vmem>>
    %dma_wait3A_13 = arith.constant 0 : i32
    %dma_wait3A_14 = arith.constant 0 : i32
    %dma_wait3A_15 = arith.constant 0 : i32
    %dma_wait3A_16 = tpu.memref_slice %arg2[%dma_wait3A_13, %dma_wait3A_14, %dma_wait3A_15] : memref<20480x4x128xi32, #tpu.memory_space<hbm>> -> memref<20480x4x128xi32, #tpu.memory_space<hbm>>
    tpu.wait_indirect_dma semaphore(%arg7 : memref<!tpu.dma_semaphore, #tpu.memory_space<semaphore_mem>>) src(%dma_wait3A_16 : memref<20480x4x128xi32, #tpu.memory_space<hbm>>) dst(%arg6 : memref<64x4x128xi32, #tpu.memory_space<vmem>>)
    %add3A_17 = arith.constant 0 : i32
    %add3A_18 = arith.addi %add3A_17, %mul3A_2 : i32
    "tpu.region"() ({
      %run_scoped3A = tpu.sem_alloc : memref<!tpu.dma_semaphore, #tpu.memory_space<semaphore_mem>>
      %dma_start3A_145 = arith.constant 0 : i32
      %dma_start3A_146 = arith.constant 0 : i32
      %dma_start3A_147 = tpu.memref_slice %arg4[%add3A_18, %dma_start3A_145, %dma_start3A_146] : memref<16384x4x128xi32, #tpu.memory_space<hbm>> -> memref<64x4x128xi32, #tpu.memory_space<hbm>>
      %dma_start3A_148 = arith.constant 0 : i32
      %dma_start3A_149 = arith.constant 0 : i32
      %dma_start3A_150 = tpu.memref_slice %arg4[%add3A_18, %dma_start3A_148, %dma_start3A_149] : memref<16384x4x128xi32, #tpu.memory_space<hbm>> -> memref<64x4x128xi32, #tpu.memory_space<hbm>>
      tpu.enqueue_dma source(%arg6 : memref<64x4x128xi32, #tpu.memory_space<vmem>>) target(%dma_start3A_150 : memref<64x4x128xi32, #tpu.memory_space<hbm>>) target_semaphore(%run_scoped3A : memref<!tpu.dma_semaphore, #tpu.memory_space<semaphore_mem>>)
      %dma_wait3A_151 = arith.constant 0 : i32
      %dma_wait3A_152 = arith.constant 0 : i32
      %dma_wait3A_153 = tpu.memref_slice %arg4[%add3A_18, %dma_wait3A_151, %dma_wait3A_152] : memref<16384x4x128xi32, #tpu.memory_space<hbm>> -> memref<64x4x128xi32, #tpu.memory_space<hbm>>
      %dma_wait3A_154 = arith.constant 0 : i32
      %dma_wait3A_155 = arith.constant 0 : i32
      %dma_wait3A_156 = tpu.memref_slice %arg4[%add3A_18, %dma_wait3A_154, %dma_wait3A_155] : memref<16384x4x128xi32, #tpu.memory_space<hbm>> -> memref<64x4x128xi32, #tpu.memory_space<hbm>>
      tpu.wait_dma2 semaphore(%run_scoped3A : memref<!tpu.dma_semaphore, #tpu.memory_space<semaphore_mem>>) src(%arg6 : memref<64x4x128xi32, #tpu.memory_space<vmem>>) dst(%dma_wait3A_156 : memref<64x4x128xi32, #tpu.memory_space<hbm>>)
      tpu.yield
    }) : () -> ()
    %dma_start3A_19 = arith.constant 1 : i32
    %dma_start3A_20 = arith.constant 0 : i32
    %dma_start3A_21 = tpu.memref_slice %arg5[%dma_start3A_19, %dma_start3A_20] : memref<8x64xi32, #tpu.memory_space<vmem>> -> memref<1x64xi32, #tpu.memory_space<vmem>>
    %dma_start3A_22 = tpu.memref_squeeze %dma_start3A_21 : memref<1x64xi32, #tpu.memory_space<vmem>> -> memref<64xi32, #tpu.memory_space<vmem>>
    %dma_start3A_23 = arith.constant 0 : i32
    %dma_start3A_24 = arith.constant 0 : i32
    %dma_start3A_25 = arith.constant 0 : i32
    %dma_start3A_26 = tpu.memref_slice %arg2[%dma_start3A_23, %dma_start3A_24, %dma_start3A_25] : memref<20480x4x128xi32, #tpu.memory_space<hbm>> -> memref<20480x4x128xi32, #tpu.memory_space<hbm>>
    tpu.enqueue_indirect_dma source(%dma_start3A_26 : memref<20480x4x128xi32, #tpu.memory_space<hbm>>) target(%arg6 : memref<64x4x128xi32, #tpu.memory_space<vmem>>) offsets(%dma_start3A_22 : memref<64xi32, #tpu.memory_space<vmem>>) semaphore(%arg7 : memref<!tpu.dma_semaphore, #tpu.memory_space<semaphore_mem>>)
    %dma_wait3A_27 = arith.constant 1 : i32
    %dma_wait3A_28 = arith.constant 0 : i32
    %dma_wait3A_29 = tpu.memref_slice %arg5[%dma_wait3A_27, %dma_wait3A_28] : memref<8x64xi32, #tpu.memory_space<vmem>> -> memref<1x64xi32, #tpu.memory_space<vmem>>
    %dma_wait3A_30 = tpu.memref_squeeze %dma_wait3A_29 : memref<1x64xi32, #tpu.memory_space<vmem>> -> memref<64xi32, #tpu.memory_space<vmem>>
    %dma_wait3A_31 = arith.constant 0 : i32
    %dma_wait3A_32 = arith.constant 0 : i32
    %dma_wait3A_33 = arith.constant 0 : i32
    %dma_wait3A_34 = tpu.memref_slice %arg2[%dma_wait3A_31, %dma_wait3A_32, %dma_wait3A_33] : memref<20480x4x128xi32, #tpu.memory_space<hbm>> -> memref<20480x4x128xi32, #tpu.memory_space<hbm>>
    tpu.wait_indirect_dma semaphore(%arg7 : memref<!tpu.dma_semaphore, #tpu.memory_space<semaphore_mem>>) src(%dma_wait3A_34 : memref<20480x4x128xi32, #tpu.memory_space<hbm>>) dst(%arg6 : memref<64x4x128xi32, #tpu.memory_space<vmem>>)
    %add3A_35 = arith.constant 2048 : i32
    %add3A_36 = arith.addi %add3A_35, %mul3A_2 : i32
    "tpu.region"() ({
      %run_scoped3A = tpu.sem_alloc : memref<!tpu.dma_semaphore, #tpu.memory_space<semaphore_mem>>
      %dma_start3A_145 = arith.constant 0 : i32
      %dma_start3A_146 = arith.constant 0 : i32
      %dma_start3A_147 = tpu.memref_slice %arg4[%add3A_36, %dma_start3A_145, %dma_start3A_146] : memref<16384x4x128xi32, #tpu.memory_space<hbm>> -> memref<64x4x128xi32, #tpu.memory_space<hbm>>
      %dma_start3A_148 = arith.constant 0 : i32
      %dma_start3A_149 = arith.constant 0 : i32
      %dma_start3A_150 = tpu.memref_slice %arg4[%add3A_36, %dma_start3A_148, %dma_start3A_149] : memref<16384x4x128xi32, #tpu.memory_space<hbm>> -> memref<64x4x128xi32, #tpu.memory_space<hbm>>
      tpu.enqueue_dma source(%arg6 : memref<64x4x128xi32, #tpu.memory_space<vmem>>) target(%dma_start3A_150 : memref<64x4x128xi32, #tpu.memory_space<hbm>>) target_semaphore(%run_scoped3A : memref<!tpu.dma_semaphore, #tpu.memory_space<semaphore_mem>>)
      %dma_wait3A_151 = arith.constant 0 : i32
      %dma_wait3A_152 = arith.constant 0 : i32
      %dma_wait3A_153 = tpu.memref_slice %arg4[%add3A_36, %dma_wait3A_151, %dma_wait3A_152] : memref<16384x4x128xi32, #tpu.memory_space<hbm>> -> memref<64x4x128xi32, #tpu.memory_space<hbm>>
      %dma_wait3A_154 = arith.constant 0 : i32
      %dma_wait3A_155 = arith.constant 0 : i32
      %dma_wait3A_156 = tpu.memref_slice %arg4[%add3A_36, %dma_wait3A_154, %dma_wait3A_155] : memref<16384x4x128xi32, #tpu.memory_space<hbm>> -> memref<64x4x128xi32, #tpu.memory_space<hbm>>
      tpu.wait_dma2 semaphore(%run_scoped3A : memref<!tpu.dma_semaphore, #tpu.memory_space<semaphore_mem>>) src(%arg6 : memref<64x4x128xi32, #tpu.memory_space<vmem>>) dst(%dma_wait3A_156 : memref<64x4x128xi32, #tpu.memory_space<hbm>>)
      tpu.yield
    }) : () -> ()
    %dma_start3A_37 = arith.constant 2 : i32
    %dma_start3A_38 = arith.constant 0 : i32
    %dma_start3A_39 = tpu.memref_slice %arg5[%dma_start3A_37, %dma_start3A_38] : memref<8x64xi32, #tpu.memory_space<vmem>> -> memref<1x64xi32, #tpu.memory_space<vmem>>
    %dma_start3A_40 = tpu.memref_squeeze %dma_start3A_39 : memref<1x64xi32, #tpu.memory_space<vmem>> -> memref<64xi32, #tpu.memory_space<vmem>>
    %dma_start3A_41 = arith.constant 0 : i32
    %dma_start3A_42 = arith.constant 0 : i32
    %dma_start3A_43 = arith.constant 0 : i32
    %dma_start3A_44 = tpu.memref_slice %arg2[%dma_start3A_41, %dma_start3A_42, %dma_start3A_43] : memref<20480x4x128xi32, #tpu.memory_space<hbm>> -> memref<20480x4x128xi32, #tpu.memory_space<hbm>>
    tpu.enqueue_indirect_dma source(%dma_start3A_44 : memref<20480x4x128xi32, #tpu.memory_space<hbm>>) target(%arg6 : memref<64x4x128xi32, #tpu.memory_space<vmem>>) offsets(%dma_start3A_40 : memref<64xi32, #tpu.memory_space<vmem>>) semaphore(%arg7 : memref<!tpu.dma_semaphore, #tpu.memory_space<semaphore_mem>>)
    %dma_wait3A_45 = arith.constant 2 : i32
    %dma_wait3A_46 = arith.constant 0 : i32
    %dma_wait3A_47 = tpu.memref_slice %arg5[%dma_wait3A_45, %dma_wait3A_46] : memref<8x64xi32, #tpu.memory_space<vmem>> -> memref<1x64xi32, #tpu.memory_space<vmem>>
    %dma_wait3A_48 = tpu.memref_squeeze %dma_wait3A_47 : memref<1x64xi32, #tpu.memory_space<vmem>> -> memref<64xi32, #tpu.memory_space<vmem>>
    %dma_wait3A_49 = arith.constant 0 : i32
    %dma_wait3A_50 = arith.constant 0 : i32
    %dma_wait3A_51 = arith.constant 0 : i32
    %dma_wait3A_52 = tpu.memref_slice %arg2[%dma_wait3A_49, %dma_wait3A_50, %dma_wait3A_51] : memref<20480x4x128xi32, #tpu.memory_space<hbm>> -> memref<20480x4x128xi32, #tpu.memory_space<hbm>>
    tpu.wait_indirect_dma semaphore(%arg7 : memref<!tpu.dma_semaphore, #tpu.memory_space<semaphore_mem>>) src(%dma_wait3A_52 : memref<20480x4x128xi32, #tpu.memory_space<hbm>>) dst(%arg6 : memref<64x4x128xi32, #tpu.memory_space<vmem>>)
    %add3A_53 = arith.constant 4096 : i32
    %add3A_54 = arith.addi %add3A_53, %mul3A_2 : i32
    "tpu.region"() ({
      %run_scoped3A = tpu.sem_alloc : memref<!tpu.dma_semaphore, #tpu.memory_space<semaphore_mem>>
      %dma_start3A_145 = arith.constant 0 : i32
      %dma_start3A_146 = arith.constant 0 : i32
      %dma_start3A_147 = tpu.memref_slice %arg4[%add3A_54, %dma_start3A_145, %dma_start3A_146] : memref<16384x4x128xi32, #tpu.memory_space<hbm>> -> memref<64x4x128xi32, #tpu.memory_space<hbm>>
      %dma_start3A_148 = arith.constant 0 : i32
      %dma_start3A_149 = arith.constant 0 : i32
      %dma_start3A_150 = tpu.memref_slice %arg4[%add3A_54, %dma_start3A_148, %dma_start3A_149] : memref<16384x4x128xi32, #tpu.memory_space<hbm>> -> memref<64x4x128xi32, #tpu.memory_space<hbm>>
      tpu.enqueue_dma source(%arg6 : memref<64x4x128xi32, #tpu.memory_space<vmem>>) target(%dma_start3A_150 : memref<64x4x128xi32, #tpu.memory_space<hbm>>) target_semaphore(%run_scoped3A : memref<!tpu.dma_semaphore, #tpu.memory_space<semaphore_mem>>)
      %dma_wait3A_151 = arith.constant 0 : i32
      %dma_wait3A_152 = arith.constant 0 : i32
      %dma_wait3A_153 = tpu.memref_slice %arg4[%add3A_54, %dma_wait3A_151, %dma_wait3A_152] : memref<16384x4x128xi32, #tpu.memory_space<hbm>> -> memref<64x4x128xi32, #tpu.memory_space<hbm>>
      %dma_wait3A_154 = arith.constant 0 : i32
      %dma_wait3A_155 = arith.constant 0 : i32
      %dma_wait3A_156 = tpu.memref_slice %arg4[%add3A_54, %dma_wait3A_154, %dma_wait3A_155] : memref<16384x4x128xi32, #tpu.memory_space<hbm>> -> memref<64x4x128xi32, #tpu.memory_space<hbm>>
      tpu.wait_dma2 semaphore(%run_scoped3A : memref<!tpu.dma_semaphore, #tpu.memory_space<semaphore_mem>>) src(%arg6 : memref<64x4x128xi32, #tpu.memory_space<vmem>>) dst(%dma_wait3A_156 : memref<64x4x128xi32, #tpu.memory_space<hbm>>)
      tpu.yield
    }) : () -> ()
    %dma_start3A_55 = arith.constant 3 : i32
    %dma_start3A_56 = arith.constant 0 : i32
    %dma_start3A_57 = tpu.memref_slice %arg5[%dma_start3A_55, %dma_start3A_56] : memref<8x64xi32, #tpu.memory_space<vmem>> -> memref<1x64xi32, #tpu.memory_space<vmem>>
    %dma_start3A_58 = tpu.memref_squeeze %dma_start3A_57 : memref<1x64xi32, #tpu.memory_space<vmem>> -> memref<64xi32, #tpu.memory_space<vmem>>
    %dma_start3A_59 = arith.constant 0 : i32
    %dma_start3A_60 = arith.constant 0 : i32
    %dma_start3A_61 = arith.constant 0 : i32
    %dma_start3A_62 = tpu.memref_slice %arg2[%dma_start3A_59, %dma_start3A_60, %dma_start3A_61] : memref<20480x4x128xi32, #tpu.memory_space<hbm>> -> memref<20480x4x128xi32, #tpu.memory_space<hbm>>
    tpu.enqueue_indirect_dma source(%dma_start3A_62 : memref<20480x4x128xi32, #tpu.memory_space<hbm>>) target(%arg6 : memref<64x4x128xi32, #tpu.memory_space<vmem>>) offsets(%dma_start3A_58 : memref<64xi32, #tpu.memory_space<vmem>>) semaphore(%arg7 : memref<!tpu.dma_semaphore, #tpu.memory_space<semaphore_mem>>)
    %dma_wait3A_63 = arith.constant 3 : i32
    %dma_wait3A_64 = arith.constant 0 : i32
    %dma_wait3A_65 = tpu.memref_slice %arg5[%dma_wait3A_63, %dma_wait3A_64] : memref<8x64xi32, #tpu.memory_space<vmem>> -> memref<1x64xi32, #tpu.memory_space<vmem>>
    %dma_wait3A_66 = tpu.memref_squeeze %dma_wait3A_65 : memref<1x64xi32, #tpu.memory_space<vmem>> -> memref<64xi32, #tpu.memory_space<vmem>>
    %dma_wait3A_67 = arith.constant 0 : i32
    %dma_wait3A_68 = arith.constant 0 : i32
    %dma_wait3A_69 = arith.constant 0 : i32
    %dma_wait3A_70 = tpu.memref_slice %arg2[%dma_wait3A_67, %dma_wait3A_68, %dma_wait3A_69] : memref<20480x4x128xi32, #tpu.memory_space<hbm>> -> memref<20480x4x128xi32, #tpu.memory_space<hbm>>
    tpu.wait_indirect_dma semaphore(%arg7 : memref<!tpu.dma_semaphore, #tpu.memory_space<semaphore_mem>>) src(%dma_wait3A_70 : memref<20480x4x128xi32, #tpu.memory_space<hbm>>) dst(%arg6 : memref<64x4x128xi32, #tpu.memory_space<vmem>>)
    %add3A_71 = arith.constant 6144 : i32
    %add3A_72 = arith.addi %add3A_71, %mul3A_2 : i32
    "tpu.region"() ({
      %run_scoped3A = tpu.sem_alloc : memref<!tpu.dma_semaphore, #tpu.memory_space<semaphore_mem>>
      %dma_start3A_145 = arith.constant 0 : i32
      %dma_start3A_146 = arith.constant 0 : i32
      %dma_start3A_147 = tpu.memref_slice %arg4[%add3A_72, %dma_start3A_145, %dma_start3A_146] : memref<16384x4x128xi32, #tpu.memory_space<hbm>> -> memref<64x4x128xi32, #tpu.memory_space<hbm>>
      %dma_start3A_148 = arith.constant 0 : i32
      %dma_start3A_149 = arith.constant 0 : i32
      %dma_start3A_150 = tpu.memref_slice %arg4[%add3A_72, %dma_start3A_148, %dma_start3A_149] : memref<16384x4x128xi32, #tpu.memory_space<hbm>> -> memref<64x4x128xi32, #tpu.memory_space<hbm>>
      tpu.enqueue_dma source(%arg6 : memref<64x4x128xi32, #tpu.memory_space<vmem>>) target(%dma_start3A_150 : memref<64x4x128xi32, #tpu.memory_space<hbm>>) target_semaphore(%run_scoped3A : memref<!tpu.dma_semaphore, #tpu.memory_space<semaphore_mem>>)
      %dma_wait3A_151 = arith.constant 0 : i32
      %dma_wait3A_152 = arith.constant 0 : i32
      %dma_wait3A_153 = tpu.memref_slice %arg4[%add3A_72, %dma_wait3A_151, %dma_wait3A_152] : memref<16384x4x128xi32, #tpu.memory_space<hbm>> -> memref<64x4x128xi32, #tpu.memory_space<hbm>>
      %dma_wait3A_154 = arith.constant 0 : i32
      %dma_wait3A_155 = arith.constant 0 : i32
      %dma_wait3A_156 = tpu.memref_slice %arg4[%add3A_72, %dma_wait3A_154, %dma_wait3A_155] : memref<16384x4x128xi32, #tpu.memory_space<hbm>> -> memref<64x4x128xi32, #tpu.memory_space<hbm>>
      tpu.wait_dma2 semaphore(%run_scoped3A : memref<!tpu.dma_semaphore, #tpu.memory_space<semaphore_mem>>) src(%arg6 : memref<64x4x128xi32, #tpu.memory_space<vmem>>) dst(%dma_wait3A_156 : memref<64x4x128xi32, #tpu.memory_space<hbm>>)
      tpu.yield
    }) : () -> ()
    %dma_start3A_73 = arith.constant 4 : i32
    %dma_start3A_74 = arith.constant 0 : i32
    %dma_start3A_75 = tpu.memref_slice %arg5[%dma_start3A_73, %dma_start3A_74] : memref<8x64xi32, #tpu.memory_space<vmem>> -> memref<1x64xi32, #tpu.memory_space<vmem>>
    %dma_start3A_76 = tpu.memref_squeeze %dma_start3A_75 : memref<1x64xi32, #tpu.memory_space<vmem>> -> memref<64xi32, #tpu.memory_space<vmem>>
    %dma_start3A_77 = arith.constant 0 : i32
    %dma_start3A_78 = arith.constant 0 : i32
    %dma_start3A_79 = arith.constant 0 : i32
    %dma_start3A_80 = tpu.memref_slice %arg2[%dma_start3A_77, %dma_start3A_78, %dma_start3A_79] : memref<20480x4x128xi32, #tpu.memory_space<hbm>> -> memref<20480x4x128xi32, #tpu.memory_space<hbm>>
    tpu.enqueue_indirect_dma source(%dma_start3A_80 : memref<20480x4x128xi32, #tpu.memory_space<hbm>>) target(%arg6 : memref<64x4x128xi32, #tpu.memory_space<vmem>>) offsets(%dma_start3A_76 : memref<64xi32, #tpu.memory_space<vmem>>) semaphore(%arg7 : memref<!tpu.dma_semaphore, #tpu.memory_space<semaphore_mem>>)
    %dma_wait3A_81 = arith.constant 4 : i32
    %dma_wait3A_82 = arith.constant 0 : i32
    %dma_wait3A_83 = tpu.memref_slice %arg5[%dma_wait3A_81, %dma_wait3A_82] : memref<8x64xi32, #tpu.memory_space<vmem>> -> memref<1x64xi32, #tpu.memory_space<vmem>>
    %dma_wait3A_84 = tpu.memref_squeeze %dma_wait3A_83 : memref<1x64xi32, #tpu.memory_space<vmem>> -> memref<64xi32, #tpu.memory_space<vmem>>
    %dma_wait3A_85 = arith.constant 0 : i32
    %dma_wait3A_86 = arith.constant 0 : i32
    %dma_wait3A_87 = arith.constant 0 : i32
    %dma_wait3A_88 = tpu.memref_slice %arg2[%dma_wait3A_85, %dma_wait3A_86, %dma_wait3A_87] : memref<20480x4x128xi32, #tpu.memory_space<hbm>> -> memref<20480x4x128xi32, #tpu.memory_space<hbm>>
    tpu.wait_indirect_dma semaphore(%arg7 : memref<!tpu.dma_semaphore, #tpu.memory_space<semaphore_mem>>) src(%dma_wait3A_88 : memref<20480x4x128xi32, #tpu.memory_space<hbm>>) dst(%arg6 : memref<64x4x128xi32, #tpu.memory_space<vmem>>)
    %add3A_89 = arith.constant 8192 : i32
    %add3A_90 = arith.addi %add3A_89, %mul3A_2 : i32
    "tpu.region"() ({
      %run_scoped3A = tpu.sem_alloc : memref<!tpu.dma_semaphore, #tpu.memory_space<semaphore_mem>>
      %dma_start3A_145 = arith.constant 0 : i32
      %dma_start3A_146 = arith.constant 0 : i32
      %dma_start3A_147 = tpu.memref_slice %arg4[%add3A_90, %dma_start3A_145, %dma_start3A_146] : memref<16384x4x128xi32, #tpu.memory_space<hbm>> -> memref<64x4x128xi32, #tpu.memory_space<hbm>>
      %dma_start3A_148 = arith.constant 0 : i32
      %dma_start3A_149 = arith.constant 0 : i32
      %dma_start3A_150 = tpu.memref_slice %arg4[%add3A_90, %dma_start3A_148, %dma_start3A_149] : memref<16384x4x128xi32, #tpu.memory_space<hbm>> -> memref<64x4x128xi32, #tpu.memory_space<hbm>>
      tpu.enqueue_dma source(%arg6 : memref<64x4x128xi32, #tpu.memory_space<vmem>>) target(%dma_start3A_150 : memref<64x4x128xi32, #tpu.memory_space<hbm>>) target_semaphore(%run_scoped3A : memref<!tpu.dma_semaphore, #tpu.memory_space<semaphore_mem>>)
      %dma_wait3A_151 = arith.constant 0 : i32
      %dma_wait3A_152 = arith.constant 0 : i32
      %dma_wait3A_153 = tpu.memref_slice %arg4[%add3A_90, %dma_wait3A_151, %dma_wait3A_152] : memref<16384x4x128xi32, #tpu.memory_space<hbm>> -> memref<64x4x128xi32, #tpu.memory_space<hbm>>
      %dma_wait3A_154 = arith.constant 0 : i32
      %dma_wait3A_155 = arith.constant 0 : i32
      %dma_wait3A_156 = tpu.memref_slice %arg4[%add3A_90, %dma_wait3A_154, %dma_wait3A_155] : memref<16384x4x128xi32, #tpu.memory_space<hbm>> -> memref<64x4x128xi32, #tpu.memory_space<hbm>>
      tpu.wait_dma2 semaphore(%run_scoped3A : memref<!tpu.dma_semaphore, #tpu.memory_space<semaphore_mem>>) src(%arg6 : memref<64x4x128xi32, #tpu.memory_space<vmem>>) dst(%dma_wait3A_156 : memref<64x4x128xi32, #tpu.memory_space<hbm>>)
      tpu.yield
    }) : () -> ()
    %dma_start3A_91 = arith.constant 5 : i32
    %dma_start3A_92 = arith.constant 0 : i32
    %dma_start3A_93 = tpu.memref_slice %arg5[%dma_start3A_91, %dma_start3A_92] : memref<8x64xi32, #tpu.memory_space<vmem>> -> memref<1x64xi32, #tpu.memory_space<vmem>>
    %dma_start3A_94 = tpu.memref_squeeze %dma_start3A_93 : memref<1x64xi32, #tpu.memory_space<vmem>> -> memref<64xi32, #tpu.memory_space<vmem>>
    %dma_start3A_95 = arith.constant 0 : i32
    %dma_start3A_96 = arith.constant 0 : i32
    %dma_start3A_97 = arith.constant 0 : i32
    %dma_start3A_98 = tpu.memref_slice %arg2[%dma_start3A_95, %dma_start3A_96, %dma_start3A_97] : memref<20480x4x128xi32, #tpu.memory_space<hbm>> -> memref<20480x4x128xi32, #tpu.memory_space<hbm>>
    tpu.enqueue_indirect_dma source(%dma_start3A_98 : memref<20480x4x128xi32, #tpu.memory_space<hbm>>) target(%arg6 : memref<64x4x128xi32, #tpu.memory_space<vmem>>) offsets(%dma_start3A_94 : memref<64xi32, #tpu.memory_space<vmem>>) semaphore(%arg7 : memref<!tpu.dma_semaphore, #tpu.memory_space<semaphore_mem>>)
    %dma_wait3A_99 = arith.constant 5 : i32
    %dma_wait3A_100 = arith.constant 0 : i32
    %dma_wait3A_101 = tpu.memref_slice %arg5[%dma_wait3A_99, %dma_wait3A_100] : memref<8x64xi32, #tpu.memory_space<vmem>> -> memref<1x64xi32, #tpu.memory_space<vmem>>
    %dma_wait3A_102 = tpu.memref_squeeze %dma_wait3A_101 : memref<1x64xi32, #tpu.memory_space<vmem>> -> memref<64xi32, #tpu.memory_space<vmem>>
    %dma_wait3A_103 = arith.constant 0 : i32
    %dma_wait3A_104 = arith.constant 0 : i32
    %dma_wait3A_105 = arith.constant 0 : i32
    %dma_wait3A_106 = tpu.memref_slice %arg2[%dma_wait3A_103, %dma_wait3A_104, %dma_wait3A_105] : memref<20480x4x128xi32, #tpu.memory_space<hbm>> -> memref<20480x4x128xi32, #tpu.memory_space<hbm>>
    tpu.wait_indirect_dma semaphore(%arg7 : memref<!tpu.dma_semaphore, #tpu.memory_space<semaphore_mem>>) src(%dma_wait3A_106 : memref<20480x4x128xi32, #tpu.memory_space<hbm>>) dst(%arg6 : memref<64x4x128xi32, #tpu.memory_space<vmem>>)
    %add3A_107 = arith.constant 10240 : i32
    %add3A_108 = arith.addi %add3A_107, %mul3A_2 : i32
    "tpu.region"() ({
      %run_scoped3A = tpu.sem_alloc : memref<!tpu.dma_semaphore, #tpu.memory_space<semaphore_mem>>
      %dma_start3A_145 = arith.constant 0 : i32
      %dma_start3A_146 = arith.constant 0 : i32
      %dma_start3A_147 = tpu.memref_slice %arg4[%add3A_108, %dma_start3A_145, %dma_start3A_146] : memref<16384x4x128xi32, #tpu.memory_space<hbm>> -> memref<64x4x128xi32, #tpu.memory_space<hbm>>
      %dma_start3A_148 = arith.constant 0 : i32
      %dma_start3A_149 = arith.constant 0 : i32
      %dma_start3A_150 = tpu.memref_slice %arg4[%add3A_108, %dma_start3A_148, %dma_start3A_149] : memref<16384x4x128xi32, #tpu.memory_space<hbm>> -> memref<64x4x128xi32, #tpu.memory_space<hbm>>
      tpu.enqueue_dma source(%arg6 : memref<64x4x128xi32, #tpu.memory_space<vmem>>) target(%dma_start3A_150 : memref<64x4x128xi32, #tpu.memory_space<hbm>>) target_semaphore(%run_scoped3A : memref<!tpu.dma_semaphore, #tpu.memory_space<semaphore_mem>>)
      %dma_wait3A_151 = arith.constant 0 : i32
      %dma_wait3A_152 = arith.constant 0 : i32
      %dma_wait3A_153 = tpu.memref_slice %arg4[%add3A_108, %dma_wait3A_151, %dma_wait3A_152] : memref<16384x4x128xi32, #tpu.memory_space<hbm>> -> memref<64x4x128xi32, #tpu.memory_space<hbm>>
      %dma_wait3A_154 = arith.constant 0 : i32
      %dma_wait3A_155 = arith.constant 0 : i32
      %dma_wait3A_156 = tpu.memref_slice %arg4[%add3A_108, %dma_wait3A_154, %dma_wait3A_155] : memref<16384x4x128xi32, #tpu.memory_space<hbm>> -> memref<64x4x128xi32, #tpu.memory_space<hbm>>
      tpu.wait_dma2 semaphore(%run_scoped3A : memref<!tpu.dma_semaphore, #tpu.memory_space<semaphore_mem>>) src(%arg6 : memref<64x4x128xi32, #tpu.memory_space<vmem>>) dst(%dma_wait3A_156 : memref<64x4x128xi32, #tpu.memory_space<hbm>>)
      tpu.yield
    }) : () -> ()
    %dma_start3A_109 = arith.constant 6 : i32
    %dma_start3A_110 = arith.constant 0 : i32
    %dma_start3A_111 = tpu.memref_slice %arg5[%dma_start3A_109, %dma_start3A_110] : memref<8x64xi32, #tpu.memory_space<vmem>> -> memref<1x64xi32, #tpu.memory_space<vmem>>
    %dma_start3A_112 = tpu.memref_squeeze %dma_start3A_111 : memref<1x64xi32, #tpu.memory_space<vmem>> -> memref<64xi32, #tpu.memory_space<vmem>>
    %dma_start3A_113 = arith.constant 0 : i32
    %dma_start3A_114 = arith.constant 0 : i32
    %dma_start3A_115 = arith.constant 0 : i32
    %dma_start3A_116 = tpu.memref_slice %arg2[%dma_start3A_113, %dma_start3A_114, %dma_start3A_115] : memref<20480x4x128xi32, #tpu.memory_space<hbm>> -> memref<20480x4x128xi32, #tpu.memory_space<hbm>>
    tpu.enqueue_indirect_dma source(%dma_start3A_116 : memref<20480x4x128xi32, #tpu.memory_space<hbm>>) target(%arg6 : memref<64x4x128xi32, #tpu.memory_space<vmem>>) offsets(%dma_start3A_112 : memref<64xi32, #tpu.memory_space<vmem>>) semaphore(%arg7 : memref<!tpu.dma_semaphore, #tpu.memory_space<semaphore_mem>>)
    %dma_wait3A_117 = arith.constant 6 : i32
    %dma_wait3A_118 = arith.constant 0 : i32
    %dma_wait3A_119 = tpu.memref_slice %arg5[%dma_wait3A_117, %dma_wait3A_118] : memref<8x64xi32, #tpu.memory_space<vmem>> -> memref<1x64xi32, #tpu.memory_space<vmem>>
    %dma_wait3A_120 = tpu.memref_squeeze %dma_wait3A_119 : memref<1x64xi32, #tpu.memory_space<vmem>> -> memref<64xi32, #tpu.memory_space<vmem>>
    %dma_wait3A_121 = arith.constant 0 : i32
    %dma_wait3A_122 = arith.constant 0 : i32
    %dma_wait3A_123 = arith.constant 0 : i32
    %dma_wait3A_124 = tpu.memref_slice %arg2[%dma_wait3A_121, %dma_wait3A_122, %dma_wait3A_123] : memref<20480x4x128xi32, #tpu.memory_space<hbm>> -> memref<20480x4x128xi32, #tpu.memory_space<hbm>>
    tpu.wait_indirect_dma semaphore(%arg7 : memref<!tpu.dma_semaphore, #tpu.memory_space<semaphore_mem>>) src(%dma_wait3A_124 : memref<20480x4x128xi32, #tpu.memory_space<hbm>>) dst(%arg6 : memref<64x4x128xi32, #tpu.memory_space<vmem>>)
    %add3A_125 = arith.constant 12288 : i32
    %add3A_126 = arith.addi %add3A_125, %mul3A_2 : i32
    "tpu.region"() ({
      %run_scoped3A = tpu.sem_alloc : memref<!tpu.dma_semaphore, #tpu.memory_space<semaphore_mem>>
      %dma_start3A_145 = arith.constant 0 : i32
      %dma_start3A_146 = arith.constant 0 : i32
      %dma_start3A_147 = tpu.memref_slice %arg4[%add3A_126, %dma_start3A_145, %dma_start3A_146] : memref<16384x4x128xi32, #tpu.memory_space<hbm>> -> memref<64x4x128xi32, #tpu.memory_space<hbm>>
      %dma_start3A_148 = arith.constant 0 : i32
      %dma_start3A_149 = arith.constant 0 : i32
      %dma_start3A_150 = tpu.memref_slice %arg4[%add3A_126, %dma_start3A_148, %dma_start3A_149] : memref<16384x4x128xi32, #tpu.memory_space<hbm>> -> memref<64x4x128xi32, #tpu.memory_space<hbm>>
      tpu.enqueue_dma source(%arg6 : memref<64x4x128xi32, #tpu.memory_space<vmem>>) target(%dma_start3A_150 : memref<64x4x128xi32, #tpu.memory_space<hbm>>) target_semaphore(%run_scoped3A : memref<!tpu.dma_semaphore, #tpu.memory_space<semaphore_mem>>)
      %dma_wait3A_151 = arith.constant 0 : i32
      %dma_wait3A_152 = arith.constant 0 : i32
      %dma_wait3A_153 = tpu.memref_slice %arg4[%add3A_126, %dma_wait3A_151, %dma_wait3A_152] : memref<16384x4x128xi32, #tpu.memory_space<hbm>> -> memref<64x4x128xi32, #tpu.memory_space<hbm>>
      %dma_wait3A_154 = arith.constant 0 : i32
      %dma_wait3A_155 = arith.constant 0 : i32
      %dma_wait3A_156 = tpu.memref_slice %arg4[%add3A_126, %dma_wait3A_154, %dma_wait3A_155] : memref<16384x4x128xi32, #tpu.memory_space<hbm>> -> memref<64x4x128xi32, #tpu.memory_space<hbm>>
      tpu.wait_dma2 semaphore(%run_scoped3A : memref<!tpu.dma_semaphore, #tpu.memory_space<semaphore_mem>>) src(%arg6 : memref<64x4x128xi32, #tpu.memory_space<vmem>>) dst(%dma_wait3A_156 : memref<64x4x128xi32, #tpu.memory_space<hbm>>)
      tpu.yield
    }) : () -> ()
    %dma_start3A_127 = arith.constant 7 : i32
    %dma_start3A_128 = arith.constant 0 : i32
    %dma_start3A_129 = tpu.memref_slice %arg5[%dma_start3A_127, %dma_start3A_128] : memref<8x64xi32, #tpu.memory_space<vmem>> -> memref<1x64xi32, #tpu.memory_space<vmem>>
    %dma_start3A_130 = tpu.memref_squeeze %dma_start3A_129 : memref<1x64xi32, #tpu.memory_space<vmem>> -> memref<64xi32, #tpu.memory_space<vmem>>
    %dma_start3A_131 = arith.constant 0 : i32
    %dma_start3A_132 = arith.constant 0 : i32
    %dma_start3A_133 = arith.constant 0 : i32
    %dma_start3A_134 = tpu.memref_slice %arg2[%dma_start3A_131, %dma_start3A_132, %dma_start3A_133] : memref<20480x4x128xi32, #tpu.memory_space<hbm>> -> memref<20480x4x128xi32, #tpu.memory_space<hbm>>
    tpu.enqueue_indirect_dma source(%dma_start3A_134 : memref<20480x4x128xi32, #tpu.memory_space<hbm>>) target(%arg6 : memref<64x4x128xi32, #tpu.memory_space<vmem>>) offsets(%dma_start3A_130 : memref<64xi32, #tpu.memory_space<vmem>>) semaphore(%arg7 : memref<!tpu.dma_semaphore, #tpu.memory_space<semaphore_mem>>)
    %dma_wait3A_135 = arith.constant 7 : i32
    %dma_wait3A_136 = arith.constant 0 : i32
    %dma_wait3A_137 = tpu.memref_slice %arg5[%dma_wait3A_135, %dma_wait3A_136] : memref<8x64xi32, #tpu.memory_space<vmem>> -> memref<1x64xi32, #tpu.memory_space<vmem>>
    %dma_wait3A_138 = tpu.memref_squeeze %dma_wait3A_137 : memref<1x64xi32, #tpu.memory_space<vmem>> -> memref<64xi32, #tpu.memory_space<vmem>>
    %dma_wait3A_139 = arith.constant 0 : i32
    %dma_wait3A_140 = arith.constant 0 : i32
    %dma_wait3A_141 = arith.constant 0 : i32
    %dma_wait3A_142 = tpu.memref_slice %arg2[%dma_wait3A_139, %dma_wait3A_140, %dma_wait3A_141] : memref<20480x4x128xi32, #tpu.memory_space<hbm>> -> memref<20480x4x128xi32, #tpu.memory_space<hbm>>
    tpu.wait_indirect_dma semaphore(%arg7 : memref<!tpu.dma_semaphore, #tpu.memory_space<semaphore_mem>>) src(%dma_wait3A_142 : memref<20480x4x128xi32, #tpu.memory_space<hbm>>) dst(%arg6 : memref<64x4x128xi32, #tpu.memory_space<vmem>>)
    %add3A_143 = arith.constant 14336 : i32
    %add3A_144 = arith.addi %add3A_143, %mul3A_2 : i32
    "tpu.region"() ({
      %run_scoped3A = tpu.sem_alloc : memref<!tpu.dma_semaphore, #tpu.memory_space<semaphore_mem>>
      %dma_start3A_145 = arith.constant 0 : i32
      %dma_start3A_146 = arith.constant 0 : i32
      %dma_start3A_147 = tpu.memref_slice %arg4[%add3A_144, %dma_start3A_145, %dma_start3A_146] : memref<16384x4x128xi32, #tpu.memory_space<hbm>> -> memref<64x4x128xi32, #tpu.memory_space<hbm>>
      %dma_start3A_148 = arith.constant 0 : i32
      %dma_start3A_149 = arith.constant 0 : i32
      %dma_start3A_150 = tpu.memref_slice %arg4[%add3A_144, %dma_start3A_148, %dma_start3A_149] : memref<16384x4x128xi32, #tpu.memory_space<hbm>> -> memref<64x4x128xi32, #tpu.memory_space<hbm>>
      tpu.enqueue_dma source(%arg6 : memref<64x4x128xi32, #tpu.memory_space<vmem>>) target(%dma_start3A_150 : memref<64x4x128xi32, #tpu.memory_space<hbm>>) target_semaphore(%run_scoped3A : memref<!tpu.dma_semaphore, #tpu.memory_space<semaphore_mem>>)
      %dma_wait3A_151 = arith.constant 0 : i32
      %dma_wait3A_152 = arith.constant 0 : i32
      %dma_wait3A_153 = tpu.memref_slice %arg4[%add3A_144, %dma_wait3A_151, %dma_wait3A_152] : memref<16384x4x128xi32, #tpu.memory_space<hbm>> -> memref<64x4x128xi32, #tpu.memory_space<hbm>>
      %dma_wait3A_154 = arith.constant 0 : i32
      %dma_wait3A_155 = arith.constant 0 : i32
      %dma_wait3A_156 = tpu.memref_slice %arg4[%add3A_144, %dma_wait3A_154, %dma_wait3A_155] : memref<16384x4x128xi32, #tpu.memory_space<hbm>> -> memref<64x4x128xi32, #tpu.memory_space<hbm>>
      tpu.wait_dma2 semaphore(%run_scoped3A : memref<!tpu.dma_semaphore, #tpu.memory_space<semaphore_mem>>) src(%arg6 : memref<64x4x128xi32, #tpu.memory_space<vmem>>) dst(%dma_wait3A_156 : memref<64x4x128xi32, #tpu.memory_space<hbm>>)
      tpu.yield
    }) : () -> ()
    return
  }
}

module attributes {stable_mosaic.version = 14 : i64} {
  func.func @_route_a_body(%arg0: i32, %arg1: memref<256x1024xf32, #tpu.memory_space<vmem>>, %arg2: memref<16x1024xf32, #tpu.memory_space<vmem>>, %arg3: memref<256x16xf32, #tpu.memory_space<vmem>>, %arg4: memref<256x16xf32, #tpu.memory_space<vmem>>, %arg5: memref<1x16xi32, #tpu.memory_space<vmem>>, %arg6: memref<1x16xi32, #tpu.memory_space<vmem>>, %arg7: memref<1x16xf32, #tpu.memory_space<vmem>>) attributes {dimension_semantics = [#tpu.dimension_semantics<arbitrary>], iteration_bounds = array<i64: 8>, scalar_prefetch = 0 : i64, scratch_operands = 1 : i64, tpu.core_type = #tpu.core_type<tc>, window_params = [{transform_indices = @transform_0, window_bounds = array<i64: 256, 1024>}, {pipeline_mode = #tpu.pipeline_mode<synchronous>, transform_indices = @transform_1, window_bounds = array<i64: 16, 1024>}, {transform_indices = @transform_2, window_bounds = array<i64: 256, 16>}, {transform_indices = @transform_3, window_bounds = array<i64: 256, 16>}, {pipeline_mode = #tpu.pipeline_mode<synchronous>, transform_indices = @transform_4, window_bounds = array<i64: 1, 16>}, {pipeline_mode = #tpu.pipeline_mode<synchronous>, transform_indices = @transform_5, window_bounds = array<i64: 1, 16>}]} {
    %eq3A = arith.constant 0 : i32
    %eq3A_0 = arith.cmpi eq, %arg0, %eq3A : i32
    %convert_element_type3A = arith.extui %eq3A_0 : i1 to i32
    %cond3A = arith.constant 0 : i32
    %cond3A_1 = arith.cmpi ne, %convert_element_type3A, %cond3A : i32
    scf.if %cond3A_1 {
      %broadcast_in_dim3A_201 = arith.constant 0.000000e+00 : f32
      %broadcast_in_dim3A_202 = vector.broadcast %broadcast_in_dim3A_201 : f32 to vector<1x16xf32>
      %swap3A_203 = arith.constant 0 : index
      %swap3A_204 = arith.constant 0 : index
      %swap3A_205 = vector.load %arg7[%swap3A_203, %swap3A_204] : memref<1x16xf32, #tpu.memory_space<vmem>>, vector<1x16xf32>
      tpu.vector_store %arg7[%swap3A_203, %swap3A_204], %broadcast_in_dim3A_202 {strides = array<i32>} : memref<1x16xf32, #tpu.memory_space<vmem>>, vector<1x16xf32>,
    } else {
    }
    %get3A = arith.constant 0 : index
    %get3A_2 = arith.constant 0 : index
    %get3A_3 = vector.load %arg1[%get3A, %get3A_2] : memref<256x1024xf32, #tpu.memory_space<vmem>>, vector<256x1024xf32>
    %get3A_4 = arith.constant 0 : index
    %get3A_5 = arith.constant 0 : index
    %get3A_6 = vector.load %arg2[%get3A_4, %get3A_5] : memref<16x1024xf32, #tpu.memory_space<vmem>>, vector<16x1024xf32>
    %dot_general3A = arith.constant dense<0.000000e+00> : vector<256x16xf32>
    %dot_general3A_7 = tpu.matmul %get3A_3, %get3A_6, %dot_general3A {dimension_numbers = #tpu.dot_dimension_numbers<[1], [1], [0], [0], [0, 0, 1, 0], [], []>, transpose_lhs_hint = false} : vector<256x1024xf32>, vector<16x1024xf32>, vector<256x16xf32> -> vector<256x16xf32>
    %reduce_max3A = arith.constant dense<0xFF800000> : vector<256xf32>
    %reduce_max3A_8 = vector.multi_reduction <maximumf>, %dot_general3A_7, %reduce_max3A [1] : vector<256x16xf32> to vector<256xf32>
    %broadcast_in_dim3A = vector.shape_cast %reduce_max3A_8 : vector<256xf32> to vector<256x1xf32>
    %sub3A = vector.broadcast %broadcast_in_dim3A : vector<256x1xf32> to vector<256x16xf32>
    %sub3A_9 = arith.subf %dot_general3A_7, %sub3A : vector<256x16xf32>
    %exp3A = math.exp %sub3A_9 : vector<256x16xf32>
    %reduce_sum3A = arith.constant dense<0.000000e+00> : vector<256xf32>
    %reduce_sum3A_10 = vector.multi_reduction <add>, %exp3A, %reduce_sum3A [1] : vector<256x16xf32> to vector<256xf32>
    %broadcast_in_dim3A_11 = vector.shape_cast %reduce_sum3A_10 : vector<256xf32> to vector<256x1xf32>
    %div3A = vector.broadcast %broadcast_in_dim3A_11 : vector<256x1xf32> to vector<256x16xf32>
    %div3A_12 = arith.divf %exp3A, %div3A : vector<256x16xf32>
    %iota3A = tpu.iota {dimensions = array<i32: 1>} : vector<256x16xi32>
    %broadcast_in_dim3A_13 = arith.constant false
    %broadcast_in_dim3A_14 = vector.broadcast %broadcast_in_dim3A_13 : i1 to vector<256x16xi1>
    %reduce_max3A_15 = arith.constant dense<0xFF800000> : vector<256xf32>
    %reduce_max3A_16 = vector.multi_reduction <maximumf>, %div3A_12, %reduce_max3A_15 [1] : vector<256x16xf32> to vector<256xf32>
    %broadcast_in_dim3A_17 = vector.shape_cast %reduce_max3A_16 : vector<256xf32> to vector<256x1xf32>
    %eq3A_18 = vector.broadcast %broadcast_in_dim3A_17 : vector<256x1xf32> to vector<256x16xf32>
    %eq3A_19 = arith.cmpf oeq, %div3A_12, %eq3A_18 : vector<256x16xf32>
    %jit3A = arith.constant 16 : i32
    %broadcast_in_dim3A_20 = vector.broadcast %jit3A : i32 to vector<256x16xi32>
    %select_n3A = arith.select %eq3A_19, %iota3A, %broadcast_in_dim3A_20 : vector<256x16xi1>, vector<256x16xi32>
    %reduce_min3A = arith.constant dense<2147483647> : vector<256xi32>
    %reduce_min3A_21 = vector.multi_reduction <minsi>, %select_n3A, %reduce_min3A [1] : vector<256x16xi32> to vector<256xi32>
    %broadcast_in_dim3A_22 = vector.shape_cast %reduce_min3A_21 : vector<256xi32> to vector<256x1xi32>
    %eq3A_23 = vector.broadcast %broadcast_in_dim3A_22 : vector<256x1xi32> to vector<256x16xi32>
    %eq3A_24 = arith.cmpi eq, %iota3A, %eq3A_23 : vector<256x16xi32>
    %or3A = arith.ori %broadcast_in_dim3A_14, %eq3A_24 : vector<256x16xi1>
    %jit3A_25 = arith.constant -1.000000e+00 : f32
    %broadcast_in_dim3A_26 = vector.broadcast %jit3A_25 : f32 to vector<256x16xf32>
    %select_n3A_27 = arith.select %eq3A_24, %broadcast_in_dim3A_26, %div3A_12 : vector<256x16xi1>, vector<256x16xf32>
    %reduce_max3A_28 = arith.constant dense<0xFF800000> : vector<256xf32>
    %reduce_max3A_29 = vector.multi_reduction <maximumf>, %select_n3A_27, %reduce_max3A_28 [1] : vector<256x16xf32> to vector<256xf32>
    %broadcast_in_dim3A_30 = vector.shape_cast %reduce_max3A_29 : vector<256xf32> to vector<256x1xf32>
    %eq3A_31 = vector.broadcast %broadcast_in_dim3A_30 : vector<256x1xf32> to vector<256x16xf32>
    %eq3A_32 = arith.cmpf oeq, %select_n3A_27, %eq3A_31 : vector<256x16xf32>
    %jit3A_33 = arith.constant 16 : i32
    %broadcast_in_dim3A_34 = vector.broadcast %jit3A_33 : i32 to vector<256x16xi32>
    %select_n3A_35 = arith.select %eq3A_32, %iota3A, %broadcast_in_dim3A_34 : vector<256x16xi1>, vector<256x16xi32>
    %reduce_min3A_36 = arith.constant dense<2147483647> : vector<256xi32>
    %reduce_min3A_37 = vector.multi_reduction <minsi>, %select_n3A_35, %reduce_min3A_36 [1] : vector<256x16xi32> to vector<256xi32>
    %broadcast_in_dim3A_38 = vector.shape_cast %reduce_min3A_37 : vector<256xi32> to vector<256x1xi32>
    %eq3A_39 = vector.broadcast %broadcast_in_dim3A_38 : vector<256x1xi32> to vector<256x16xi32>
    %eq3A_40 = arith.cmpi eq, %iota3A, %eq3A_39 : vector<256x16xi32>
    %or3A_41 = arith.ori %or3A, %eq3A_40 : vector<256x16xi1>
    %jit3A_42 = arith.constant -1.000000e+00 : f32
    %broadcast_in_dim3A_43 = vector.broadcast %jit3A_42 : f32 to vector<256x16xf32>
    %select_n3A_44 = arith.select %eq3A_40, %broadcast_in_dim3A_43, %select_n3A_27 : vector<256x16xi1>, vector<256x16xf32>
    %reduce_max3A_45 = arith.constant dense<0xFF800000> : vector<256xf32>
    %reduce_max3A_46 = vector.multi_reduction <maximumf>, %select_n3A_44, %reduce_max3A_45 [1] : vector<256x16xf32> to vector<256xf32>
    %broadcast_in_dim3A_47 = vector.shape_cast %reduce_max3A_46 : vector<256xf32> to vector<256x1xf32>
    %eq3A_48 = vector.broadcast %broadcast_in_dim3A_47 : vector<256x1xf32> to vector<256x16xf32>
    %eq3A_49 = arith.cmpf oeq, %select_n3A_44, %eq3A_48 : vector<256x16xf32>
    %jit3A_50 = arith.constant 16 : i32
    %broadcast_in_dim3A_51 = vector.broadcast %jit3A_50 : i32 to vector<256x16xi32>
    %select_n3A_52 = arith.select %eq3A_49, %iota3A, %broadcast_in_dim3A_51 : vector<256x16xi1>, vector<256x16xi32>
    %reduce_min3A_53 = arith.constant dense<2147483647> : vector<256xi32>
    %reduce_min3A_54 = vector.multi_reduction <minsi>, %select_n3A_52, %reduce_min3A_53 [1] : vector<256x16xi32> to vector<256xi32>
    %broadcast_in_dim3A_55 = vector.shape_cast %reduce_min3A_54 : vector<256xi32> to vector<256x1xi32>
    %eq3A_56 = vector.broadcast %broadcast_in_dim3A_55 : vector<256x1xi32> to vector<256x16xi32>
    %eq3A_57 = arith.cmpi eq, %iota3A, %eq3A_56 : vector<256x16xi32>
    %or3A_58 = arith.ori %or3A_41, %eq3A_57 : vector<256x16xi1>
    %jit3A_59 = arith.constant -1.000000e+00 : f32
    %broadcast_in_dim3A_60 = vector.broadcast %jit3A_59 : f32 to vector<256x16xf32>
    %select_n3A_61 = arith.select %eq3A_57, %broadcast_in_dim3A_60, %select_n3A_44 : vector<256x16xi1>, vector<256x16xf32>
    %reduce_max3A_62 = arith.constant dense<0xFF800000> : vector<256xf32>
    %reduce_max3A_63 = vector.multi_reduction <maximumf>, %select_n3A_61, %reduce_max3A_62 [1] : vector<256x16xf32> to vector<256xf32>
    %broadcast_in_dim3A_64 = vector.shape_cast %reduce_max3A_63 : vector<256xf32> to vector<256x1xf32>
    %eq3A_65 = vector.broadcast %broadcast_in_dim3A_64 : vector<256x1xf32> to vector<256x16xf32>
    %eq3A_66 = arith.cmpf oeq, %select_n3A_61, %eq3A_65 : vector<256x16xf32>
    %jit3A_67 = arith.constant 16 : i32
    %broadcast_in_dim3A_68 = vector.broadcast %jit3A_67 : i32 to vector<256x16xi32>
    %select_n3A_69 = arith.select %eq3A_66, %iota3A, %broadcast_in_dim3A_68 : vector<256x16xi1>, vector<256x16xi32>
    %reduce_min3A_70 = arith.constant dense<2147483647> : vector<256xi32>
    %reduce_min3A_71 = vector.multi_reduction <minsi>, %select_n3A_69, %reduce_min3A_70 [1] : vector<256x16xi32> to vector<256xi32>
    %broadcast_in_dim3A_72 = vector.shape_cast %reduce_min3A_71 : vector<256xi32> to vector<256x1xi32>
    %eq3A_73 = vector.broadcast %broadcast_in_dim3A_72 : vector<256x1xi32> to vector<256x16xi32>
    %eq3A_74 = arith.cmpi eq, %iota3A, %eq3A_73 : vector<256x16xi32>
    %or3A_75 = arith.ori %or3A_58, %eq3A_74 : vector<256x16xi1>
    %jit3A_76 = arith.constant -1.000000e+00 : f32
    %broadcast_in_dim3A_77 = vector.broadcast %jit3A_76 : f32 to vector<256x16xf32>
    %select_n3A_78 = arith.select %eq3A_74, %broadcast_in_dim3A_77, %select_n3A_61 : vector<256x16xi1>, vector<256x16xf32>
    %reduce_max3A_79 = arith.constant dense<0xFF800000> : vector<256xf32>
    %reduce_max3A_80 = vector.multi_reduction <maximumf>, %select_n3A_78, %reduce_max3A_79 [1] : vector<256x16xf32> to vector<256xf32>
    %broadcast_in_dim3A_81 = vector.shape_cast %reduce_max3A_80 : vector<256xf32> to vector<256x1xf32>
    %eq3A_82 = vector.broadcast %broadcast_in_dim3A_81 : vector<256x1xf32> to vector<256x16xf32>
    %eq3A_83 = arith.cmpf oeq, %select_n3A_78, %eq3A_82 : vector<256x16xf32>
    %jit3A_84 = arith.constant 16 : i32
    %broadcast_in_dim3A_85 = vector.broadcast %jit3A_84 : i32 to vector<256x16xi32>
    %select_n3A_86 = arith.select %eq3A_83, %iota3A, %broadcast_in_dim3A_85 : vector<256x16xi1>, vector<256x16xi32>
    %reduce_min3A_87 = arith.constant dense<2147483647> : vector<256xi32>
    %reduce_min3A_88 = vector.multi_reduction <minsi>, %select_n3A_86, %reduce_min3A_87 [1] : vector<256x16xi32> to vector<256xi32>
    %broadcast_in_dim3A_89 = vector.shape_cast %reduce_min3A_88 : vector<256xi32> to vector<256x1xi32>
    %eq3A_90 = vector.broadcast %broadcast_in_dim3A_89 : vector<256x1xi32> to vector<256x16xi32>
    %eq3A_91 = arith.cmpi eq, %iota3A, %eq3A_90 : vector<256x16xi32>
    %or3A_92 = arith.ori %or3A_75, %eq3A_91 : vector<256x16xi1>
    %jit3A_93 = arith.constant -1.000000e+00 : f32
    %broadcast_in_dim3A_94 = vector.broadcast %jit3A_93 : f32 to vector<256x16xf32>
    %select_n3A_95 = arith.select %eq3A_91, %broadcast_in_dim3A_94, %select_n3A_78 : vector<256x16xi1>, vector<256x16xf32>
    %reduce_max3A_96 = arith.constant dense<0xFF800000> : vector<256xf32>
    %reduce_max3A_97 = vector.multi_reduction <maximumf>, %select_n3A_95, %reduce_max3A_96 [1] : vector<256x16xf32> to vector<256xf32>
    %broadcast_in_dim3A_98 = vector.shape_cast %reduce_max3A_97 : vector<256xf32> to vector<256x1xf32>
    %eq3A_99 = vector.broadcast %broadcast_in_dim3A_98 : vector<256x1xf32> to vector<256x16xf32>
    %eq3A_100 = arith.cmpf oeq, %select_n3A_95, %eq3A_99 : vector<256x16xf32>
    %jit3A_101 = arith.constant 16 : i32
    %broadcast_in_dim3A_102 = vector.broadcast %jit3A_101 : i32 to vector<256x16xi32>
    %select_n3A_103 = arith.select %eq3A_100, %iota3A, %broadcast_in_dim3A_102 : vector<256x16xi1>, vector<256x16xi32>
    %reduce_min3A_104 = arith.constant dense<2147483647> : vector<256xi32>
    %reduce_min3A_105 = vector.multi_reduction <minsi>, %select_n3A_103, %reduce_min3A_104 [1] : vector<256x16xi32> to vector<256xi32>
    %broadcast_in_dim3A_106 = vector.shape_cast %reduce_min3A_105 : vector<256xi32> to vector<256x1xi32>
    %eq3A_107 = vector.broadcast %broadcast_in_dim3A_106 : vector<256x1xi32> to vector<256x16xi32>
    %eq3A_108 = arith.cmpi eq, %iota3A, %eq3A_107 : vector<256x16xi32>
    %or3A_109 = arith.ori %or3A_92, %eq3A_108 : vector<256x16xi1>
    %jit3A_110 = arith.constant -1.000000e+00 : f32
    %broadcast_in_dim3A_111 = vector.broadcast %jit3A_110 : f32 to vector<256x16xf32>
    %select_n3A_112 = arith.select %eq3A_108, %broadcast_in_dim3A_111, %select_n3A_95 : vector<256x16xi1>, vector<256x16xf32>
    %reduce_max3A_113 = arith.constant dense<0xFF800000> : vector<256xf32>
    %reduce_max3A_114 = vector.multi_reduction <maximumf>, %select_n3A_112, %reduce_max3A_113 [1] : vector<256x16xf32> to vector<256xf32>
    %broadcast_in_dim3A_115 = vector.shape_cast %reduce_max3A_114 : vector<256xf32> to vector<256x1xf32>
    %eq3A_116 = vector.broadcast %broadcast_in_dim3A_115 : vector<256x1xf32> to vector<256x16xf32>
    %eq3A_117 = arith.cmpf oeq, %select_n3A_112, %eq3A_116 : vector<256x16xf32>
    %jit3A_118 = arith.constant 16 : i32
    %broadcast_in_dim3A_119 = vector.broadcast %jit3A_118 : i32 to vector<256x16xi32>
    %select_n3A_120 = arith.select %eq3A_117, %iota3A, %broadcast_in_dim3A_119 : vector<256x16xi1>, vector<256x16xi32>
    %reduce_min3A_121 = arith.constant dense<2147483647> : vector<256xi32>
    %reduce_min3A_122 = vector.multi_reduction <minsi>, %select_n3A_120, %reduce_min3A_121 [1] : vector<256x16xi32> to vector<256xi32>
    %broadcast_in_dim3A_123 = vector.shape_cast %reduce_min3A_122 : vector<256xi32> to vector<256x1xi32>
    %eq3A_124 = vector.broadcast %broadcast_in_dim3A_123 : vector<256x1xi32> to vector<256x16xi32>
    %eq3A_125 = arith.cmpi eq, %iota3A, %eq3A_124 : vector<256x16xi32>
    %or3A_126 = arith.ori %or3A_109, %eq3A_125 : vector<256x16xi1>
    %jit3A_127 = arith.constant -1.000000e+00 : f32
    %broadcast_in_dim3A_128 = vector.broadcast %jit3A_127 : f32 to vector<256x16xf32>
    %select_n3A_129 = arith.select %eq3A_125, %broadcast_in_dim3A_128, %select_n3A_112 : vector<256x16xi1>, vector<256x16xf32>
    %reduce_max3A_130 = arith.constant dense<0xFF800000> : vector<256xf32>
    %reduce_max3A_131 = vector.multi_reduction <maximumf>, %select_n3A_129, %reduce_max3A_130 [1] : vector<256x16xf32> to vector<256xf32>
    %broadcast_in_dim3A_132 = vector.shape_cast %reduce_max3A_131 : vector<256xf32> to vector<256x1xf32>
    %eq3A_133 = vector.broadcast %broadcast_in_dim3A_132 : vector<256x1xf32> to vector<256x16xf32>
    %eq3A_134 = arith.cmpf oeq, %select_n3A_129, %eq3A_133 : vector<256x16xf32>
    %jit3A_135 = arith.constant 16 : i32
    %broadcast_in_dim3A_136 = vector.broadcast %jit3A_135 : i32 to vector<256x16xi32>
    %select_n3A_137 = arith.select %eq3A_134, %iota3A, %broadcast_in_dim3A_136 : vector<256x16xi1>, vector<256x16xi32>
    %reduce_min3A_138 = arith.constant dense<2147483647> : vector<256xi32>
    %reduce_min3A_139 = vector.multi_reduction <minsi>, %select_n3A_137, %reduce_min3A_138 [1] : vector<256x16xi32> to vector<256xi32>
    %broadcast_in_dim3A_140 = vector.shape_cast %reduce_min3A_139 : vector<256xi32> to vector<256x1xi32>
    %eq3A_141 = vector.broadcast %broadcast_in_dim3A_140 : vector<256x1xi32> to vector<256x16xi32>
    %eq3A_142 = arith.cmpi eq, %iota3A, %eq3A_141 : vector<256x16xi32>
    %or3A_143 = arith.ori %or3A_126, %eq3A_142 : vector<256x16xi1>
    %jit3A_144 = arith.constant 0.000000e+00 : f32
    %broadcast_in_dim3A_145 = vector.broadcast %jit3A_144 : f32 to vector<256x16xf32>
    %select_n3A_146 = arith.select %or3A_143, %div3A_12, %broadcast_in_dim3A_145 : vector<256x16xi1>, vector<256x16xf32>
    %reduce_sum3A_147 = arith.constant dense<0.000000e+00> : vector<256xf32>
    %reduce_sum3A_148 = vector.multi_reduction <add>, %select_n3A_146, %reduce_sum3A_147 [1] : vector<256x16xf32> to vector<256xf32>
    %broadcast_in_dim3A_149 = vector.shape_cast %reduce_sum3A_148 : vector<256xf32> to vector<256x1xf32>
    %div3A_150 = vector.broadcast %broadcast_in_dim3A_149 : vector<256x1xf32> to vector<256x16xf32>
    %div3A_151 = arith.divf %select_n3A_146, %div3A_150 : vector<256x16xf32>
    %mul3A = arith.constant 1.000000e+00 : f32
    %mul3A_152 = vector.broadcast %mul3A : f32 to vector<256x16xf32>
    %mul3A_153 = arith.mulf %div3A_151, %mul3A_152 : vector<256x16xf32>
    %swap3A = arith.constant 0 : index
    %swap3A_154 = arith.constant 0 : index
    %swap3A_155 = vector.load %arg3[%swap3A, %swap3A_154] : memref<256x16xf32, #tpu.memory_space<vmem>>, vector<256x16xf32>
    tpu.vector_store %arg3[%swap3A, %swap3A_154], %mul3A_153 {strides = array<i32>} : memref<256x16xf32, #tpu.memory_space<vmem>>, vector<256x16xf32>,
    %convert_element_type3A_156 = arith.extui %or3A_143 : vector<256x16xi1> to vector<256x16xi32>
    %convert_element_type3A_157 = arith.sitofp %convert_element_type3A_156 : vector<256x16xi32> to vector<256x16xf32>
    %iota3A_158 = tpu.iota {dimensions = array<i32: 0>} : vector<256x256xi32>
    %iota3A_159 = tpu.iota {dimensions = array<i32: 1>} : vector<256x256xi32>
    %gt3A = arith.cmpi sgt, %iota3A_158, %iota3A_159 : vector<256x256xi32>
    %convert_element_type3A_160 = arith.extui %gt3A : vector<256x256xi1> to vector<256x256xi32>
    %convert_element_type3A_161 = arith.sitofp %convert_element_type3A_160 : vector<256x256xi32> to vector<256x256xf32>
    %dot_general3A_162 = arith.constant dense<0.000000e+00> : vector<256x16xf32>
    %dot_general3A_163 = tpu.matmul %convert_element_type3A_161, %convert_element_type3A_157, %dot_general3A_162 {dimension_numbers = #tpu.dot_dimension_numbers<[1], [0], [0], [1], [0, 0, 1, 1], [], []>, transpose_lhs_hint = false} : vector<256x256xf32>, vector<256x16xf32>, vector<256x16xf32> -> vector<256x16xf32>
    %get3A_164 = arith.constant 0 : index
    %get3A_165 = arith.constant 0 : index
    %get3A_166 = vector.load %arg7[%get3A_164, %get3A_165] : memref<1x16xf32, #tpu.memory_space<vmem>>, vector<1x16xf32>
    %add3A = vector.broadcast %get3A_166 : vector<1x16xf32> to vector<256x16xf32>
    %add3A_167 = arith.addf %dot_general3A_163, %add3A : vector<256x16xf32>
    %swap3A_168 = arith.constant 0 : index
    %swap3A_169 = arith.constant 0 : index
    %swap3A_170 = vector.load %arg4[%swap3A_168, %swap3A_169] : memref<256x16xf32, #tpu.memory_space<vmem>>, vector<256x16xf32>
    tpu.vector_store %arg4[%swap3A_168, %swap3A_169], %add3A_167 {strides = array<i32>} : memref<256x16xf32, #tpu.memory_space<vmem>>, vector<256x16xf32>,
    %get3A_171 = arith.constant 0 : index
    %get3A_172 = arith.constant 0 : index
    %get3A_173 = vector.load %arg7[%get3A_171, %get3A_172] : memref<1x16xf32, #tpu.memory_space<vmem>>, vector<1x16xf32>
    %reduce_sum3A_174 = arith.constant dense<0.000000e+00> : vector<16xf32>
    %reduce_sum3A_175 = vector.multi_reduction <add>, %convert_element_type3A_157, %reduce_sum3A_174 [0] : vector<256x16xf32> to vector<16xf32>
    %broadcast_in_dim3A_176 = vector.shape_cast %reduce_sum3A_175 : vector<16xf32> to vector<1x16xf32>
    %add3A_177 = arith.addf %get3A_173, %broadcast_in_dim3A_176 : vector<1x16xf32>
    %swap3A_178 = arith.constant 0 : index
    %swap3A_179 = arith.constant 0 : index
    %swap3A_180 = vector.load %arg7[%swap3A_178, %swap3A_179] : memref<1x16xf32, #tpu.memory_space<vmem>>, vector<1x16xf32>
    tpu.vector_store %arg7[%swap3A_178, %swap3A_179], %add3A_177 {strides = array<i32>} : memref<1x16xf32, #tpu.memory_space<vmem>>, vector<1x16xf32>,
    %get3A_181 = arith.constant 0 : index
    %get3A_182 = arith.constant 0 : index
    %get3A_183 = vector.load %arg7[%get3A_181, %get3A_182] : memref<1x16xf32, #tpu.memory_space<vmem>>, vector<1x16xf32>
    %div3A_184 = arith.constant 2.560000e+02 : f32
    %div3A_185 = vector.broadcast %div3A_184 : f32 to vector<1x16xf32>
    %div3A_186 = arith.divf %get3A_183, %div3A_185 : vector<1x16xf32>
    %ceil3A = math.ceil %div3A_186 : vector<1x16xf32>
    %iota3A_187 = tpu.iota {dimensions = array<i32: 0>} : vector<16x16xi32>
    %iota3A_188 = tpu.iota {dimensions = array<i32: 1>} : vector<16x16xi32>
    %lt3A = arith.cmpi slt, %iota3A_187, %iota3A_188 : vector<16x16xi32>
    %convert_element_type3A_189 = arith.extui %lt3A : vector<16x16xi1> to vector<16x16xi32>
    %convert_element_type3A_190 = arith.sitofp %convert_element_type3A_189 : vector<16x16xi32> to vector<16x16xf32>
    %dot_general3A_191 = arith.constant dense<0.000000e+00> : vector<1x16xf32>
    %dot_general3A_192 = tpu.matmul %ceil3A, %convert_element_type3A_190, %dot_general3A_191 {dimension_numbers = #tpu.dot_dimension_numbers<[1], [0], [0], [1], [0, 0, 1, 1], [], []>, transpose_lhs_hint = false} : vector<1x16xf32>, vector<16x16xf32>, vector<1x16xf32> -> vector<1x16xf32>
    %convert_element_type3A_193 = arith.fptosi %dot_general3A_192 : vector<1x16xf32> to vector<1x16xi32>
    %swap3A_194 = arith.constant 0 : index
    %swap3A_195 = arith.constant 0 : index
    %swap3A_196 = vector.load %arg5[%swap3A_194, %swap3A_195] : memref<1x16xi32, #tpu.memory_space<vmem>>, vector<1x16xi32>
    tpu.vector_store %arg5[%swap3A_194, %swap3A_195], %convert_element_type3A_193 {strides = array<i32>} : memref<1x16xi32, #tpu.memory_space<vmem>>, vector<1x16xi32>,
    %convert_element_type3A_197 = arith.fptosi %ceil3A : vector<1x16xf32> to vector<1x16xi32>
    %swap3A_198 = arith.constant 0 : index
    %swap3A_199 = arith.constant 0 : index
    %swap3A_200 = vector.load %arg6[%swap3A_198, %swap3A_199] : memref<1x16xi32, #tpu.memory_space<vmem>>, vector<1x16xi32>
    tpu.vector_store %arg6[%swap3A_198, %swap3A_199], %convert_element_type3A_197 {strides = array<i32>} : memref<1x16xi32, #tpu.memory_space<vmem>>, vector<1x16xi32>,
    return
  }
  func.func @transform_0(%arg0: i32) -> (i32, i32) {
    %c0_i32 = arith.constant 0 : i32
    %c0_i32_0 = arith.constant 0 : i32
    return %arg0, %c0_i32 : i32, i32
  }
  func.func @transform_1(%arg0: i32) -> (i32, i32) {
    %c0_i32 = arith.constant 0 : i32
    %c0_i32_0 = arith.constant 0 : i32
    %c0_i32_1 = arith.constant 0 : i32
    return %c0_i32, %c0_i32_0 : i32, i32
  }
  func.func @transform_2(%arg0: i32) -> (i32, i32) {
    %c0_i32 = arith.constant 0 : i32
    %c0_i32_0 = arith.constant 0 : i32
    return %arg0, %c0_i32 : i32, i32
  }
  func.func @transform_3(%arg0: i32) -> (i32, i32) {
    %c0_i32 = arith.constant 0 : i32
    %c0_i32_0 = arith.constant 0 : i32
    return %arg0, %c0_i32 : i32, i32
  }
  func.func @transform_4(%arg0: i32) -> (i32, i32) {
    %c0_i32 = arith.constant 0 : i32
    %c0_i32_0 = arith.constant 0 : i32
    %c0_i32_1 = arith.constant 0 : i32
    return %c0_i32, %c0_i32_0 : i32, i32
  }
  func.func @transform_5(%arg0: i32) -> (i32, i32) {
    %c0_i32 = arith.constant 0 : i32
    %c0_i32_0 = arith.constant 0 : i32
    %c0_i32_1 = arith.constant 0 : i32
    return %c0_i32, %c0_i32_0 : i32, i32
  }
}

module attributes {stable_mosaic.version = 14 : i64} {
  func.func @_route_b_body(%arg0: i32, %arg1: memref<256x16xf32, #tpu.memory_space<vmem>>, %arg2: memref<256x16xf32, #tpu.memory_space<vmem>>, %arg3: memref<1x16xi32, #tpu.memory_space<vmem>>, %arg4: memref<256x8xi32, #tpu.memory_space<vmem>>, %arg5: memref<256x8xf32, #tpu.memory_space<vmem>>) attributes {dimension_semantics = [#tpu.dimension_semantics<arbitrary>], iteration_bounds = array<i64: 8>, scalar_prefetch = 0 : i64, scratch_operands = 0 : i64, tpu.core_type = #tpu.core_type<tc>, window_params = [{transform_indices = @transform_0, window_bounds = array<i64: 256, 16>}, {transform_indices = @transform_1, window_bounds = array<i64: 256, 16>}, {pipeline_mode = #tpu.pipeline_mode<synchronous>, transform_indices = @transform_2, window_bounds = array<i64: 1, 16>}, {transform_indices = @transform_3, window_bounds = array<i64: 256, 8>}, {transform_indices = @transform_4, window_bounds = array<i64: 256, 8>}]} {
    %get3A = arith.constant 0 : index
    %get3A_0 = arith.constant 0 : index
    %get3A_1 = vector.load %arg1[%get3A, %get3A_0] : memref<256x16xf32, #tpu.memory_space<vmem>>, vector<256x16xf32>
    %get3A_2 = arith.constant 0 : index
    %get3A_3 = arith.constant 0 : index
    %get3A_4 = vector.load %arg2[%get3A_2, %get3A_3] : memref<256x16xf32, #tpu.memory_space<vmem>>, vector<256x16xf32>
    %gt3A = arith.constant 0.000000e+00 : f32
    %gt3A_5 = vector.broadcast %gt3A : f32 to vector<256x16xf32>
    %gt3A_6 = arith.cmpf ogt, %get3A_1, %gt3A_5 : vector<256x16xf32>
    %convert_element_type3A = arith.extui %gt3A_6 : vector<256x16xi1> to vector<256x16xi32>
    %convert_element_type3A_7 = arith.sitofp %convert_element_type3A : vector<256x16xi32> to vector<256x16xf32>
    %iota3A = tpu.iota {dimensions = array<i32: 0>} : vector<16x16xi32>
    %iota3A_8 = tpu.iota {dimensions = array<i32: 1>} : vector<16x16xi32>
    %le3A = arith.cmpi sle, %iota3A, %iota3A_8 : vector<16x16xi32>
    %convert_element_type3A_9 = arith.extui %le3A : vector<16x16xi1> to vector<16x16xi32>
    %convert_element_type3A_10 = arith.sitofp %convert_element_type3A_9 : vector<16x16xi32> to vector<16x16xf32>
    %dot_general3A = arith.constant dense<0.000000e+00> : vector<256x16xf32>
    %dot_general3A_11 = tpu.matmul %convert_element_type3A_7, %convert_element_type3A_10, %dot_general3A {dimension_numbers = #tpu.dot_dimension_numbers<[1], [0], [0], [1], [0, 0, 1, 1], [], []>, transpose_lhs_hint = false} : vector<256x16xf32>, vector<16x16xf32>, vector<256x16xf32> -> vector<256x16xf32>
    %get3A_12 = arith.constant 0 : index
    %get3A_13 = arith.constant 0 : index
    %get3A_14 = vector.load %arg3[%get3A_12, %get3A_13] : memref<1x16xi32, #tpu.memory_space<vmem>>, vector<1x16xi32>
    %convert_element_type3A_15 = arith.sitofp %get3A_14 : vector<1x16xi32> to vector<1x16xf32>
    %mul3A = arith.constant 2.560000e+02 : f32
    %mul3A_16 = vector.broadcast %mul3A : f32 to vector<1x16xf32>
    %mul3A_17 = arith.mulf %convert_element_type3A_15, %mul3A_16 : vector<1x16xf32>
    %add3A = vector.broadcast %mul3A_17 : vector<1x16xf32> to vector<256x16xf32>
    %add3A_18 = arith.addf %add3A, %get3A_4 : vector<256x16xf32>
    %eq3A = arith.constant 1.000000e+00 : f32
    %eq3A_19 = vector.broadcast %eq3A : f32 to vector<256x16xf32>
    %eq3A_20 = arith.cmpf oeq, %dot_general3A_11, %eq3A_19 : vector<256x16xf32>
    %and3A = arith.andi %gt3A_6, %eq3A_20 : vector<256x16xi1>
    %jit3A = arith.constant 1.000000e+00 : f32
    %jit3A_21 = arith.constant 0.000000e+00 : f32
    %broadcast_in_dim3A = vector.broadcast %jit3A : f32 to vector<256x16xf32>
    %broadcast_in_dim3A_22 = vector.broadcast %jit3A_21 : f32 to vector<256x16xf32>
    %select_n3A = arith.select %and3A, %broadcast_in_dim3A, %broadcast_in_dim3A_22 : vector<256x16xi1>, vector<256x16xf32>
    %mul3A_23 = arith.mulf %select_n3A, %add3A_18 : vector<256x16xf32>
    %reduce_sum3A = arith.constant dense<0.000000e+00> : vector<256xf32>
    %reduce_sum3A_24 = vector.multi_reduction <add>, %mul3A_23, %reduce_sum3A [1] : vector<256x16xf32> to vector<256xf32>
    %broadcast_in_dim3A_25 = vector.shape_cast %reduce_sum3A_24 : vector<256xf32> to vector<256x1xf32>
    %mul3A_26 = arith.mulf %select_n3A, %get3A_1 : vector<256x16xf32>
    %reduce_sum3A_27 = arith.constant dense<0.000000e+00> : vector<256xf32>
    %reduce_sum3A_28 = vector.multi_reduction <add>, %mul3A_26, %reduce_sum3A_27 [1] : vector<256x16xf32> to vector<256xf32>
    %broadcast_in_dim3A_29 = vector.shape_cast %reduce_sum3A_28 : vector<256xf32> to vector<256x1xf32>
    %convert_element_type3A_30 = arith.fptosi %broadcast_in_dim3A_25 : vector<256x1xf32> to vector<256x1xi32>
    %swap3A = arith.constant 0 : index
    %swap3A_31 = arith.constant 0 : index
    %swap3A_32 = vector.load %arg4[%swap3A, %swap3A_31] : memref<256x8xi32, #tpu.memory_space<vmem>>, vector<256x1xi32>
    tpu.vector_store %arg4[%swap3A, %swap3A_31], %convert_element_type3A_30 {strides = array<i32>} : memref<256x8xi32, #tpu.memory_space<vmem>>, vector<256x1xi32>,
    %swap3A_33 = arith.constant 0 : index
    %swap3A_34 = arith.constant 0 : index
    %swap3A_35 = vector.load %arg5[%swap3A_33, %swap3A_34] : memref<256x8xf32, #tpu.memory_space<vmem>>, vector<256x1xf32>
    tpu.vector_store %arg5[%swap3A_33, %swap3A_34], %broadcast_in_dim3A_29 {strides = array<i32>} : memref<256x8xf32, #tpu.memory_space<vmem>>, vector<256x1xf32>,
    %eq3A_36 = arith.constant 2.000000e+00 : f32
    %eq3A_37 = vector.broadcast %eq3A_36 : f32 to vector<256x16xf32>
    %eq3A_38 = arith.cmpf oeq, %dot_general3A_11, %eq3A_37 : vector<256x16xf32>
    %and3A_39 = arith.andi %gt3A_6, %eq3A_38 : vector<256x16xi1>
    %jit3A_40 = arith.constant 1.000000e+00 : f32
    %jit3A_41 = arith.constant 0.000000e+00 : f32
    %broadcast_in_dim3A_42 = vector.broadcast %jit3A_40 : f32 to vector<256x16xf32>
    %broadcast_in_dim3A_43 = vector.broadcast %jit3A_41 : f32 to vector<256x16xf32>
    %select_n3A_44 = arith.select %and3A_39, %broadcast_in_dim3A_42, %broadcast_in_dim3A_43 : vector<256x16xi1>, vector<256x16xf32>
    %mul3A_45 = arith.mulf %select_n3A_44, %add3A_18 : vector<256x16xf32>
    %reduce_sum3A_46 = arith.constant dense<0.000000e+00> : vector<256xf32>
    %reduce_sum3A_47 = vector.multi_reduction <add>, %mul3A_45, %reduce_sum3A_46 [1] : vector<256x16xf32> to vector<256xf32>
    %broadcast_in_dim3A_48 = vector.shape_cast %reduce_sum3A_47 : vector<256xf32> to vector<256x1xf32>
    %mul3A_49 = arith.mulf %select_n3A_44, %get3A_1 : vector<256x16xf32>
    %reduce_sum3A_50 = arith.constant dense<0.000000e+00> : vector<256xf32>
    %reduce_sum3A_51 = vector.multi_reduction <add>, %mul3A_49, %reduce_sum3A_50 [1] : vector<256x16xf32> to vector<256xf32>
    %broadcast_in_dim3A_52 = vector.shape_cast %reduce_sum3A_51 : vector<256xf32> to vector<256x1xf32>
    %convert_element_type3A_53 = arith.fptosi %broadcast_in_dim3A_48 : vector<256x1xf32> to vector<256x1xi32>
    %swap3A_54 = arith.constant 0 : index
    %swap3A_55 = arith.constant 1 : index
    %swap3A_56 = vector.load %arg4[%swap3A_54, %swap3A_55] : memref<256x8xi32, #tpu.memory_space<vmem>>, vector<256x1xi32>
    tpu.vector_store %arg4[%swap3A_54, %swap3A_55], %convert_element_type3A_53 {strides = array<i32>} : memref<256x8xi32, #tpu.memory_space<vmem>>, vector<256x1xi32>,
    %swap3A_57 = arith.constant 0 : index
    %swap3A_58 = arith.constant 1 : index
    %swap3A_59 = vector.load %arg5[%swap3A_57, %swap3A_58] : memref<256x8xf32, #tpu.memory_space<vmem>>, vector<256x1xf32>
    tpu.vector_store %arg5[%swap3A_57, %swap3A_58], %broadcast_in_dim3A_52 {strides = array<i32>} : memref<256x8xf32, #tpu.memory_space<vmem>>, vector<256x1xf32>,
    %eq3A_60 = arith.constant 3.000000e+00 : f32
    %eq3A_61 = vector.broadcast %eq3A_60 : f32 to vector<256x16xf32>
    %eq3A_62 = arith.cmpf oeq, %dot_general3A_11, %eq3A_61 : vector<256x16xf32>
    %and3A_63 = arith.andi %gt3A_6, %eq3A_62 : vector<256x16xi1>
    %jit3A_64 = arith.constant 1.000000e+00 : f32
    %jit3A_65 = arith.constant 0.000000e+00 : f32
    %broadcast_in_dim3A_66 = vector.broadcast %jit3A_64 : f32 to vector<256x16xf32>
    %broadcast_in_dim3A_67 = vector.broadcast %jit3A_65 : f32 to vector<256x16xf32>
    %select_n3A_68 = arith.select %and3A_63, %broadcast_in_dim3A_66, %broadcast_in_dim3A_67 : vector<256x16xi1>, vector<256x16xf32>
    %mul3A_69 = arith.mulf %select_n3A_68, %add3A_18 : vector<256x16xf32>
    %reduce_sum3A_70 = arith.constant dense<0.000000e+00> : vector<256xf32>
    %reduce_sum3A_71 = vector.multi_reduction <add>, %mul3A_69, %reduce_sum3A_70 [1] : vector<256x16xf32> to vector<256xf32>
    %broadcast_in_dim3A_72 = vector.shape_cast %reduce_sum3A_71 : vector<256xf32> to vector<256x1xf32>
    %mul3A_73 = arith.mulf %select_n3A_68, %get3A_1 : vector<256x16xf32>
    %reduce_sum3A_74 = arith.constant dense<0.000000e+00> : vector<256xf32>
    %reduce_sum3A_75 = vector.multi_reduction <add>, %mul3A_73, %reduce_sum3A_74 [1] : vector<256x16xf32> to vector<256xf32>
    %broadcast_in_dim3A_76 = vector.shape_cast %reduce_sum3A_75 : vector<256xf32> to vector<256x1xf32>
    %convert_element_type3A_77 = arith.fptosi %broadcast_in_dim3A_72 : vector<256x1xf32> to vector<256x1xi32>
    %swap3A_78 = arith.constant 0 : index
    %swap3A_79 = arith.constant 2 : index
    %swap3A_80 = vector.load %arg4[%swap3A_78, %swap3A_79] : memref<256x8xi32, #tpu.memory_space<vmem>>, vector<256x1xi32>
    tpu.vector_store %arg4[%swap3A_78, %swap3A_79], %convert_element_type3A_77 {strides = array<i32>} : memref<256x8xi32, #tpu.memory_space<vmem>>, vector<256x1xi32>,
    %swap3A_81 = arith.constant 0 : index
    %swap3A_82 = arith.constant 2 : index
    %swap3A_83 = vector.load %arg5[%swap3A_81, %swap3A_82] : memref<256x8xf32, #tpu.memory_space<vmem>>, vector<256x1xf32>
    tpu.vector_store %arg5[%swap3A_81, %swap3A_82], %broadcast_in_dim3A_76 {strides = array<i32>} : memref<256x8xf32, #tpu.memory_space<vmem>>, vector<256x1xf32>,
    %eq3A_84 = arith.constant 4.000000e+00 : f32
    %eq3A_85 = vector.broadcast %eq3A_84 : f32 to vector<256x16xf32>
    %eq3A_86 = arith.cmpf oeq, %dot_general3A_11, %eq3A_85 : vector<256x16xf32>
    %and3A_87 = arith.andi %gt3A_6, %eq3A_86 : vector<256x16xi1>
    %jit3A_88 = arith.constant 1.000000e+00 : f32
    %jit3A_89 = arith.constant 0.000000e+00 : f32
    %broadcast_in_dim3A_90 = vector.broadcast %jit3A_88 : f32 to vector<256x16xf32>
    %broadcast_in_dim3A_91 = vector.broadcast %jit3A_89 : f32 to vector<256x16xf32>
    %select_n3A_92 = arith.select %and3A_87, %broadcast_in_dim3A_90, %broadcast_in_dim3A_91 : vector<256x16xi1>, vector<256x16xf32>
    %mul3A_93 = arith.mulf %select_n3A_92, %add3A_18 : vector<256x16xf32>
    %reduce_sum3A_94 = arith.constant dense<0.000000e+00> : vector<256xf32>
    %reduce_sum3A_95 = vector.multi_reduction <add>, %mul3A_93, %reduce_sum3A_94 [1] : vector<256x16xf32> to vector<256xf32>
    %broadcast_in_dim3A_96 = vector.shape_cast %reduce_sum3A_95 : vector<256xf32> to vector<256x1xf32>
    %mul3A_97 = arith.mulf %select_n3A_92, %get3A_1 : vector<256x16xf32>
    %reduce_sum3A_98 = arith.constant dense<0.000000e+00> : vector<256xf32>
    %reduce_sum3A_99 = vector.multi_reduction <add>, %mul3A_97, %reduce_sum3A_98 [1] : vector<256x16xf32> to vector<256xf32>
    %broadcast_in_dim3A_100 = vector.shape_cast %reduce_sum3A_99 : vector<256xf32> to vector<256x1xf32>
    %convert_element_type3A_101 = arith.fptosi %broadcast_in_dim3A_96 : vector<256x1xf32> to vector<256x1xi32>
    %swap3A_102 = arith.constant 0 : index
    %swap3A_103 = arith.constant 3 : index
    %swap3A_104 = vector.load %arg4[%swap3A_102, %swap3A_103] : memref<256x8xi32, #tpu.memory_space<vmem>>, vector<256x1xi32>
    tpu.vector_store %arg4[%swap3A_102, %swap3A_103], %convert_element_type3A_101 {strides = array<i32>} : memref<256x8xi32, #tpu.memory_space<vmem>>, vector<256x1xi32>,
    %swap3A_105 = arith.constant 0 : index
    %swap3A_106 = arith.constant 3 : index
    %swap3A_107 = vector.load %arg5[%swap3A_105, %swap3A_106] : memref<256x8xf32, #tpu.memory_space<vmem>>, vector<256x1xf32>
    tpu.vector_store %arg5[%swap3A_105, %swap3A_106], %broadcast_in_dim3A_100 {strides = array<i32>} : memref<256x8xf32, #tpu.memory_space<vmem>>, vector<256x1xf32>,
    %eq3A_108 = arith.constant 5.000000e+00 : f32
    %eq3A_109 = vector.broadcast %eq3A_108 : f32 to vector<256x16xf32>
    %eq3A_110 = arith.cmpf oeq, %dot_general3A_11, %eq3A_109 : vector<256x16xf32>
    %and3A_111 = arith.andi %gt3A_6, %eq3A_110 : vector<256x16xi1>
    %jit3A_112 = arith.constant 1.000000e+00 : f32
    %jit3A_113 = arith.constant 0.000000e+00 : f32
    %broadcast_in_dim3A_114 = vector.broadcast %jit3A_112 : f32 to vector<256x16xf32>
    %broadcast_in_dim3A_115 = vector.broadcast %jit3A_113 : f32 to vector<256x16xf32>
    %select_n3A_116 = arith.select %and3A_111, %broadcast_in_dim3A_114, %broadcast_in_dim3A_115 : vector<256x16xi1>, vector<256x16xf32>
    %mul3A_117 = arith.mulf %select_n3A_116, %add3A_18 : vector<256x16xf32>
    %reduce_sum3A_118 = arith.constant dense<0.000000e+00> : vector<256xf32>
    %reduce_sum3A_119 = vector.multi_reduction <add>, %mul3A_117, %reduce_sum3A_118 [1] : vector<256x16xf32> to vector<256xf32>
    %broadcast_in_dim3A_120 = vector.shape_cast %reduce_sum3A_119 : vector<256xf32> to vector<256x1xf32>
    %mul3A_121 = arith.mulf %select_n3A_116, %get3A_1 : vector<256x16xf32>
    %reduce_sum3A_122 = arith.constant dense<0.000000e+00> : vector<256xf32>
    %reduce_sum3A_123 = vector.multi_reduction <add>, %mul3A_121, %reduce_sum3A_122 [1] : vector<256x16xf32> to vector<256xf32>
    %broadcast_in_dim3A_124 = vector.shape_cast %reduce_sum3A_123 : vector<256xf32> to vector<256x1xf32>
    %convert_element_type3A_125 = arith.fptosi %broadcast_in_dim3A_120 : vector<256x1xf32> to vector<256x1xi32>
    %swap3A_126 = arith.constant 0 : index
    %swap3A_127 = arith.constant 4 : index
    %swap3A_128 = vector.load %arg4[%swap3A_126, %swap3A_127] : memref<256x8xi32, #tpu.memory_space<vmem>>, vector<256x1xi32>
    tpu.vector_store %arg4[%swap3A_126, %swap3A_127], %convert_element_type3A_125 {strides = array<i32>} : memref<256x8xi32, #tpu.memory_space<vmem>>, vector<256x1xi32>,
    %swap3A_129 = arith.constant 0 : index
    %swap3A_130 = arith.constant 4 : index
    %swap3A_131 = vector.load %arg5[%swap3A_129, %swap3A_130] : memref<256x8xf32, #tpu.memory_space<vmem>>, vector<256x1xf32>
    tpu.vector_store %arg5[%swap3A_129, %swap3A_130], %broadcast_in_dim3A_124 {strides = array<i32>} : memref<256x8xf32, #tpu.memory_space<vmem>>, vector<256x1xf32>,
    %eq3A_132 = arith.constant 6.000000e+00 : f32
    %eq3A_133 = vector.broadcast %eq3A_132 : f32 to vector<256x16xf32>
    %eq3A_134 = arith.cmpf oeq, %dot_general3A_11, %eq3A_133 : vector<256x16xf32>
    %and3A_135 = arith.andi %gt3A_6, %eq3A_134 : vector<256x16xi1>
    %jit3A_136 = arith.constant 1.000000e+00 : f32
    %jit3A_137 = arith.constant 0.000000e+00 : f32
    %broadcast_in_dim3A_138 = vector.broadcast %jit3A_136 : f32 to vector<256x16xf32>
    %broadcast_in_dim3A_139 = vector.broadcast %jit3A_137 : f32 to vector<256x16xf32>
    %select_n3A_140 = arith.select %and3A_135, %broadcast_in_dim3A_138, %broadcast_in_dim3A_139 : vector<256x16xi1>, vector<256x16xf32>
    %mul3A_141 = arith.mulf %select_n3A_140, %add3A_18 : vector<256x16xf32>
    %reduce_sum3A_142 = arith.constant dense<0.000000e+00> : vector<256xf32>
    %reduce_sum3A_143 = vector.multi_reduction <add>, %mul3A_141, %reduce_sum3A_142 [1] : vector<256x16xf32> to vector<256xf32>
    %broadcast_in_dim3A_144 = vector.shape_cast %reduce_sum3A_143 : vector<256xf32> to vector<256x1xf32>
    %mul3A_145 = arith.mulf %select_n3A_140, %get3A_1 : vector<256x16xf32>
    %reduce_sum3A_146 = arith.constant dense<0.000000e+00> : vector<256xf32>
    %reduce_sum3A_147 = vector.multi_reduction <add>, %mul3A_145, %reduce_sum3A_146 [1] : vector<256x16xf32> to vector<256xf32>
    %broadcast_in_dim3A_148 = vector.shape_cast %reduce_sum3A_147 : vector<256xf32> to vector<256x1xf32>
    %convert_element_type3A_149 = arith.fptosi %broadcast_in_dim3A_144 : vector<256x1xf32> to vector<256x1xi32>
    %swap3A_150 = arith.constant 0 : index
    %swap3A_151 = arith.constant 5 : index
    %swap3A_152 = vector.load %arg4[%swap3A_150, %swap3A_151] : memref<256x8xi32, #tpu.memory_space<vmem>>, vector<256x1xi32>
    tpu.vector_store %arg4[%swap3A_150, %swap3A_151], %convert_element_type3A_149 {strides = array<i32>} : memref<256x8xi32, #tpu.memory_space<vmem>>, vector<256x1xi32>,
    %swap3A_153 = arith.constant 0 : index
    %swap3A_154 = arith.constant 5 : index
    %swap3A_155 = vector.load %arg5[%swap3A_153, %swap3A_154] : memref<256x8xf32, #tpu.memory_space<vmem>>, vector<256x1xf32>
    tpu.vector_store %arg5[%swap3A_153, %swap3A_154], %broadcast_in_dim3A_148 {strides = array<i32>} : memref<256x8xf32, #tpu.memory_space<vmem>>, vector<256x1xf32>,
    %eq3A_156 = arith.constant 7.000000e+00 : f32
    %eq3A_157 = vector.broadcast %eq3A_156 : f32 to vector<256x16xf32>
    %eq3A_158 = arith.cmpf oeq, %dot_general3A_11, %eq3A_157 : vector<256x16xf32>
    %and3A_159 = arith.andi %gt3A_6, %eq3A_158 : vector<256x16xi1>
    %jit3A_160 = arith.constant 1.000000e+00 : f32
    %jit3A_161 = arith.constant 0.000000e+00 : f32
    %broadcast_in_dim3A_162 = vector.broadcast %jit3A_160 : f32 to vector<256x16xf32>
    %broadcast_in_dim3A_163 = vector.broadcast %jit3A_161 : f32 to vector<256x16xf32>
    %select_n3A_164 = arith.select %and3A_159, %broadcast_in_dim3A_162, %broadcast_in_dim3A_163 : vector<256x16xi1>, vector<256x16xf32>
    %mul3A_165 = arith.mulf %select_n3A_164, %add3A_18 : vector<256x16xf32>
    %reduce_sum3A_166 = arith.constant dense<0.000000e+00> : vector<256xf32>
    %reduce_sum3A_167 = vector.multi_reduction <add>, %mul3A_165, %reduce_sum3A_166 [1] : vector<256x16xf32> to vector<256xf32>
    %broadcast_in_dim3A_168 = vector.shape_cast %reduce_sum3A_167 : vector<256xf32> to vector<256x1xf32>
    %mul3A_169 = arith.mulf %select_n3A_164, %get3A_1 : vector<256x16xf32>
    %reduce_sum3A_170 = arith.constant dense<0.000000e+00> : vector<256xf32>
    %reduce_sum3A_171 = vector.multi_reduction <add>, %mul3A_169, %reduce_sum3A_170 [1] : vector<256x16xf32> to vector<256xf32>
    %broadcast_in_dim3A_172 = vector.shape_cast %reduce_sum3A_171 : vector<256xf32> to vector<256x1xf32>
    %convert_element_type3A_173 = arith.fptosi %broadcast_in_dim3A_168 : vector<256x1xf32> to vector<256x1xi32>
    %swap3A_174 = arith.constant 0 : index
    %swap3A_175 = arith.constant 6 : index
    %swap3A_176 = vector.load %arg4[%swap3A_174, %swap3A_175] : memref<256x8xi32, #tpu.memory_space<vmem>>, vector<256x1xi32>
    tpu.vector_store %arg4[%swap3A_174, %swap3A_175], %convert_element_type3A_173 {strides = array<i32>} : memref<256x8xi32, #tpu.memory_space<vmem>>, vector<256x1xi32>,
    %swap3A_177 = arith.constant 0 : index
    %swap3A_178 = arith.constant 6 : index
    %swap3A_179 = vector.load %arg5[%swap3A_177, %swap3A_178] : memref<256x8xf32, #tpu.memory_space<vmem>>, vector<256x1xf32>
    tpu.vector_store %arg5[%swap3A_177, %swap3A_178], %broadcast_in_dim3A_172 {strides = array<i32>} : memref<256x8xf32, #tpu.memory_space<vmem>>, vector<256x1xf32>,
    %eq3A_180 = arith.constant 8.000000e+00 : f32
    %eq3A_181 = vector.broadcast %eq3A_180 : f32 to vector<256x16xf32>
    %eq3A_182 = arith.cmpf oeq, %dot_general3A_11, %eq3A_181 : vector<256x16xf32>
    %and3A_183 = arith.andi %gt3A_6, %eq3A_182 : vector<256x16xi1>
    %jit3A_184 = arith.constant 1.000000e+00 : f32
    %jit3A_185 = arith.constant 0.000000e+00 : f32
    %broadcast_in_dim3A_186 = vector.broadcast %jit3A_184 : f32 to vector<256x16xf32>
    %broadcast_in_dim3A_187 = vector.broadcast %jit3A_185 : f32 to vector<256x16xf32>
    %select_n3A_188 = arith.select %and3A_183, %broadcast_in_dim3A_186, %broadcast_in_dim3A_187 : vector<256x16xi1>, vector<256x16xf32>
    %mul3A_189 = arith.mulf %select_n3A_188, %add3A_18 : vector<256x16xf32>
    %reduce_sum3A_190 = arith.constant dense<0.000000e+00> : vector<256xf32>
    %reduce_sum3A_191 = vector.multi_reduction <add>, %mul3A_189, %reduce_sum3A_190 [1] : vector<256x16xf32> to vector<256xf32>
    %broadcast_in_dim3A_192 = vector.shape_cast %reduce_sum3A_191 : vector<256xf32> to vector<256x1xf32>
    %mul3A_193 = arith.mulf %select_n3A_188, %get3A_1 : vector<256x16xf32>
    %reduce_sum3A_194 = arith.constant dense<0.000000e+00> : vector<256xf32>
    %reduce_sum3A_195 = vector.multi_reduction <add>, %mul3A_193, %reduce_sum3A_194 [1] : vector<256x16xf32> to vector<256xf32>
    %broadcast_in_dim3A_196 = vector.shape_cast %reduce_sum3A_195 : vector<256xf32> to vector<256x1xf32>
    %convert_element_type3A_197 = arith.fptosi %broadcast_in_dim3A_192 : vector<256x1xf32> to vector<256x1xi32>
    %swap3A_198 = arith.constant 0 : index
    %swap3A_199 = arith.constant 7 : index
    %swap3A_200 = vector.load %arg4[%swap3A_198, %swap3A_199] : memref<256x8xi32, #tpu.memory_space<vmem>>, vector<256x1xi32>
    tpu.vector_store %arg4[%swap3A_198, %swap3A_199], %convert_element_type3A_197 {strides = array<i32>} : memref<256x8xi32, #tpu.memory_space<vmem>>, vector<256x1xi32>,
    %swap3A_201 = arith.constant 0 : index
    %swap3A_202 = arith.constant 7 : index
    %swap3A_203 = vector.load %arg5[%swap3A_201, %swap3A_202] : memref<256x8xf32, #tpu.memory_space<vmem>>, vector<256x1xf32>
    tpu.vector_store %arg5[%swap3A_201, %swap3A_202], %broadcast_in_dim3A_196 {strides = array<i32>} : memref<256x8xf32, #tpu.memory_space<vmem>>, vector<256x1xf32>,
    return
  }
  func.func @transform_0(%arg0: i32) -> (i32, i32) {
    %c0_i32 = arith.constant 0 : i32
    %c0_i32_0 = arith.constant 0 : i32
    return %arg0, %c0_i32 : i32, i32
  }
  func.func @transform_1(%arg0: i32) -> (i32, i32) {
    %c0_i32 = arith.constant 0 : i32
    %c0_i32_0 = arith.constant 0 : i32
    return %arg0, %c0_i32 : i32, i32
  }
  func.func @transform_2(%arg0: i32) -> (i32, i32) {
    %c0_i32 = arith.constant 0 : i32
    %c0_i32_0 = arith.constant 0 : i32
    %c0_i32_1 = arith.constant 0 : i32
    return %c0_i32, %c0_i32_0 : i32, i32
  }
  func.func @transform_3(%arg0: i32) -> (i32, i32) {
    %c0_i32 = arith.constant 0 : i32
    %c0_i32_0 = arith.constant 0 : i32
    return %arg0, %c0_i32 : i32, i32
  }
  func.func @transform_4(%arg0: i32) -> (i32, i32) {
    %c0_i32 = arith.constant 0 : i32
    %c0_i32_0 = arith.constant 0 : i32
    return %arg0, %c0_i32 : i32, i32
  }
}

module attributes {stable_mosaic.version = 14 : i64} {
  func.func @_gmm_body(%arg0: i32, %arg1: i32, %arg2: memref<16xi32, #tpu.memory_space<smem>>, %arg3: memref<16xi32, #tpu.memory_space<smem>>, %arg4: memref<256x1024xbf16, #tpu.memory_space<vmem>>, %arg5: memref<1x512x1024xf32, #tpu.memory_space<vmem>>, %arg6: memref<1x512x1024xf32, #tpu.memory_space<vmem>>, %arg7: memref<1x1024x512xf32, #tpu.memory_space<vmem>>, %arg8: memref<256x1024xbf16, #tpu.memory_space<vmem>>, %arg9: memref<512x1024xbf16, #tpu.memory_space<vmem>>, %arg10: memref<512x1024xbf16, #tpu.memory_space<vmem>>, %arg11: memref<1024x512xbf16, #tpu.memory_space<vmem>>) attributes {dimension_semantics = [#tpu.dimension_semantics<arbitrary>, #tpu.dimension_semantics<arbitrary>], iteration_bounds = array<i64: 16, 8>, scalar_prefetch = 2 : i64, scratch_operands = 3 : i64, tpu.core_type = #tpu.core_type<tc>, window_params = [{transform_indices = @transform_0, window_bounds = array<i64: 256, 1024>}, {transform_indices = @transform_1, window_bounds = array<i64: 1, 512, 1024>}, {transform_indices = @transform_2, window_bounds = array<i64: 1, 512, 1024>}, {transform_indices = @transform_3, window_bounds = array<i64: 1, 1024, 512>}, {transform_indices = @transform_4, window_bounds = array<i64: 256, 1024>}]} {
    %eq3A = arith.constant 0 : i32
    %eq3A_0 = arith.cmpi eq, %arg1, %eq3A : i32
    %get3A = arith.index_cast %arg0 : i32 to index
    %get3A_1 = memref.load %arg3[%get3A] : memref<16xi32, #tpu.memory_space<smem>>
    %gt3A = arith.constant 0 : i32
    %gt3A_2 = arith.cmpi sgt, %get3A_1, %gt3A : i32
    %and3A = arith.andi %eq3A_0, %gt3A_2 : i1
    %convert_element_type3A = arith.extui %and3A : i1 to i32
    %cond3A = arith.constant 0 : i32
    %cond3A_3 = arith.cmpi ne, %convert_element_type3A, %cond3A : i32
    scf.if %cond3A_3 {
      %get3A_9 = arith.constant 0 : index
      %get3A_10 = arith.constant 0 : index
      %get3A_11 = arith.constant 0 : index
      %get3A_12 = vector.load %arg5[%get3A_9, %get3A_10, %get3A_11] : memref<1x512x1024xf32, #tpu.memory_space<vmem>>, vector<1x512x1024xf32>
      %get3A_13 = vector.shape_cast %get3A_12 : vector<1x512x1024xf32> to vector<512x1024xf32>
      %convert_element_type3A_14 = arith.truncf %get3A_13 : vector<512x1024xf32> to vector<512x1024xbf16>
      %swap3A = arith.constant 0 : index
      %swap3A_15 = arith.constant 0 : index
      %swap3A_16 = vector.load %arg9[%swap3A, %swap3A_15] : memref<512x1024xbf16, #tpu.memory_space<vmem>>, vector<512x1024xbf16>
      tpu.vector_store %arg9[%swap3A, %swap3A_15], %convert_element_type3A_14 {strides = array<i32>} : memref<512x1024xbf16, #tpu.memory_space<vmem>>, vector<512x1024xbf16>,
      %get3A_17 = arith.constant 0 : index
      %get3A_18 = arith.constant 0 : index
      %get3A_19 = arith.constant 0 : index
      %get3A_20 = vector.load %arg6[%get3A_17, %get3A_18, %get3A_19] : memref<1x512x1024xf32, #tpu.memory_space<vmem>>, vector<1x512x1024xf32>
      %get3A_21 = vector.shape_cast %get3A_20 : vector<1x512x1024xf32> to vector<512x1024xf32>
      %convert_element_type3A_22 = arith.truncf %get3A_21 : vector<512x1024xf32> to vector<512x1024xbf16>
      %swap3A_23 = arith.constant 0 : index
      %swap3A_24 = arith.constant 0 : index
      %swap3A_25 = vector.load %arg10[%swap3A_23, %swap3A_24] : memref<512x1024xbf16, #tpu.memory_space<vmem>>, vector<512x1024xbf16>
      tpu.vector_store %arg10[%swap3A_23, %swap3A_24], %convert_element_type3A_22 {strides = array<i32>} : memref<512x1024xbf16, #tpu.memory_space<vmem>>, vector<512x1024xbf16>,
      %get3A_26 = arith.constant 0 : index
      %get3A_27 = arith.constant 0 : index
      %get3A_28 = arith.constant 0 : index
      %get3A_29 = vector.load %arg7[%get3A_26, %get3A_27, %get3A_28] : memref<1x1024x512xf32, #tpu.memory_space<vmem>>, vector<1x1024x512xf32>
      %get3A_30 = vector.shape_cast %get3A_29 : vector<1x1024x512xf32> to vector<1024x512xf32>
      %convert_element_type3A_31 = arith.truncf %get3A_30 : vector<1024x512xf32> to vector<1024x512xbf16>
      %swap3A_32 = arith.constant 0 : index
      %swap3A_33 = arith.constant 0 : index
      %swap3A_34 = vector.load %arg11[%swap3A_32, %swap3A_33] : memref<1024x512xbf16, #tpu.memory_space<vmem>>, vector<1024x512xbf16>
      tpu.vector_store %arg11[%swap3A_32, %swap3A_33], %convert_element_type3A_31 {strides = array<i32>} : memref<1024x512xbf16, #tpu.memory_space<vmem>>, vector<1024x512xbf16>,
    } else {
    }
    %get3A_4 = arith.index_cast %arg0 : i32 to index
    %get3A_5 = memref.load %arg3[%get3A_4] : memref<16xi32, #tpu.memory_space<smem>>
    %lt3A = arith.cmpi slt, %arg1, %get3A_5 : i32
    %convert_element_type3A_6 = arith.extui %lt3A : i1 to i32
    %cond3A_7 = arith.constant 0 : i32
    %cond3A_8 = arith.cmpi ne, %convert_element_type3A_6, %cond3A_7 : i32
    scf.if %cond3A_8 {
      %get3A_9 = arith.constant 0 : index
      %get3A_10 = arith.constant 0 : index
      %get3A_11 = vector.load %arg4[%get3A_9, %get3A_10] : memref<256x1024xbf16, #tpu.memory_space<vmem>>, vector<256x1024xbf16>
      %get3A_12 = arith.constant 0 : index
      %get3A_13 = arith.constant 0 : index
      %get3A_14 = vector.load %arg9[%get3A_12, %get3A_13] : memref<512x1024xbf16, #tpu.memory_space<vmem>>, vector<512x1024xbf16>
      %dot_general3A = arith.constant dense<0.000000e+00> : vector<256x512xf32>
      %dot_general3A_15 = tpu.matmul %get3A_11, %get3A_14, %dot_general3A {dimension_numbers = #tpu.dot_dimension_numbers<[1], [1], [0], [0], [0, 0, 1, 0], [], []>, transpose_lhs_hint = false} : vector<256x1024xbf16>, vector<512x1024xbf16>, vector<256x512xf32> -> vector<256x512xf32>
      %get3A_16 = arith.constant 0 : index
      %get3A_17 = arith.constant 0 : index
      %get3A_18 = vector.load %arg10[%get3A_16, %get3A_17] : memref<512x1024xbf16, #tpu.memory_space<vmem>>, vector<512x1024xbf16>
      %dot_general3A_19 = arith.constant dense<0.000000e+00> : vector<256x512xf32>
      %dot_general3A_20 = tpu.matmul %get3A_11, %get3A_18, %dot_general3A_19 {dimension_numbers = #tpu.dot_dimension_numbers<[1], [1], [0], [0], [0, 0, 1, 0], [], []>, transpose_lhs_hint = false} : vector<256x1024xbf16>, vector<512x1024xbf16>, vector<256x512xf32> -> vector<256x512xf32>
      %neg3A = arith.constant 0.000000e+00 : f32
      %neg3A_21 = vector.broadcast %neg3A : f32 to vector<256x512xf32>
      %neg3A_22 = arith.subf %neg3A_21, %dot_general3A_15 : vector<256x512xf32>
      %exp3A = math.exp %neg3A_22 : vector<256x512xf32>
      %add3A = arith.constant 1.000000e+00 : f32
      %add3A_23 = vector.broadcast %add3A : f32 to vector<256x512xf32>
      %add3A_24 = arith.addf %add3A_23, %exp3A : vector<256x512xf32>
      %div3A = arith.constant 1.000000e+00 : f32
      %div3A_25 = vector.broadcast %div3A : f32 to vector<256x512xf32>
      %div3A_26 = arith.divf %div3A_25, %add3A_24 : vector<256x512xf32>
      %mul3A = arith.mulf %dot_general3A_15, %div3A_26 : vector<256x512xf32>
      %mul3A_27 = arith.mulf %mul3A, %dot_general3A_20 : vector<256x512xf32>
      %convert_element_type3A_28 = arith.truncf %mul3A_27 : vector<256x512xf32> to vector<256x512xbf16>
      %get3A_29 = arith.constant 0 : index
      %get3A_30 = arith.constant 0 : index
      %get3A_31 = vector.load %arg11[%get3A_29, %get3A_30] : memref<1024x512xbf16, #tpu.memory_space<vmem>>, vector<1024x512xbf16>
      %dot_general3A_32 = arith.constant dense<0.000000e+00> : vector<256x1024xf32>
      %dot_general3A_33 = tpu.matmul %convert_element_type3A_28, %get3A_31, %dot_general3A_32 {dimension_numbers = #tpu.dot_dimension_numbers<[1], [1], [0], [0], [0, 0, 1, 0], [], []>, transpose_lhs_hint = false} : vector<256x512xbf16>, vector<1024x512xbf16>, vector<256x1024xf32> -> vector<256x1024xf32>
      %convert_element_type3A_34 = arith.truncf %dot_general3A_33 : vector<256x1024xf32> to vector<256x1024xbf16>
      %swap3A = arith.constant 0 : index
      %swap3A_35 = arith.constant 0 : index
      %swap3A_36 = vector.load %arg8[%swap3A, %swap3A_35] : memref<256x1024xbf16, #tpu.memory_space<vmem>>, vector<256x1024xbf16>
      tpu.vector_store %arg8[%swap3A, %swap3A_35], %convert_element_type3A_34 {strides = array<i32>} : memref<256x1024xbf16, #tpu.memory_space<vmem>>, vector<256x1024xbf16>,
    } else {
    }
    return
  }
  func.func @transform_0(%arg0: i32, %arg1: i32, %arg2: memref<16xi32, #tpu.memory_space<smem>>, %arg3: memref<16xi32, #tpu.memory_space<smem>>) -> (i32, i32) {
    %get3A = arith.index_cast %arg0 : i32 to index
    %get3A_0 = memref.load %arg2[%get3A] : memref<16xi32, #tpu.memory_space<smem>>
    %get3A_1 = arith.index_cast %arg0 : i32 to index
    %get3A_2 = memref.load %arg3[%get3A_1] : memref<16xi32, #tpu.memory_space<smem>>
    %sub3A = arith.constant 1 : i32
    %sub3A_3 = arith.subi %get3A_2, %sub3A : i32
    %max3A = arith.constant 0 : i32
    %max3A_4 = arith.maxsi %sub3A_3, %max3A : i32
    %min3A = arith.minsi %arg1, %max3A_4 : i32
    %add3A = arith.addi %get3A_0, %min3A : i32
    %min3A_5 = arith.constant 79 : i32
    %min3A_6 = arith.minsi %add3A, %min3A_5 : i32
    %c0_i32 = arith.constant 0 : i32
    %c0_i32_7 = arith.constant 0 : i32
    return %min3A_6, %c0_i32 : i32, i32
  }
  func.func @transform_1(%arg0: i32, %arg1: i32, %arg2: memref<16xi32, #tpu.memory_space<smem>>, %arg3: memref<16xi32, #tpu.memory_space<smem>>) -> (i32, i32, i32) {
    %c0_i32 = arith.constant 0 : i32
    %c0_i32_0 = arith.constant 0 : i32
    %c0_i32_1 = arith.constant 0 : i32
    return %arg0, %c0_i32, %c0_i32_0 : i32, i32, i32
  }
  func.func @transform_2(%arg0: i32, %arg1: i32, %arg2: memref<16xi32, #tpu.memory_space<smem>>, %arg3: memref<16xi32, #tpu.memory_space<smem>>) -> (i32, i32, i32) {
    %c0_i32 = arith.constant 0 : i32
    %c0_i32_0 = arith.constant 0 : i32
    %c0_i32_1 = arith.constant 0 : i32
    return %arg0, %c0_i32, %c0_i32_0 : i32, i32, i32
  }
  func.func @transform_3(%arg0: i32, %arg1: i32, %arg2: memref<16xi32, #tpu.memory_space<smem>>, %arg3: memref<16xi32, #tpu.memory_space<smem>>) -> (i32, i32, i32) {
    %c0_i32 = arith.constant 0 : i32
    %c0_i32_0 = arith.constant 0 : i32
    %c0_i32_1 = arith.constant 0 : i32
    return %arg0, %c0_i32, %c0_i32_0 : i32, i32, i32
  }
  func.func @transform_4(%arg0: i32, %arg1: i32, %arg2: memref<16xi32, #tpu.memory_space<smem>>, %arg3: memref<16xi32, #tpu.memory_space<smem>>) -> (i32, i32) {
    %get3A = arith.index_cast %arg0 : i32 to index
    %get3A_0 = memref.load %arg2[%get3A] : memref<16xi32, #tpu.memory_space<smem>>
    %get3A_1 = arith.index_cast %arg0 : i32 to index
    %get3A_2 = memref.load %arg3[%get3A_1] : memref<16xi32, #tpu.memory_space<smem>>
    %sub3A = arith.constant 1 : i32
    %sub3A_3 = arith.subi %get3A_2, %sub3A : i32
    %max3A = arith.constant 0 : i32
    %max3A_4 = arith.maxsi %sub3A_3, %max3A : i32
    %min3A = arith.minsi %arg1, %max3A_4 : i32
    %add3A = arith.addi %get3A_0, %min3A : i32
    %min3A_5 = arith.constant 79 : i32
    %min3A_6 = arith.minsi %add3A, %min3A_5 : i32
    %c0_i32 = arith.constant 0 : i32
    %c0_i32_7 = arith.constant 0 : i32
    return %min3A_6, %c0_i32 : i32, i32
  }
}

module attributes {stable_mosaic.version = 14 : i64} {
  func.func @_final_body(%arg0: i32, %arg1: memref<256x1024xbf16, #tpu.memory_space<vmem>>, %arg2: memref<256x8xf32, #tpu.memory_space<vmem>>, %arg3: memref<8x256x1024xbf16, #tpu.memory_space<vmem>>, %arg4: memref<512x1024xf32, #tpu.memory_space<vmem>>, %arg5: memref<512x1024xf32, #tpu.memory_space<vmem>>, %arg6: memref<1024x512xf32, #tpu.memory_space<vmem>>, %arg7: memref<256x1024xf32, #tpu.memory_space<vmem>>, %arg8: memref<512x1024xbf16, #tpu.memory_space<vmem>>, %arg9: memref<512x1024xbf16, #tpu.memory_space<vmem>>, %arg10: memref<1024x512xbf16, #tpu.memory_space<vmem>>) attributes {dimension_semantics = [#tpu.dimension_semantics<arbitrary>], iteration_bounds = array<i64: 8>, scalar_prefetch = 0 : i64, scratch_operands = 3 : i64, tpu.core_type = #tpu.core_type<tc>, window_params = [{transform_indices = @transform_0, window_bounds = array<i64: 256, 1024>}, {transform_indices = @transform_1, window_bounds = array<i64: 256, 8>}, {transform_indices = @transform_2, window_bounds = array<i64: 8, 256, 1024>}, {pipeline_mode = #tpu.pipeline_mode<synchronous>, transform_indices = @transform_3, window_bounds = array<i64: 512, 1024>}, {pipeline_mode = #tpu.pipeline_mode<synchronous>, transform_indices = @transform_4, window_bounds = array<i64: 512, 1024>}, {pipeline_mode = #tpu.pipeline_mode<synchronous>, transform_indices = @transform_5, window_bounds = array<i64: 1024, 512>}, {transform_indices = @transform_6, window_bounds = array<i64: 256, 1024>}]} {
    %eq3A = arith.constant 0 : i32
    %eq3A_0 = arith.cmpi eq, %arg0, %eq3A : i32
    %convert_element_type3A = arith.extui %eq3A_0 : i1 to i32
    %cond3A = arith.constant 0 : i32
    %cond3A_1 = arith.cmpi ne, %convert_element_type3A, %cond3A : i32
    scf.if %cond3A_1 {
      %get3A_124 = arith.constant 0 : index
      %get3A_125 = arith.constant 0 : index
      %get3A_126 = vector.load %arg4[%get3A_124, %get3A_125] : memref<512x1024xf32, #tpu.memory_space<vmem>>, vector<512x1024xf32>
      %convert_element_type3A_127 = arith.truncf %get3A_126 : vector<512x1024xf32> to vector<512x1024xbf16>
      %swap3A_128 = arith.constant 0 : index
      %swap3A_129 = arith.constant 0 : index
      %swap3A_130 = vector.load %arg8[%swap3A_128, %swap3A_129] : memref<512x1024xbf16, #tpu.memory_space<vmem>>, vector<512x1024xbf16>
      tpu.vector_store %arg8[%swap3A_128, %swap3A_129], %convert_element_type3A_127 {strides = array<i32>} : memref<512x1024xbf16, #tpu.memory_space<vmem>>, vector<512x1024xbf16>,
      %get3A_131 = arith.constant 0 : index
      %get3A_132 = arith.constant 0 : index
      %get3A_133 = vector.load %arg5[%get3A_131, %get3A_132] : memref<512x1024xf32, #tpu.memory_space<vmem>>, vector<512x1024xf32>
      %convert_element_type3A_134 = arith.truncf %get3A_133 : vector<512x1024xf32> to vector<512x1024xbf16>
      %swap3A_135 = arith.constant 0 : index
      %swap3A_136 = arith.constant 0 : index
      %swap3A_137 = vector.load %arg9[%swap3A_135, %swap3A_136] : memref<512x1024xbf16, #tpu.memory_space<vmem>>, vector<512x1024xbf16>
      tpu.vector_store %arg9[%swap3A_135, %swap3A_136], %convert_element_type3A_134 {strides = array<i32>} : memref<512x1024xbf16, #tpu.memory_space<vmem>>, vector<512x1024xbf16>,
      %get3A_138 = arith.constant 0 : index
      %get3A_139 = arith.constant 0 : index
      %get3A_140 = vector.load %arg6[%get3A_138, %get3A_139] : memref<1024x512xf32, #tpu.memory_space<vmem>>, vector<1024x512xf32>
      %convert_element_type3A_141 = arith.truncf %get3A_140 : vector<1024x512xf32> to vector<1024x512xbf16>
      %swap3A_142 = arith.constant 0 : index
      %swap3A_143 = arith.constant 0 : index
      %swap3A_144 = vector.load %arg10[%swap3A_142, %swap3A_143] : memref<1024x512xbf16, #tpu.memory_space<vmem>>, vector<1024x512xbf16>
      tpu.vector_store %arg10[%swap3A_142, %swap3A_143], %convert_element_type3A_141 {strides = array<i32>} : memref<1024x512xbf16, #tpu.memory_space<vmem>>, vector<1024x512xbf16>,
    } else {
    }
    %get3A = arith.constant 0 : index
    %get3A_2 = arith.constant 0 : index
    %get3A_3 = vector.load %arg1[%get3A, %get3A_2] : memref<256x1024xbf16, #tpu.memory_space<vmem>>, vector<256x1024xbf16>
    %get3A_4 = arith.constant 0 : index
    %get3A_5 = arith.constant 0 : index
    %get3A_6 = vector.load %arg8[%get3A_4, %get3A_5] : memref<512x1024xbf16, #tpu.memory_space<vmem>>, vector<512x1024xbf16>
    %dot_general3A = arith.constant dense<0.000000e+00> : vector<256x512xf32>
    %dot_general3A_7 = tpu.matmul %get3A_3, %get3A_6, %dot_general3A {dimension_numbers = #tpu.dot_dimension_numbers<[1], [1], [0], [0], [0, 0, 1, 0], [], []>, transpose_lhs_hint = false} : vector<256x1024xbf16>, vector<512x1024xbf16>, vector<256x512xf32> -> vector<256x512xf32>
    %get3A_8 = arith.constant 0 : index
    %get3A_9 = arith.constant 0 : index
    %get3A_10 = vector.load %arg9[%get3A_8, %get3A_9] : memref<512x1024xbf16, #tpu.memory_space<vmem>>, vector<512x1024xbf16>
    %dot_general3A_11 = arith.constant dense<0.000000e+00> : vector<256x512xf32>
    %dot_general3A_12 = tpu.matmul %get3A_3, %get3A_10, %dot_general3A_11 {dimension_numbers = #tpu.dot_dimension_numbers<[1], [1], [0], [0], [0, 0, 1, 0], [], []>, transpose_lhs_hint = false} : vector<256x1024xbf16>, vector<512x1024xbf16>, vector<256x512xf32> -> vector<256x512xf32>
    %neg3A = arith.constant 0.000000e+00 : f32
    %neg3A_13 = vector.broadcast %neg3A : f32 to vector<256x512xf32>
    %neg3A_14 = arith.subf %neg3A_13, %dot_general3A_7 : vector<256x512xf32>
    %exp3A = math.exp %neg3A_14 : vector<256x512xf32>
    %add3A = arith.constant 1.000000e+00 : f32
    %add3A_15 = vector.broadcast %add3A : f32 to vector<256x512xf32>
    %add3A_16 = arith.addf %add3A_15, %exp3A : vector<256x512xf32>
    %div3A = arith.constant 1.000000e+00 : f32
    %div3A_17 = vector.broadcast %div3A : f32 to vector<256x512xf32>
    %div3A_18 = arith.divf %div3A_17, %add3A_16 : vector<256x512xf32>
    %mul3A = arith.mulf %dot_general3A_7, %div3A_18 : vector<256x512xf32>
    %mul3A_19 = arith.mulf %mul3A, %dot_general3A_12 : vector<256x512xf32>
    %convert_element_type3A_20 = arith.truncf %mul3A_19 : vector<256x512xf32> to vector<256x512xbf16>
    %get3A_21 = arith.constant 0 : index
    %get3A_22 = arith.constant 0 : index
    %get3A_23 = vector.load %arg10[%get3A_21, %get3A_22] : memref<1024x512xbf16, #tpu.memory_space<vmem>>, vector<1024x512xbf16>
    %dot_general3A_24 = arith.constant dense<0.000000e+00> : vector<256x1024xf32>
    %dot_general3A_25 = tpu.matmul %convert_element_type3A_20, %get3A_23, %dot_general3A_24 {dimension_numbers = #tpu.dot_dimension_numbers<[1], [1], [0], [0], [0, 0, 1, 0], [], []>, transpose_lhs_hint = false} : vector<256x512xbf16>, vector<1024x512xbf16>, vector<256x1024xf32> -> vector<256x1024xf32>
    %get3A_26 = arith.constant 0 : index
    %get3A_27 = arith.constant 0 : index
    %get3A_28 = arith.constant 0 : index
    %get3A_29 = vector.load %arg3[%get3A_26, %get3A_27, %get3A_28] : memref<8x256x1024xbf16, #tpu.memory_space<vmem>>, vector<1x256x1024xbf16>
    %get3A_30 = vector.shape_cast %get3A_29 : vector<1x256x1024xbf16> to vector<256x1024xbf16>
    %convert_element_type3A_31 = arith.extf %get3A_30 : vector<256x1024xbf16> to vector<256x1024xf32>
    %get3A_32 = arith.constant 0 : index
    %get3A_33 = arith.constant 0 : index
    %get3A_34 = vector.load %arg2[%get3A_32, %get3A_33] : memref<256x8xf32, #tpu.memory_space<vmem>>, vector<256x1xf32>
    %mul3A_35 = vector.broadcast %get3A_34 : vector<256x1xf32> to vector<256x1024xf32>
    %mul3A_36 = arith.mulf %convert_element_type3A_31, %mul3A_35 : vector<256x1024xf32>
    %add3A_37 = arith.addf %dot_general3A_25, %mul3A_36 : vector<256x1024xf32>
    %get3A_38 = arith.constant 1 : index
    %get3A_39 = arith.constant 0 : index
    %get3A_40 = arith.constant 0 : index
    %get3A_41 = vector.load %arg3[%get3A_38, %get3A_39, %get3A_40] : memref<8x256x1024xbf16, #tpu.memory_space<vmem>>, vector<1x256x1024xbf16>
    %get3A_42 = vector.shape_cast %get3A_41 : vector<1x256x1024xbf16> to vector<256x1024xbf16>
    %convert_element_type3A_43 = arith.extf %get3A_42 : vector<256x1024xbf16> to vector<256x1024xf32>
    %get3A_44 = arith.constant 0 : index
    %get3A_45 = arith.constant 1 : index
    %get3A_46 = vector.load %arg2[%get3A_44, %get3A_45] : memref<256x8xf32, #tpu.memory_space<vmem>>, vector<256x1xf32>
    %mul3A_47 = vector.broadcast %get3A_46 : vector<256x1xf32> to vector<256x1024xf32>
    %mul3A_48 = arith.mulf %convert_element_type3A_43, %mul3A_47 : vector<256x1024xf32>
    %add3A_49 = arith.addf %add3A_37, %mul3A_48 : vector<256x1024xf32>
    %get3A_50 = arith.constant 2 : index
    %get3A_51 = arith.constant 0 : index
    %get3A_52 = arith.constant 0 : index
    %get3A_53 = vector.load %arg3[%get3A_50, %get3A_51, %get3A_52] : memref<8x256x1024xbf16, #tpu.memory_space<vmem>>, vector<1x256x1024xbf16>
    %get3A_54 = vector.shape_cast %get3A_53 : vector<1x256x1024xbf16> to vector<256x1024xbf16>
    %convert_element_type3A_55 = arith.extf %get3A_54 : vector<256x1024xbf16> to vector<256x1024xf32>
    %get3A_56 = arith.constant 0 : index
    %get3A_57 = arith.constant 2 : index
    %get3A_58 = vector.load %arg2[%get3A_56, %get3A_57] : memref<256x8xf32, #tpu.memory_space<vmem>>, vector<256x1xf32>
    %mul3A_59 = vector.broadcast %get3A_58 : vector<256x1xf32> to vector<256x1024xf32>
    %mul3A_60 = arith.mulf %convert_element_type3A_55, %mul3A_59 : vector<256x1024xf32>
    %add3A_61 = arith.addf %add3A_49, %mul3A_60 : vector<256x1024xf32>
    %get3A_62 = arith.constant 3 : index
    %get3A_63 = arith.constant 0 : index
    %get3A_64 = arith.constant 0 : index
    %get3A_65 = vector.load %arg3[%get3A_62, %get3A_63, %get3A_64] : memref<8x256x1024xbf16, #tpu.memory_space<vmem>>, vector<1x256x1024xbf16>
    %get3A_66 = vector.shape_cast %get3A_65 : vector<1x256x1024xbf16> to vector<256x1024xbf16>
    %convert_element_type3A_67 = arith.extf %get3A_66 : vector<256x1024xbf16> to vector<256x1024xf32>
    %get3A_68 = arith.constant 0 : index
    %get3A_69 = arith.constant 3 : index
    %get3A_70 = vector.load %arg2[%get3A_68, %get3A_69] : memref<256x8xf32, #tpu.memory_space<vmem>>, vector<256x1xf32>
    %mul3A_71 = vector.broadcast %get3A_70 : vector<256x1xf32> to vector<256x1024xf32>
    %mul3A_72 = arith.mulf %convert_element_type3A_67, %mul3A_71 : vector<256x1024xf32>
    %add3A_73 = arith.addf %add3A_61, %mul3A_72 : vector<256x1024xf32>
    %get3A_74 = arith.constant 4 : index
    %get3A_75 = arith.constant 0 : index
    %get3A_76 = arith.constant 0 : index
    %get3A_77 = vector.load %arg3[%get3A_74, %get3A_75, %get3A_76] : memref<8x256x1024xbf16, #tpu.memory_space<vmem>>, vector<1x256x1024xbf16>
    %get3A_78 = vector.shape_cast %get3A_77 : vector<1x256x1024xbf16> to vector<256x1024xbf16>
    %convert_element_type3A_79 = arith.extf %get3A_78 : vector<256x1024xbf16> to vector<256x1024xf32>
    %get3A_80 = arith.constant 0 : index
    %get3A_81 = arith.constant 4 : index
    %get3A_82 = vector.load %arg2[%get3A_80, %get3A_81] : memref<256x8xf32, #tpu.memory_space<vmem>>, vector<256x1xf32>
    %mul3A_83 = vector.broadcast %get3A_82 : vector<256x1xf32> to vector<256x1024xf32>
    %mul3A_84 = arith.mulf %convert_element_type3A_79, %mul3A_83 : vector<256x1024xf32>
    %add3A_85 = arith.addf %add3A_73, %mul3A_84 : vector<256x1024xf32>
    %get3A_86 = arith.constant 5 : index
    %get3A_87 = arith.constant 0 : index
    %get3A_88 = arith.constant 0 : index
    %get3A_89 = vector.load %arg3[%get3A_86, %get3A_87, %get3A_88] : memref<8x256x1024xbf16, #tpu.memory_space<vmem>>, vector<1x256x1024xbf16>
    %get3A_90 = vector.shape_cast %get3A_89 : vector<1x256x1024xbf16> to vector<256x1024xbf16>
    %convert_element_type3A_91 = arith.extf %get3A_90 : vector<256x1024xbf16> to vector<256x1024xf32>
    %get3A_92 = arith.constant 0 : index
    %get3A_93 = arith.constant 5 : index
    %get3A_94 = vector.load %arg2[%get3A_92, %get3A_93] : memref<256x8xf32, #tpu.memory_space<vmem>>, vector<256x1xf32>
    %mul3A_95 = vector.broadcast %get3A_94 : vector<256x1xf32> to vector<256x1024xf32>
    %mul3A_96 = arith.mulf %convert_element_type3A_91, %mul3A_95 : vector<256x1024xf32>
    %add3A_97 = arith.addf %add3A_85, %mul3A_96 : vector<256x1024xf32>
    %get3A_98 = arith.constant 6 : index
    %get3A_99 = arith.constant 0 : index
    %get3A_100 = arith.constant 0 : index
    %get3A_101 = vector.load %arg3[%get3A_98, %get3A_99, %get3A_100] : memref<8x256x1024xbf16, #tpu.memory_space<vmem>>, vector<1x256x1024xbf16>
    %get3A_102 = vector.shape_cast %get3A_101 : vector<1x256x1024xbf16> to vector<256x1024xbf16>
    %convert_element_type3A_103 = arith.extf %get3A_102 : vector<256x1024xbf16> to vector<256x1024xf32>
    %get3A_104 = arith.constant 0 : index
    %get3A_105 = arith.constant 6 : index
    %get3A_106 = vector.load %arg2[%get3A_104, %get3A_105] : memref<256x8xf32, #tpu.memory_space<vmem>>, vector<256x1xf32>
    %mul3A_107 = vector.broadcast %get3A_106 : vector<256x1xf32> to vector<256x1024xf32>
    %mul3A_108 = arith.mulf %convert_element_type3A_103, %mul3A_107 : vector<256x1024xf32>
    %add3A_109 = arith.addf %add3A_97, %mul3A_108 : vector<256x1024xf32>
    %get3A_110 = arith.constant 7 : index
    %get3A_111 = arith.constant 0 : index
    %get3A_112 = arith.constant 0 : index
    %get3A_113 = vector.load %arg3[%get3A_110, %get3A_111, %get3A_112] : memref<8x256x1024xbf16, #tpu.memory_space<vmem>>, vector<1x256x1024xbf16>
    %get3A_114 = vector.shape_cast %get3A_113 : vector<1x256x1024xbf16> to vector<256x1024xbf16>
    %convert_element_type3A_115 = arith.extf %get3A_114 : vector<256x1024xbf16> to vector<256x1024xf32>
    %get3A_116 = arith.constant 0 : index
    %get3A_117 = arith.constant 7 : index
    %get3A_118 = vector.load %arg2[%get3A_116, %get3A_117] : memref<256x8xf32, #tpu.memory_space<vmem>>, vector<256x1xf32>
    %mul3A_119 = vector.broadcast %get3A_118 : vector<256x1xf32> to vector<256x1024xf32>
    %mul3A_120 = arith.mulf %convert_element_type3A_115, %mul3A_119 : vector<256x1024xf32>
    %add3A_121 = arith.addf %add3A_109, %mul3A_120 : vector<256x1024xf32>
    %swap3A = arith.constant 0 : index
    %swap3A_122 = arith.constant 0 : index
    %swap3A_123 = vector.load %arg7[%swap3A, %swap3A_122] : memref<256x1024xf32, #tpu.memory_space<vmem>>, vector<256x1024xf32>
    tpu.vector_store %arg7[%swap3A, %swap3A_122], %add3A_121 {strides = array<i32>} : memref<256x1024xf32, #tpu.memory_space<vmem>>, vector<256x1024xf32>,
    return
  }
  func.func @transform_0(%arg0: i32) -> (i32, i32) {
    %c0_i32 = arith.constant 0 : i32
    %c0_i32_0 = arith.constant 0 : i32
    return %arg0, %c0_i32 : i32, i32
  }
  func.func @transform_1(%arg0: i32) -> (i32, i32) {
    %c0_i32 = arith.constant 0 : i32
    %c0_i32_0 = arith.constant 0 : i32
    return %arg0, %c0_i32 : i32, i32
  }
  func.func @transform_2(%arg0: i32) -> (i32, i32, i32) {
    %c0_i32 = arith.constant 0 : i32
    %c0_i32_0 = arith.constant 0 : i32
    %c0_i32_1 = arith.constant 0 : i32
    return %c0_i32, %arg0, %c0_i32_0 : i32, i32, i32
  }
  func.func @transform_3(%arg0: i32) -> (i32, i32) {
    %c0_i32 = arith.constant 0 : i32
    %c0_i32_0 = arith.constant 0 : i32
    %c0_i32_1 = arith.constant 0 : i32
    return %c0_i32, %c0_i32_0 : i32, i32
  }
  func.func @transform_4(%arg0: i32) -> (i32, i32) {
    %c0_i32 = arith.constant 0 : i32
    %c0_i32_0 = arith.constant 0 : i32
    %c0_i32_1 = arith.constant 0 : i32
    return %c0_i32, %c0_i32_0 : i32, i32
  }
  func.func @transform_5(%arg0: i32) -> (i32, i32) {
    %c0_i32 = arith.constant 0 : i32
    %c0_i32_0 = arith.constant 0 : i32
    %c0_i32_1 = arith.constant 0 : i32
    return %c0_i32, %c0_i32_0 : i32, i32
  }
  func.func @transform_6(%arg0: i32) -> (i32, i32) {
    %c0_i32 = arith.constant 0 : i32
    %c0_i32_0 = arith.constant 0 : i32
    return %arg0, %c0_i32 : i32, i32
  }
}

</mosaic_0001>

<sc_bundles>
// kernel: kernel.11.cloned.1.call-start
scs
__scs_entry_jumppad:
0x0: {  	(pc) =	sbr.rel $0x88, $3  }
0x1: {  	(tag) =	ssettag $0x0;
	lr =	simm.s32 $0x1  }
0x2: {  	[smem:$0x3F99] =	sst lr;
	_ =	strace $0xD0000000  }
0x3: {  	_ = 	snop  }
0x4: {  	_ = 	snop  }
0x5: {  	_ = 	snop  }
0x6: {  	_ = 	snop  }
0x7: {  	_ = 	snop  }
__scs_overlays_trampoline_lowered:
0x8: {  	[smem:$0x3FA8] =	sst s0  }
0x9: {  	[smem:$0x3FA9] =	sst s1  }
0xa: {  	[smem:$0x3FAA] =	sst s2  }
0xb: {  	[smem:$0x3FAB] =	sst s3  }
0xc: {  	[smem:$0x3FAC] =	sst s4  }
0xd: {  	[smem:$0x3FAD] =	sst s5  }
0xe: {  	[smem:$0x3FAE] =	sst s6  }
0xf: {  	[smem:$0x3FAF] =	sst s7  }
0x10: {  	[smem:$0x3FB0] =	sst s8  }
0x11: {  	[smem:$0x3FB1] =	sst s9;
	s0 =	simm.s32 @!p0 $0x0  }
0x12: {  	s1 =	sld [smem:$0x3F97];
	s0 =	simm.s32 @p0 $0x1  }
0x13: {  	[smem:$0x3FB2] =	sst s0;
	s0 =	simm.s32 @!p1 $0x0  }
0x14: {  	s2 =	sld [smem:$0x3F96];
	s0 =	simm.s32 @p1 $0x1  }
0x15: {  	[smem:$0x3FB3] =	sst s0;
	s0 =	simm.s32 @!p2 $0x0  }
0x16: {  	s3 =	sld [smem:$0x3FDB];
	s0 =	simm.s32 @p2 $0x1  }
0x17: {  	s4 =	simm.s32 $0x1BF5;
	[smem:$0x3FB5] =	sst s0  }
0x18: {  	s0 =	sld [smem:$0x3F98];
	_ =	swait.ge [sflag:s4], $0x0  }
0x19: {  	s7 =	sld [smem:$0x3F99]  }
0x1a: {  	s8 =	sadd.s32 $0xFFFFE003, lr  }
0x1b: {  	s9 =	sadd.s32 $0xFFFFFEF7, lr;
	s5 =	simm.s32 $0xFFFFFFFF;
	p2 =	slt.u32 s8, $0xFFFFF086  }
0x1c: {  	p1 =	slt.u32 s9, $0xF7A;
	s5 =	simm.s32 @!p2 $0x0  }
0x1d: {  	s5 =	simm.s32 @p1 $0x1;
	p0 =	seq.s32 s7, s2  }
0x1e: {  	s7 =	smul.u32 @!p0 $0xF7A, s2;
	p2 =	seq.s32 @!p0 s5, $0x0  }
0x1f: {  	s9 =	smul.u32 $0xF7A, s1;
	s8 =	simm.s32 @!p0 $0x1BF5;
	p2 =	por !p2, p0  }
0x20: {  	[sflag:s8] =	ssyncset.s32 @!p0 $0xFFFFF086;
	s6 =	sadd.s32 @!p0 s3, s7;
	s7 =	simm.s32 @!p0 $0x108  }
0x21: {  	s3 =	sadd.s32 s3, s9;
	s6 =	sadd.s32 @!p0 $0x88, s6;
	s7 =	simm.s32 @p2 $0x1082  }
0x22: {  	[simem:s7], [sflag:s8] =	dma.local @!p0 [hbm:s6], $0xF7A  }
0x23: {  	s9 =	sor.u32 $0xD0000000, s2;
	s6 =	simm.s32 $0x108;
	_ =	swait.ge @!p0 [sflag:s8], $0x0  }
0x24: {  	s3 =	sadd.s32 $0x88, s3;
	s6 =	simm.s32 @!p1 $0x1082;
	[sflag:s4] =	ssyncset.s32 $0xFFFFF086  }
0x25: {  	[simem:s6], [sflag:s4] =	dma.local [hbm:s3], $0xF7A  }
0x26: {  	[smem:$0x3F99] =	sst s1;
	(tag) =	ssettag s2;
	_ =	strace s9  }
0x27: {  	s1 =	sld [smem:$0x3FA9]  }
0x28: {  	s2 =	sld [smem:$0x3FAA]  }
0x29: {  	s4 =	sld [smem:$0x3FAC]  }
0x2a: {  	p0 =	seq.s32 s5, $0x0;
	s5 =	sld [smem:$0x3FAD]  }
0x2b: {  	s6 =	sld [smem:$0x3FAE]  }
0x2c: {  	s7 =	sld [smem:$0x3FAF]  }
0x2d: {  	s3 =	simm.s32 $0x108;
	s8 =	sld [smem:$0x3FB0]  }
0x2e: {  	s3 =	simm.s32 @!p0 $0x1082;
	s9 =	sld [smem:$0x3FB1]  }
0x2f: {  	lr =	sadd.s32 s0, s3;
	s0 =	sld [smem:$0x3FA8]  }
0x30: {  	s3 =	sld [smem:$0x3FAB]  }
0x31: {  	[smem:$0x3FB4] =	sst s10  }
0x32: {  	s10 =	sld [smem:$0x3FB2];
	_ =	sdelay $0x3  }
0x33: {  	p0 =	seq.s32 s10, $0x1;
	s10 =	sld [smem:$0x3FB4];
	_ =	sdelay $0x3  }
0x34: {  	[smem:$0x3FB4] =	sst s10  }
0x35: {  	s10 =	sld [smem:$0x3FB3];
	_ =	sdelay $0x3  }
0x36: {  	p1 =	seq.s32 s10, $0x1;
	s10 =	sld [smem:$0x3FB4];
	_ =	sdelay $0x3  }
0x37: {  	[smem:$0x3FB4] =	sst s10  }
0x38: {  	s10 =	sld [smem:$0x3FB5]  }
0x39: {  	_ = 	snop;
	(pc) =	sbr.ind lr, $3  }
0x3a: {  	_ = 	snop  }
0x3b: {  	_ = 	snop  }
0x3c: {  	p2 =	seq.s32 s10, $0x1;
	s10 =	sld [smem:$0x3FB4]  }
0x3d: {  	_ =	shalt  }
0x3e: {  	_ =	shalt  }
0x3f: {  	_ =	shalt  }
0x40: {  	_ =	shalt  }
0x41: {  	_ =	shalt  }
0x42: {  	_ =	shalt  }
0x43: {  	_ =	shalt  }
0x44: {  	_ =	shalt  }
0x45: {  	_ =	shalt  }
0x46: {  	_ =	shalt  }
0x47: {  	_ =	shalt  }
0x48: {  	_ =	shalt  }
0x49: {  	_ =	shalt  }
0x4a: {  	_ =	shalt  }
0x4b: {  	_ =	shalt  }
0x4c: {  	_ =	shalt  }
0x4d: {  	_ =	shalt  }
0x4e: {  	_ =	shalt  }
0x4f: {  	_ =	shalt  }
0x50: {  	_ =	shalt  }
0x51: {  	_ =	shalt  }
0x52: {  	_ =	shalt  }
0x53: {  	_ =	shalt  }
0x54: {  	_ =	shalt  }
0x55: {  	_ =	shalt  }
0x56: {  	_ =	shalt  }
0x57: {  	_ =	shalt  }
0x58: {  	_ =	shalt  }
0x59: {  	_ =	shalt  }
0x5a: {  	_ =	shalt  }
0x5b: {  	_ =	shalt  }
0x5c: {  	_ =	shalt  }
0x5d: {  	_ =	shalt  }
0x5e: {  	_ =	shalt  }
0x5f: {  	_ =	shalt  }
0x60: {  	_ =	shalt  }
0x61: {  	_ =	shalt  }
0x62: {  	_ =	shalt  }
0x63: {  	_ =	shalt  }
0x64: {  	_ =	shalt  }
0x65: {  	_ =	shalt  }
0x66: {  	_ =	shalt  }
0x67: {  	_ =	shalt  }
0x68: {  	_ =	shalt  }
0x69: {  	_ =	shalt  }
0x6a: {  	_ =	shalt  }
0x6b: {  	_ =	shalt  }
0x6c: {  	_ =	shalt  }
0x6d: {  	_ =	shalt  }
0x6e: {  	_ =	shalt  }
0x6f: {  	_ =	shalt  }
0x70: {  	_ =	shalt  }
0x71: {  	_ =	shalt  }
0x72: {  	_ =	shalt  }
0x73: {  	_ =	shalt  }
0x74: {  	_ =	shalt  }
0x75: {  	_ =	shalt  }
0x76: {  	_ =	shalt  }
0x77: {  	_ =	shalt  }
0x78: {  	_ =	shalt  }
0x79: {  	_ =	shalt  }
0x7a: {  	_ =	shalt  }
0x7b: {  	_ =	shalt  }
0x7c: {  	_ =	shalt  }
0x7d: {  	_ =	shalt  }
0x7e: {  	_ =	shalt  }
0x7f: {  	_ =	shalt  }
0x80: {  	_ =	shalt  }
0x81: {  	_ =	shalt  }
0x82: {  	_ =	shalt  }
0x83: {  	_ =	shalt  }
0x84: {  	_ =	shalt  }
0x85: {  	_ =	shalt  }
0x86: {  	_ =	shalt  }
0x87: {  	_ =	shalt  }
.Lfunc_end0:
.L_simem_size_0:
called_computation.6_lowered:
.L_overlay_start_0:
0x88: {  	s2 =	sld [smem:$0x3FD9]  }
0x89: {  	s3 =	sld [smem:$0x3FFE];
	_ =	sdelay $0x1  }
0x8a: {  	s1 =	srdreg.scid  }
0x8b: {  	s0 =	sand.u32 $0x1, s1  }
0x8c: {  	s16 =	sshll.u32 s0, $0xA;
	s2 =	sadd.s32 s3, s2  }
0x8d: {  	s2 =	sadd.s32 s2, s16  }
0x8e: {  	[smem:$0x3FC0] =	sst s2  }
0x8f: {  	_ = 	snop  }
0x90: {  	(tm) =	ssettm $0x1  }
0x91: {  	s17 =	sld [smem:$0x3FFB];
	_ =	sdelay $0x3  }
0x92: {  	_ =	strace s17  }
0x93: {  	s2 =	sld [smem:$0x3FFC];
	_ =	sdelay $0x3  }
0x94: {  	_ =	strace s2  }
0x95: {  	s2 =	sld [smem:$0x3FFD];
	_ =	sdelay $0x3  }
0x96: {  	_ =	strace s2  }
0x97: {  	_ =	strace $0x8FFFFFFF  }
0x98: {  	s18 =	sld [smem:$0x3FDB];
	_ =	sdelay $0x1  }
0x99: {  	s19 =	simm.s32 $_scs_section_size  }
0x9a: {  	s4 =	simm.s32 $_size__tile_overlayer_lowered;
	s5 =	simm.s32 $_tile_overlayer_lowered  }
0x9b: {  	s22 =	simm.s32 $0x1BFF;
	s21 =	sshll.u32 s5, $0x1;
	s2 =	sadd.s32 s19, s18  }
0x9c: {  	s6 =	simm.s32 $0x0;
	s20 =	sshll.u32 s4, $0x1;
	s4 =	sadd.s32 s21, s2  }
0x9d: {  	[timem:s6], [sflag:s22] =	dma.local [hbm:s4], s20  }
0x9e: {  	_ =	swait.ge [sflag:s22], s20  }
0x9f: {  	s3 =	ssub.s32 $0x0, s20;
	[sflag:s22] =	ssyncset.done $0x0  }
0xa0: {  	[sflag:s22] =	ssyncadd.s32 s3;
	_ =	sdelay $0x1  }
0xa1: {  	s23 =	simm.s32 $0x1B8B  }
0xa2: {  	_ =	swait.ge [sflag:s23], $0x1  }
0xa3: {  	[sflag:s23] =	ssyncset.done $0x0  }
0xa4: {  	s25 =	simm.s32 $0x1B8E;
	s24 =	sld [smem:$0x3FFE];
	[sflag:s23] =	ssyncadd.s32 $0xFFFFFFFF  }
0xa5: {  	s26 =	simm.s32 $execute0_lowered;
	[smem:$0x3FD2] =	sst s25  }
0xa6: {  	s4 =	sshll.u32 s26, $0x1;
	_ =	strace $0x80000052;
	[dreg:$0x1] =	wrdreg $0xFFFFFFFF  }
0xa7: {  	s28 =	simm.s32 $_size_execute0_lowered;
	s2 =	sadd.s32 s2, s4;
	[dreg:$0x0] =	wrdreg $0x0  }
0xa8: {  	s4 =	sshll.u32 s28, $0x1;
	[dreg:$0x2] =	wrdreg s2  }
0xa9: {  	[dreg:$0x3] =	wrdreg s4  }
0xaa: {  	[dreg:$0x4] =	wrdreg $0xC0  }
0xab: {  	_ =	task [dreg:s6], $0x5FFFF  }
0xac: {  	[dreg:$0x1] =	wrdreg $0xFFFFFFFF  }
0xad: {  	[dreg:$0x0] =	wrdreg $0x60  }
0xae: {  	[dreg:$0x2] =	wrdreg s24  }
0xaf: {  	[dreg:$0x3] =	wrdreg $0x9  }
0xb0: {  	_ =	task.clear_ibuf [dreg:s6], $0x4FFFF;
	_ =	strace $0x90000052  }
0xb1: {  	s29 =	simm.s32 $0x9;
	_ =	strace $0x80000054  }
0xb2: {  	_ =	swait.ge [sflag:s29], $0x1  }
0xb3: {  	[sflag:s29] =	ssyncadd.s32 $0xFFFFFFFF  }
0xb4: {  	_ =	strace $0x90000054  }
0xb5: {  	_ =	sfence  }
0xb6: {  	s30 =	sld [smem:$0x0];
	_ =	sdelay $0x2  }
0xb7: {  	s31 =	sshll.u32 s1, $0xD;
	s1 =	sshrl.u32 s1, $0x2  }
0xb8: {  	s3 =	sand.u32 $0x4000, s31;
	s1 =	sadd.s32 s1, s30  }
0xb9: {  	s0 =	sor.u32 s3, s0;
	s1 =	sshll.u32 s1, $0x11  }
0xba: {  	s0 =	sor.u32 s1, s0  }
0xbb: {  	s0 =	sadd.s32 $0x8F2B, s0  }
0xbc: {  	[sflag:s0] =	ssyncadd.remote.s32 $0x1  }
0xbd: {  	_ =	sfence.sel $0xFFFF  }
0xbe: {  	[dreg:$0x0] =	wrdreg $0xFFFFFFFF;
	(pc) =	sbr.abs _section_cstart, $3  }
0xbf: {  	[dreg:$0x1] =	wrdreg $0xFFFFFFFF  }
0xc0: {  	_ =	task.clear_ibuf [dreg:s6], $0x2FFFF;
	_ =	strace $0x9FFFFFFF  }
0xc1: {  	(tm) =	ssettm $0x7FFFFFFF  }
tec
execute0_lowered:
.L_overlay_start_1:
0x0: {  	(tag) =	ssettag $0x1  }
0x1: {  	s1 =	srdreg.scid;
	s0 =	stileid.u32  }
0x2: {  	s22 =	sand.u32 $0x1, s1;
	s31 =	sshll.u32 s0, $0x1  }
0x3: {  	s9 =	rddreg [dreg:$0x0];
	s10 =	sor.u32 s22, s31  }
0x4: {  	s2 =	simm.s32 $0x0;
	s1 =	rddreg [dreg:$0x1];
	s3 =	sshll.u32 s10, $0x7  }
0x5: {  	[smem:$0x7FF] =	sst s2;
	s3 =	sadd.s32 s3, s9  }
0x6: {  	_ =	strace $0x80000053;
	s4 =	sadd.s32 $0x2B800, s3;
	s3 =	simm.s32 $0x2  }
0x7: {  	[tilespmem:s2], [sflag:$0x2] =	stream.linear.gather [hbm4b:s4+s2], $0x400, $0x38;
	[tilespmem:$0x8400] =	vst v63  }
0x8: {  	_ =	swait.ge [sflag:s3], $0x400  }
0x9: {  	s6 =	simm.s32 $0x40;
	s7 =	simm.s32 $0x400;
	[sflag:s3] =	ssyncset.done $0x0  }
0xa: {  	s8 =	simm.s32 $0x1;
	s5 =	sadd.s32 $0x16C800, s9;
	[sflag:s3] =	ssyncadd.s32 $0xFFFFFC00  }
0xb: {  	[tilespmem:s7], [sflag:$0x1] =	stream.indirect.gather [hbm4b:s5+s6], $0x200, s2, s6, $0xb8;
	[tilespmem:$0x8400] =	vst v63  }
0xc: {  	s10 =	sshll.u32 s10, $0xC;
	_ =	swait.ge [sflag:s8], $0x8000  }
0xd: {  	s23 =	sadd.s32 s10, s9;
	[sflag:s8] =	ssyncset.done $0x0  }
0xe: {  	s9 =	sadd.s32 $0x2C800, s23;
	[sflag:s8] =	ssyncadd.s32 $0xFFFF8000  }
0xf: {  	[hbm4b:s9+s2] =	stream.linear.scatter [tilespmem:s7], [sflag:$0x2], $0x8000, $0x38;
	[tilespmem:$0x8400] =	vst v63  }
0x10: {  	_ =	swait.ge [sflag:s3], $0x8000  }
0x11: {  	[sflag:s3] =	ssyncset.done $0x0  }
0x12: {  	s10 =	simm.s32 $0x80;
	[sflag:s3] =	ssyncadd.s32 $0xFFFF8000  }
0x13: {  	[tilespmem:s7], [sflag:$0x1] =	stream.indirect.gather [hbm4b:s5+s6], $0x200, s10, s6, $0xb8;
	[tilespmem:$0x8400] =	vst v63  }
0x14: {  	_ =	swait.ge [sflag:s8], $0x8000  }
0x15: {  	[sflag:s8] =	ssyncset.done $0x0  }
0x16: {  	s11 =	sadd.s32 $0x4C800, s23;
	[sflag:s8] =	ssyncadd.s32 $0xFFFF8000  }
0x17: {  	[hbm4b:s11+s2] =	stream.linear.scatter [tilespmem:s7], [sflag:$0x2], $0x8000, $0x38;
	[tilespmem:$0x8400] =	vst v63  }
0x18: {  	_ =	swait.ge [sflag:s3], $0x8000  }
0x19: {  	[sflag:s3] =	ssyncset.done $0x0  }
0x1a: {  	s12 =	simm.s32 $0x100;
	[sflag:s3] =	ssyncadd.s32 $0xFFFF8000  }
0x1b: {  	[tilespmem:s7], [sflag:$0x1] =	stream.indirect.gather [hbm4b:s5+s6], $0x200, s12, s6, $0xb8;
	[tilespmem:$0x8400] =	vst v63  }
0x1c: {  	_ =	swait.ge [sflag:s8], $0x8000  }
0x1d: {  	[sflag:s8] =	ssyncset.done $0x0  }
0x1e: {  	s13 =	sadd.s32 $0x6C800, s23;
	[sflag:s8] =	ssyncadd.s32 $0xFFFF8000  }
0x1f: {  	[hbm4b:s13+s2] =	stream.linear.scatter [tilespmem:s7], [sflag:$0x2], $0x8000, $0x38;
	[tilespmem:$0x8400] =	vst v63  }
0x20: {  	_ =	swait.ge [sflag:s3], $0x8000  }
0x21: {  	[sflag:s3] =	ssyncset.done $0x0  }
0x22: {  	s14 =	simm.s32 $0x180;
	[sflag:s3] =	ssyncadd.s32 $0xFFFF8000  }
0x23: {  	[tilespmem:s7], [sflag:$0x1] =	stream.indirect.gather [hbm4b:s5+s6], $0x200, s14, s6, $0xb8;
	[tilespmem:$0x8400] =	vst v63  }
0x24: {  	_ =	swait.ge [sflag:s8], $0x8000  }
0x25: {  	[sflag:s8] =	ssyncset.done $0x0  }
0x26: {  	s15 =	sadd.s32 $0x8C800, s23;
	[sflag:s8] =	ssyncadd.s32 $0xFFFF8000  }
0x27: {  	[hbm4b:s15+s2] =	stream.linear.scatter [tilespmem:s7], [sflag:$0x2], $0x8000, $0x38;
	[tilespmem:$0x8400] =	vst v63  }
0x28: {  	_ =	swait.ge [sflag:s3], $0x8000  }
0x29: {  	[sflag:s3] =	ssyncset.done $0x0  }
0x2a: {  	s16 =	simm.s32 $0x200;
	[sflag:s3] =	ssyncadd.s32 $0xFFFF8000  }
0x2b: {  	[tilespmem:s7], [sflag:$0x1] =	stream.indirect.gather [hbm4b:s5+s6], $0x200, s16, s6, $0xb8;
	[tilespmem:$0x8400] =	vst v63  }
0x2c: {  	_ =	swait.ge [sflag:s8], $0x8000  }
0x2d: {  	[sflag:s8] =	ssyncset.done $0x0  }
0x2e: {  	s17 =	sadd.s32 $0xAC800, s23;
	[sflag:s8] =	ssyncadd.s32 $0xFFFF8000  }
0x2f: {  	[hbm4b:s17+s2] =	stream.linear.scatter [tilespmem:s7], [sflag:$0x2], $0x8000, $0x38;
	[tilespmem:$0x8400] =	vst v63  }
0x30: {  	_ =	swait.ge [sflag:s3], $0x8000  }
0x31: {  	[sflag:s3] =	ssyncset.done $0x0  }
0x32: {  	s18 =	simm.s32 $0x280;
	[sflag:s3] =	ssyncadd.s32 $0xFFFF8000  }
0x33: {  	[tilespmem:s7], [sflag:$0x1] =	stream.indirect.gather [hbm4b:s5+s6], $0x200, s18, s6, $0xb8;
	[tilespmem:$0x8400] =	vst v63  }
0x34: {  	_ =	swait.ge [sflag:s8], $0x8000  }
0x35: {  	[sflag:s8] =	ssyncset.done $0x0  }
0x36: {  	s19 =	sadd.s32 $0xCC800, s23;
	[sflag:s8] =	ssyncadd.s32 $0xFFFF8000  }
0x37: {  	[hbm4b:s19+s2] =	stream.linear.scatter [tilespmem:s7], [sflag:$0x2], $0x8000, $0x38;
	[tilespmem:$0x8400] =	vst v63  }
0x38: {  	_ =	swait.ge [sflag:s3], $0x8000  }
0x39: {  	[sflag:s3] =	ssyncset.done $0x0  }
0x3a: {  	s20 =	simm.s32 $0x300;
	[sflag:s3] =	ssyncadd.s32 $0xFFFF8000  }
0x3b: {  	[tilespmem:s7], [sflag:$0x1] =	stream.indirect.gather [hbm4b:s5+s6], $0x200, s20, s6, $0xb8;
	[tilespmem:$0x8400] =	vst v63  }
0x3c: {  	_ =	swait.ge [sflag:s8], $0x8000  }
0x3d: {  	[sflag:s8] =	ssyncset.done $0x0  }
0x3e: {  	s24 =	ssub.s32 $0x2, s22;
	s21 =	sadd.s32 $0xEC800, s23;
	[sflag:s8] =	ssyncadd.s32 $0xFFFF8000  }
0x3f: {  	[hbm4b:s21+s2] =	stream.linear.scatter [tilespmem:s7], [sflag:$0x2], $0x8000, $0x38;
	[tilespmem:$0x8400] =	vst v63  }
0x40: {  	s25 =	sshrl.u32 s24, $0x1;
	_ =	swait.ge [sflag:s3], $0x8000  }
0x41: {  	s24 =	ssub.s32 s24, s25;
	[sflag:s3] =	ssyncset.done $0x0  }
0x42: {  	s22 =	simm.s32 $0x380;
	s24 =	smax.u32 s24, $0x1;
	[sflag:s3] =	ssyncadd.s32 $0xFFFF8000  }
0x43: {  	[tilespmem:s7], [sflag:$0x1] =	stream.indirect.gather [hbm4b:s5+s6], $0x200, s22, s6, $0xb8;
	[tilespmem:$0x8400] =	vst v63  }
0x44: {  	p0 =	sne.s32 s24, $0x1;
	_ =	swait.ge [sflag:s8], $0x8000  }
.Ltmp0:
0x45: {  	[sflag:s8] =	ssyncset.done $0x0;
	(pc) =	sbr.rel @!p0 .LBB2_2-.Ltmp0, $4  }
0x46: {  	s23 =	sadd.s32 $0x10C800, s23;
	[sflag:s8] =	ssyncadd.s32 $0xFFFF8000  }
0x47: {  	[hbm4b:s23+s2] =	stream.linear.scatter [tilespmem:s7], [sflag:$0x2], $0x8000, $0x38;
	[tilespmem:$0x8400] =	vst v63  }
0x48: {  	_ =	swait.ge [sflag:s3], $0x8000  }
0x49: {  	s24 =	sadd.s32 $0xFFFFFFFF, s24;
	[sflag:s3] =	ssyncset.done $0x0  }
.LBB2_1:
0x4a: {  	p0 =	sne.s32 s24, $0x1;
	s24 =	sadd.s32 $0xFFFFFFFF, s24;
	[sflag:s3] =	ssyncadd.s32 $0xFFFF8000  }
0x4b: {  	[tilespmem:s2], [sflag:$0x2] =	stream.linear.gather [hbm4b:s4+s2], $0x400, $0x38;
	[tilespmem:$0x8400] =	vst v63  }
0x4c: {  	_ =	swait.ge [sflag:s3], $0x400  }
0x4d: {  	[sflag:s3] =	ssyncset.done $0x0  }
0x4e: {  	[sflag:s3] =	ssyncadd.s32 $0xFFFFFC00  }
0x4f: {  	[tilespmem:s7], [sflag:$0x1] =	stream.indirect.gather [hbm4b:s5+s6], $0x200, s2, s6, $0xb8;
	[tilespmem:$0x8400] =	vst v63  }
0x50: {  	_ =	swait.ge [sflag:s8], $0x8000  }
0x51: {  	[sflag:s8] =	ssyncset.done $0x0  }
0x52: {  	[sflag:s8] =	ssyncadd.s32 $0xFFFF8000  }
0x53: {  	[hbm4b:s9+s2] =	stream.linear.scatter [tilespmem:s7], [sflag:$0x2], $0x8000, $0x38;
	[tilespmem:$0x8400] =	vst v63  }
0x54: {  	_ =	swait.ge [sflag:s3], $0x8000  }
0x55: {  	[sflag:s3] =	ssyncset.done $0x0  }
0x56: {  	[sflag:s3] =	ssyncadd.s32 $0xFFFF8000  }
0x57: {  	[tilespmem:s7], [sflag:$0x1] =	stream.indirect.gather [hbm4b:s5+s6], $0x200, s10, s6, $0xb8;
	[tilespmem:$0x8400] =	vst v63  }
0x58: {  	_ =	swait.ge [sflag:s8], $0x8000  }
0x59: {  	[sflag:s8] =	ssyncset.done $0x0  }
0x5a: {  	[sflag:s8] =	ssyncadd.s32 $0xFFFF8000  }
0x5b: {  	[hbm4b:s11+s2] =	stream.linear.scatter [tilespmem:s7], [sflag:$0x2], $0x8000, $0x38;
	[tilespmem:$0x8400] =	vst v63  }
0x5c: {  	_ =	swait.ge [sflag:s3], $0x8000  }
0x5d: {  	[sflag:s3] =	ssyncset.done $0x0  }
0x5e: {  	[sflag:s3] =	ssyncadd.s32 $0xFFFF8000  }
0x5f: {  	[tilespmem:s7], [sflag:$0x1] =	stream.indirect.gather [hbm4b:s5+s6], $0x200, s12, s6, $0xb8;
	[tilespmem:$0x8400] =	vst v63  }
0x60: {  	_ =	swait.ge [sflag:s8], $0x8000  }
0x61: {  	[sflag:s8] =	ssyncset.done $0x0  }
0x62: {  	[sflag:s8] =	ssyncadd.s32 $0xFFFF8000  }
0x63: {  	[hbm4b:s13+s2] =	stream.linear.scatter [tilespmem:s7], [sflag:$0x2], $0x8000, $0x38;
	[tilespmem:$0x8400] =	vst v63  }
0x64: {  	_ =	swait.ge [sflag:s3], $0x8000  }
0x65: {  	[sflag:s3] =	ssyncset.done $0x0  }
0x66: {  	[sflag:s3] =	ssyncadd.s32 $0xFFFF8000  }
0x67: {  	[tilespmem:s7], [sflag:$0x1] =	stream.indirect.gather [hbm4b:s5+s6], $0x200, s14, s6, $0xb8;
	[tilespmem:$0x8400] =	vst v63  }
0x68: {  	_ =	swait.ge [sflag:s8], $0x8000  }
0x69: {  	[sflag:s8] =	ssyncset.done $0x0  }
0x6a: {  	[sflag:s8] =	ssyncadd.s32 $0xFFFF8000  }
0x6b: {  	[hbm4b:s15+s2] =	stream.linear.scatter [tilespmem:s7], [sflag:$0x2], $0x8000, $0x38;
	[tilespmem:$0x8400] =	vst v63  }
0x6c: {  	_ =	swait.ge [sflag:s3], $0x8000  }
0x6d: {  	[sflag:s3] =	ssyncset.done $0x0  }
0x6e: {  	[sflag:s3] =	ssyncadd.s32 $0xFFFF8000  }
0x6f: {  	[tilespmem:s7], [sflag:$0x1] =	stream.indirect.gather [hbm4b:s5+s6], $0x200, s16, s6, $0xb8;
	[tilespmem:$0x8400] =	vst v63  }
0x70: {  	_ =	swait.ge [sflag:s8], $0x8000  }
0x71: {  	[sflag:s8] =	ssyncset.done $0x0  }
0x72: {  	[sflag:s8] =	ssyncadd.s32 $0xFFFF8000  }
0x73: {  	[hbm4b:s17+s2] =	stream.linear.scatter [tilespmem:s7], [sflag:$0x2], $0x8000, $0x38;
	[tilespmem:$0x8400] =	vst v63  }
0x74: {  	_ =	swait.ge [sflag:s3], $0x8000  }
0x75: {  	[sflag:s3] =	ssyncset.done $0x0  }
0x76: {  	[sflag:s3] =	ssyncadd.s32 $0xFFFF8000  }
0x77: {  	[tilespmem:s7], [sflag:$0x1] =	stream.indirect.gather [hbm4b:s5+s6], $0x200, s18, s6, $0xb8;
	[tilespmem:$0x8400] =	vst v63  }
0x78: {  	_ =	swait.ge [sflag:s8], $0x8000  }
0x79: {  	[sflag:s8] =	ssyncset.done $0x0  }
0x7a: {  	[sflag:s8] =	ssyncadd.s32 $0xFFFF8000  }
0x7b: {  	[hbm4b:s19+s2] =	stream.linear.scatter [tilespmem:s7], [sflag:$0x2], $0x8000, $0x38;
	[tilespmem:$0x8400] =	vst v63  }
0x7c: {  	_ =	swait.ge [sflag:s3], $0x8000  }
0x7d: {  	[sflag:s3] =	ssyncset.done $0x0  }
0x7e: {  	[sflag:s3] =	ssyncadd.s32 $0xFFFF8000  }
0x7f: {  	[tilespmem:s7], [sflag:$0x1] =	stream.indirect.gather [hbm4b:s5+s6], $0x200, s20, s6, $0xb8;
	[tilespmem:$0x8400] =	vst v63  }
0x80: {  	_ =	swait.ge [sflag:s8], $0x8000  }
0x81: {  	[sflag:s8] =	ssyncset.done $0x0  }
0x82: {  	[sflag:s8] =	ssyncadd.s32 $0xFFFF8000  }
0x83: {  	[hbm4b:s21+s2] =	stream.linear.scatter [tilespmem:s7], [sflag:$0x2], $0x8000, $0x38;
	[tilespmem:$0x8400] =	vst v63  }
0x84: {  	_ =	swait.ge [sflag:s3], $0x8000  }
0x85: {  	[sflag:s3] =	ssyncset.done $0x0  }
0x86: {  	[sflag:s3] =	ssyncadd.s32 $0xFFFF8000  }
0x87: {  	[tilespmem:s7], [sflag:$0x1] =	stream.indirect.gather [hbm4b:s5+s6], $0x200, s22, s6, $0xb8;
	[tilespmem:$0x8400] =	vst v63  }
0x88: {  	_ =	swait.ge [sflag:s8], $0x8000  }
.Ltmp1:
0x89: {  	[sflag:s8] =	ssyncset.done $0x0;
	(pc) =	sbr.rel @p0 .LBB2_1-.Ltmp1, $4  }
0x8a: {  	[sflag:s8] =	ssyncadd.s32 $0xFFFF8000  }
0x8b: {  	[hbm4b:s23+s2] =	stream.linear.scatter [tilespmem:s7], [sflag:$0x2], $0x8000, $0x38;
	[tilespmem:$0x8400] =	vst v63  }
0x8c: {  	_ =	swait.ge [sflag:s3], $0x8000  }
0x8d: {  	[sflag:s3] =	ssyncset.done $0x0  }
.LBB2_2:
0x8e: {  	[sflag:s3] =	ssyncadd.s32 $0xFFFF8000  }
0x8f: {  	_ =	sfence.sel $0x180000  }
0x90: {  	[bflag:$0x0] =	sbarrier.arrive $0xFFFF  }
0x91: {  	p0 =	sne.s32 s0, $0x0;
	_ =	strace $0x90000053  }
0x92: {  	s0 =	sadd.s32 @!p0 $0x100000, s1;
	[bflag:$0x2] =	sbarrier.arrive $0xFFFF  }
0x93: {  	[sflag:s0] =	ssyncadd.tile.s32 @!p0 $0x1;
	_ =	shalt  }
.Lfunc_end2:
_tile_overlayer_lowered:
.L_overlay_start_2:
0x94: {  	(tag) =	ssettag $0x2  }
0x95: {  	s0 =	rddreg [dreg:$0x0];
	s2 =	stileid.u32  }
0x96: {  	s1 =	rddreg [dreg:$0x1];
	p0 =	sne.s32 s2, $0x0  }
0x97: {  	s3 =	rddreg [dreg:$0x2];
	[bflag:$0x3] =	sbarrier.arrive $0xFFFF;
	s2 =	simm.s32 @!p0 $0x1C02  }
0x98: {  	[timem:s3], [sflag:s2] =	dma.local @!p0 [hbm:s0], s1  }
0x99: {  	s0 =	simm.s32 @!p0 $0x2  }
0x9a: {  	_ =	swait.ge @!p0 [sflag:s0], s1  }
0x9b: {  	s1 =	ssub.s32 @!p0 $0x0, s1;
	[sflag:s0] =	ssyncset.done @!p0 $0x0  }
0x9c: {  	[sflag:s0] =	ssyncadd.s32 @!p0 s1  }
0x9d: {  	[bflag:$0x3] =	sbarrier.arrive $0xFFFF  }
0x9e: {  	_ =	shalt  }

// kernel: kernel.8.cloned.1.call-start
scs
__scs_entry_jumppad:
0x0: {  	(pc) =	sbr.rel $0x88, $3  }
0x1: {  	(tag) =	ssettag $0x0;
	lr =	simm.s32 $0x1  }
0x2: {  	[smem:$0x3F99] =	sst lr;
	_ =	strace $0xD0000000  }
0x3: {  	_ = 	snop  }
0x4: {  	_ = 	snop  }
0x5: {  	_ = 	snop  }
0x6: {  	_ = 	snop  }
0x7: {  	_ = 	snop  }
__scs_overlays_trampoline_lowered:
0x8: {  	[smem:$0x3FA8] =	sst s0  }
0x9: {  	[smem:$0x3FA9] =	sst s1  }
0xa: {  	[smem:$0x3FAA] =	sst s2  }
0xb: {  	[smem:$0x3FAB] =	sst s3  }
0xc: {  	[smem:$0x3FAC] =	sst s4  }
0xd: {  	[smem:$0x3FAD] =	sst s5  }
0xe: {  	[smem:$0x3FAE] =	sst s6  }
0xf: {  	[smem:$0x3FAF] =	sst s7  }
0x10: {  	[smem:$0x3FB0] =	sst s8  }
0x11: {  	[smem:$0x3FB1] =	sst s9;
	s0 =	simm.s32 @!p0 $0x0  }
0x12: {  	s1 =	sld [smem:$0x3F97];
	s0 =	simm.s32 @p0 $0x1  }
0x13: {  	[smem:$0x3FB2] =	sst s0;
	s0 =	simm.s32 @!p1 $0x0  }
0x14: {  	s2 =	sld [smem:$0x3F96];
	s0 =	simm.s32 @p1 $0x1  }
0x15: {  	[smem:$0x3FB3] =	sst s0;
	s0 =	simm.s32 @!p2 $0x0  }
0x16: {  	s3 =	sld [smem:$0x3FDB];
	s0 =	simm.s32 @p2 $0x1  }
0x17: {  	s4 =	simm.s32 $0x1BF5;
	[smem:$0x3FB5] =	sst s0  }
0x18: {  	s0 =	sld [smem:$0x3F98];
	_ =	swait.ge [sflag:s4], $0x0  }
0x19: {  	s7 =	sld [smem:$0x3F99]  }
0x1a: {  	s8 =	sadd.s32 $0xFFFFE003, lr  }
0x1b: {  	s9 =	sadd.s32 $0xFFFFFEF7, lr;
	s5 =	simm.s32 $0xFFFFFFFF;
	p2 =	slt.u32 s8, $0xFFFFF086  }
0x1c: {  	p1 =	slt.u32 s9, $0xF7A;
	s5 =	simm.s32 @!p2 $0x0  }
0x1d: {  	s5 =	simm.s32 @p1 $0x1;
	p0 =	seq.s32 s7, s2  }
0x1e: {  	s7 =	smul.u32 @!p0 $0xF7A, s2;
	p2 =	seq.s32 @!p0 s5, $0x0  }
0x1f: {  	s9 =	smul.u32 $0xF7A, s1;
	s8 =	simm.s32 @!p0 $0x1BF5;
	p2 =	por !p2, p0  }
0x20: {  	[sflag:s8] =	ssyncset.s32 @!p0 $0xFFFFF086;
	s6 =	sadd.s32 @!p0 s3, s7;
	s7 =	simm.s32 @!p0 $0x108  }
0x21: {  	s3 =	sadd.s32 s3, s9;
	s6 =	sadd.s32 @!p0 $0x88, s6;
	s7 =	simm.s32 @p2 $0x1082  }
0x22: {  	[simem:s7], [sflag:s8] =	dma.local @!p0 [hbm:s6], $0xF7A  }
0x23: {  	s9 =	sor.u32 $0xD0000000, s2;
	s6 =	simm.s32 $0x108;
	_ =	swait.ge @!p0 [sflag:s8], $0x0  }
0x24: {  	s3 =	sadd.s32 $0x88, s3;
	s6 =	simm.s32 @!p1 $0x1082;
	[sflag:s4] =	ssyncset.s32 $0xFFFFF086  }
0x25: {  	[simem:s6], [sflag:s4] =	dma.local [hbm:s3], $0xF7A  }
0x26: {  	[smem:$0x3F99] =	sst s1;
	(tag) =	ssettag s2;
	_ =	strace s9  }
0x27: {  	s1 =	sld [smem:$0x3FA9]  }
0x28: {  	s2 =	sld [smem:$0x3FAA]  }
0x29: {  	s4 =	sld [smem:$0x3FAC]  }
0x2a: {  	p0 =	seq.s32 s5, $0x0;
	s5 =	sld [smem:$0x3FAD]  }
0x2b: {  	s6 =	sld [smem:$0x3FAE]  }
0x2c: {  	s7 =	sld [smem:$0x3FAF]  }
0x2d: {  	s3 =	simm.s32 $0x108;
	s8 =	sld [smem:$0x3FB0]  }
0x2e: {  	s3 =	simm.s32 @!p0 $0x1082;
	s9 =	sld [smem:$0x3FB1]  }
0x2f: {  	lr =	sadd.s32 s0, s3;
	s0 =	sld [smem:$0x3FA8]  }
0x30: {  	s3 =	sld [smem:$0x3FAB]  }
0x31: {  	[smem:$0x3FB4] =	sst s10  }
0x32: {  	s10 =	sld [smem:$0x3FB2];
	_ =	sdelay $0x3  }
0x33: {  	p0 =	seq.s32 s10, $0x1;
	s10 =	sld [smem:$0x3FB4];
	_ =	sdelay $0x3  }
0x34: {  	[smem:$0x3FB4] =	sst s10  }
0x35: {  	s10 =	sld [smem:$0x3FB3];
	_ =	sdelay $0x3  }
0x36: {  	p1 =	seq.s32 s10, $0x1;
	s10 =	sld [smem:$0x3FB4];
	_ =	sdelay $0x3  }
0x37: {  	[smem:$0x3FB4] =	sst s10  }
0x38: {  	s10 =	sld [smem:$0x3FB5]  }
0x39: {  	_ = 	snop;
	(pc) =	sbr.ind lr, $3  }
0x3a: {  	_ = 	snop  }
0x3b: {  	_ = 	snop  }
0x3c: {  	p2 =	seq.s32 s10, $0x1;
	s10 =	sld [smem:$0x3FB4]  }
0x3d: {  	_ =	shalt  }
0x3e: {  	_ =	shalt  }
0x3f: {  	_ =	shalt  }
0x40: {  	_ =	shalt  }
0x41: {  	_ =	shalt  }
0x42: {  	_ =	shalt  }
0x43: {  	_ =	shalt  }
0x44: {  	_ =	shalt  }
0x45: {  	_ =	shalt  }
0x46: {  	_ =	shalt  }
0x47: {  	_ =	shalt  }
0x48: {  	_ =	shalt  }
0x49: {  	_ =	shalt  }
0x4a: {  	_ =	shalt  }
0x4b: {  	_ =	shalt  }
0x4c: {  	_ =	shalt  }
0x4d: {  	_ =	shalt  }
0x4e: {  	_ =	shalt  }
0x4f: {  	_ =	shalt  }
0x50: {  	_ =	shalt  }
0x51: {  	_ =	shalt  }
0x52: {  	_ =	shalt  }
0x53: {  	_ =	shalt  }
0x54: {  	_ =	shalt  }
0x55: {  	_ =	shalt  }
0x56: {  	_ =	shalt  }
0x57: {  	_ =	shalt  }
0x58: {  	_ =	shalt  }
0x59: {  	_ =	shalt  }
0x5a: {  	_ =	shalt  }
0x5b: {  	_ =	shalt  }
0x5c: {  	_ =	shalt  }
0x5d: {  	_ =	shalt  }
0x5e: {  	_ =	shalt  }
0x5f: {  	_ =	shalt  }
0x60: {  	_ =	shalt  }
0x61: {  	_ =	shalt  }
0x62: {  	_ =	shalt  }
0x63: {  	_ =	shalt  }
0x64: {  	_ =	shalt  }
0x65: {  	_ =	shalt  }
0x66: {  	_ =	shalt  }
0x67: {  	_ =	shalt  }
0x68: {  	_ =	shalt  }
0x69: {  	_ =	shalt  }
0x6a: {  	_ =	shalt  }
0x6b: {  	_ =	shalt  }
0x6c: {  	_ =	shalt  }
0x6d: {  	_ =	shalt  }
0x6e: {  	_ =	shalt  }
0x6f: {  	_ =	shalt  }
0x70: {  	_ =	shalt  }
0x71: {  	_ =	shalt  }
0x72: {  	_ =	shalt  }
0x73: {  	_ =	shalt  }
0x74: {  	_ =	shalt  }
0x75: {  	_ =	shalt  }
0x76: {  	_ =	shalt  }
0x77: {  	_ =	shalt  }
0x78: {  	_ =	shalt  }
0x79: {  	_ =	shalt  }
0x7a: {  	_ =	shalt  }
0x7b: {  	_ =	shalt  }
0x7c: {  	_ =	shalt  }
0x7d: {  	_ =	shalt  }
0x7e: {  	_ =	shalt  }
0x7f: {  	_ =	shalt  }
0x80: {  	_ =	shalt  }
0x81: {  	_ =	shalt  }
0x82: {  	_ =	shalt  }
0x83: {  	_ =	shalt  }
0x84: {  	_ =	shalt  }
0x85: {  	_ =	shalt  }
0x86: {  	_ =	shalt  }
0x87: {  	_ =	shalt  }
.Lfunc_end0:
.L_simem_size_0:
called_computation.5_lowered:
.L_overlay_start_0:
0x88: {  	s2 =	sld [smem:$0x3FD9]  }
0x89: {  	s3 =	sld [smem:$0x3FFE];
	_ =	sdelay $0x1  }
0x8a: {  	s1 =	srdreg.scid  }
0x8b: {  	s0 =	sand.u32 $0x1, s1  }
0x8c: {  	s16 =	sshll.u32 s0, $0xA;
	s2 =	sadd.s32 s3, s2  }
0x8d: {  	s2 =	sadd.s32 s2, s16  }
0x8e: {  	[smem:$0x3FC0] =	sst s2  }
0x8f: {  	_ = 	snop  }
0x90: {  	(tm) =	ssettm $0x1  }
0x91: {  	s17 =	sld [smem:$0x3FFB];
	_ =	sdelay $0x3  }
0x92: {  	_ =	strace s17  }
0x93: {  	s2 =	sld [smem:$0x3FFC];
	_ =	sdelay $0x3  }
0x94: {  	_ =	strace s2  }
0x95: {  	s2 =	sld [smem:$0x3FFD];
	_ =	sdelay $0x3  }
0x96: {  	_ =	strace s2  }
0x97: {  	_ =	strace $0x8FFFFFFF  }
0x98: {  	s18 =	sld [smem:$0x3FDB];
	_ =	sdelay $0x1  }
0x99: {  	s19 =	simm.s32 $_scs_section_size  }
0x9a: {  	s4 =	simm.s32 $_size__tile_overlayer_lowered;
	s5 =	simm.s32 $_tile_overlayer_lowered  }
0x9b: {  	s22 =	simm.s32 $0x1BFF;
	s21 =	sshll.u32 s5, $0x1;
	s2 =	sadd.s32 s19, s18  }
0x9c: {  	s6 =	simm.s32 $0x0;
	s20 =	sshll.u32 s4, $0x1;
	s4 =	sadd.s32 s21, s2  }
0x9d: {  	[timem:s6], [sflag:s22] =	dma.local [hbm:s4], s20  }
0x9e: {  	_ =	swait.ge [sflag:s22], s20  }
0x9f: {  	s3 =	ssub.s32 $0x0, s20;
	[sflag:s22] =	ssyncset.done $0x0  }
0xa0: {  	[sflag:s22] =	ssyncadd.s32 s3;
	_ =	sdelay $0x1  }
0xa1: {  	s23 =	simm.s32 $0x1B8B  }
0xa2: {  	_ =	swait.ge [sflag:s23], $0x1  }
0xa3: {  	[sflag:s23] =	ssyncset.done $0x0  }
0xa4: {  	s25 =	simm.s32 $0x1B8E;
	s24 =	sld [smem:$0x3FFE];
	[sflag:s23] =	ssyncadd.s32 $0xFFFFFFFF  }
0xa5: {  	s26 =	simm.s32 $execute0_lowered;
	[smem:$0x3FD2] =	sst s25  }
0xa6: {  	s4 =	sshll.u32 s26, $0x1;
	_ =	strace $0x80000046;
	[dreg:$0x1] =	wrdreg $0xFFFFFFFF  }
0xa7: {  	s28 =	simm.s32 $_size_execute0_lowered;
	s2 =	sadd.s32 s2, s4;
	[dreg:$0x0] =	wrdreg $0x0  }
0xa8: {  	s4 =	sshll.u32 s28, $0x1;
	[dreg:$0x2] =	wrdreg s2  }
0xa9: {  	[dreg:$0x3] =	wrdreg s4  }
0xaa: {  	[dreg:$0x4] =	wrdreg $0xC0  }
0xab: {  	_ =	task [dreg:s6], $0x5FFFF  }
0xac: {  	[dreg:$0x1] =	wrdreg $0xFFFFFFFF  }
0xad: {  	[dreg:$0x0] =	wrdreg $0x60  }
0xae: {  	[dreg:$0x2] =	wrdreg s24  }
0xaf: {  	[dreg:$0x3] =	wrdreg $0x9  }
0xb0: {  	_ =	task.clear_ibuf [dreg:s6], $0x4FFFF;
	_ =	strace $0x90000046  }
0xb1: {  	s29 =	simm.s32 $0x9;
	_ =	strace $0x80000048  }
0xb2: {  	_ =	swait.ge [sflag:s29], $0x1  }
0xb3: {  	[sflag:s29] =	ssyncadd.s32 $0xFFFFFFFF  }
0xb4: {  	_ =	strace $0x90000048  }
0xb5: {  	_ =	sfence  }
0xb6: {  	s30 =	sld [smem:$0x0];
	_ =	sdelay $0x2  }
0xb7: {  	s31 =	sshll.u32 s1, $0xD;
	s1 =	sshrl.u32 s1, $0x2  }
0xb8: {  	s3 =	sand.u32 $0x4000, s31;
	s1 =	sadd.s32 s1, s30  }
0xb9: {  	s0 =	sor.u32 s3, s0;
	s1 =	sshll.u32 s1, $0x11  }
0xba: {  	s0 =	sor.u32 s1, s0  }
0xbb: {  	s0 =	sadd.s32 $0x8F2B, s0  }
0xbc: {  	[sflag:s0] =	ssyncadd.remote.s32 $0x1  }
0xbd: {  	_ =	sfence.sel $0xFFFF  }
0xbe: {  	[dreg:$0x0] =	wrdreg $0xFFFFFFFF;
	(pc) =	sbr.abs _section_cstart, $3  }
0xbf: {  	[dreg:$0x1] =	wrdreg $0xFFFFFFFF  }
0xc0: {  	_ =	task.clear_ibuf [dreg:s6], $0x2FFFF;
	_ =	strace $0x9FFFFFFF  }
0xc1: {  	(tm) =	ssettm $0x7FFFFFFF  }
tec
execute0_lowered:
.L_overlay_start_1:
0x0: {  	(tag) =	ssettag $0x1  }
0x1: {  	s1 =	srdreg.scid;
	s0 =	stileid.u32  }
0x2: {  	s17 =	sand.u32 $0x1, s1;
	s31 =	sshll.u32 s0, $0x1  }
0x3: {  	s5 =	sor.u32 s17, s31  }
0x4: {  	s7 =	rddreg [dreg:$0x0];
	s2 =	simm.s32 $0x0;
	s3 =	sshll.u32 s5, $0x7  }
0x5: {  	s4 =	simm.s32 $0x2;
	[smem:$0x7FF] =	sst s2;
	s3 =	sadd.s32 s3, s7  }
0x6: {  	s1 =	rddreg [dreg:$0x1];
	_ =	strace $0x80000047;
	s3 =	sadd.s32 $0x2B800, s3  }
0x7: {  	[tilespmem:s2], [sflag:$0x2] =	stream.linear.gather [hbm4b:s3+s2], $0x400, $0x38;
	[tilespmem:$0x8400] =	vst v63  }
0x8: {  	s5 =	sshll.u32 s5, $0xC;
	_ =	swait.ge [sflag:s4], $0x400  }
0x9: {  	s5 =	sadd.s32 s5, s7;
	[sflag:s4] =	ssyncset.done $0x0  }
0xa: {  	s6 =	simm.s32 $0x400;
	s5 =	sadd.s32 $0x3800, s5;
	[sflag:s4] =	ssyncadd.s32 $0xFFFFFC00  }
0xb: {  	[tilespmem:s6], [sflag:$0x2] =	stream.linear.gather [hbm4b:s5+s2], $0x8000, $0x38;
	[tilespmem:$0x8400] =	vst v63  }
0xc: {  	_ =	swait.ge [sflag:s4], $0x8000  }
0xd: {  	[sflag:s4] =	ssyncset.done $0x0  }
0xe: {  	s8 =	simm.s32 $0x40;
	s7 =	sadd.s32 $0x2C800, s7;
	[sflag:s4] =	ssyncadd.s32 $0xFFFF8000  }
0xf: {  	[hbm4b:s7+s8] =	stream.indirect.scatter [tilespmem:s6], [sflag:$0x1], $0x200, s2, s8, $0xb8;
	[tilespmem:$0x8400] =	vst v63  }
0x10: {  	s9 =	simm.s32 $0x80  }
0x11: {  	[hbm4b:s7+s8] =	stream.indirect.scatter [tilespmem:s6], [sflag:$0x1], $0x200, s9, s8, $0xb8;
	[tilespmem:$0x8400] =	vst v63  }
0x12: {  	s10 =	simm.s32 $0x100  }
0x13: {  	[hbm4b:s7+s8] =	stream.indirect.scatter [tilespmem:s6], [sflag:$0x1], $0x200, s10, s8, $0xb8;
	[tilespmem:$0x8400] =	vst v63  }
0x14: {  	s11 =	simm.s32 $0x180  }
0x15: {  	[hbm4b:s7+s8] =	stream.indirect.scatter [tilespmem:s6], [sflag:$0x1], $0x200, s11, s8, $0xb8;
	[tilespmem:$0x8400] =	vst v63  }
0x16: {  	s12 =	simm.s32 $0x200  }
0x17: {  	[hbm4b:s7+s8] =	stream.indirect.scatter [tilespmem:s6], [sflag:$0x1], $0x200, s12, s8, $0xb8;
	[tilespmem:$0x8400] =	vst v63  }
0x18: {  	s13 =	simm.s32 $0x280  }
0x19: {  	[hbm4b:s7+s8] =	stream.indirect.scatter [tilespmem:s6], [sflag:$0x1], $0x200, s13, s8, $0xb8;
	[tilespmem:$0x8400] =	vst v63  }
0x1a: {  	s14 =	simm.s32 $0x300  }
0x1b: {  	[hbm4b:s7+s8] =	stream.indirect.scatter [tilespmem:s6], [sflag:$0x1], $0x200, s14, s8, $0xb8;
	[tilespmem:$0x8400] =	vst v63  }
0x1c: {  	s16 =	simm.s32 $0x380;
	s15 =	simm.s32 $0x1  }
0x1d: {  	[hbm4b:s7+s8] =	stream.indirect.scatter [tilespmem:s6], [sflag:$0x1], $0x200, s16, s8, $0xb8;
	[tilespmem:$0x8400] =	vst v63  }
0x1e: {  	_ =	swait.ge [sflag:s15], $0x8000  }
0x1f: {  	[sflag:s15] =	ssyncset.done $0x0  }
0x20: {  	[sflag:s15] =	ssyncadd.s32 $0xFFFF8000  }
0x21: {  	_ =	swait.ge [sflag:s15], $0x8000  }
0x22: {  	[sflag:s15] =	ssyncset.done $0x0  }
0x23: {  	[sflag:s15] =	ssyncadd.s32 $0xFFFF8000  }
0x24: {  	_ =	swait.ge [sflag:s15], $0x8000  }
0x25: {  	[sflag:s15] =	ssyncset.done $0x0  }
0x26: {  	[sflag:s15] =	ssyncadd.s32 $0xFFFF8000  }
0x27: {  	_ =	swait.ge [sflag:s15], $0x8000  }
0x28: {  	[sflag:s15] =	ssyncset.done $0x0  }
0x29: {  	[sflag:s15] =	ssyncadd.s32 $0xFFFF8000  }
0x2a: {  	_ =	swait.ge [sflag:s15], $0x8000  }
0x2b: {  	s17 =	ssub.s32 $0x2, s17;
	[sflag:s15] =	ssyncset.done $0x0  }
0x2c: {  	s18 =	sshrl.u32 s17, $0x1;
	[sflag:s15] =	ssyncadd.s32 $0xFFFF8000  }
0x2d: {  	s17 =	ssub.s32 s17, s18;
	_ =	swait.ge [sflag:s15], $0x8000  }
0x2e: {  	s17 =	smax.u32 s17, $0x1;
	[sflag:s15] =	ssyncset.done $0x0  }
0x2f: {  	p0 =	sne.s32 s17, $0x1;
	[sflag:s15] =	ssyncadd.s32 $0xFFFF8000  }
.Ltmp0:
0x30: {  	_ =	swait.ge [sflag:s15], $0x8000;
	(pc) =	sbr.rel @!p0 .LBB2_2-.Ltmp0, $4  }
0x31: {  	[sflag:s15] =	ssyncset.done $0x0  }
0x32: {  	[sflag:s15] =	ssyncadd.s32 $0xFFFF8000  }
0x33: {  	_ =	swait.ge [sflag:s15], $0x8000  }
0x34: {  	s17 =	sadd.s32 $0xFFFFFFFF, s17;
	[sflag:s15] =	ssyncset.done $0x0  }
.LBB2_1:
0x35: {  	p0 =	sne.s32 s17, $0x1;
	s17 =	sadd.s32 $0xFFFFFFFF, s17;
	[sflag:s15] =	ssyncadd.s32 $0xFFFF8000  }
0x36: {  	[tilespmem:s2], [sflag:$0x2] =	stream.linear.gather [hbm4b:s3+s2], $0x400, $0x38;
	[tilespmem:$0x8400] =	vst v63  }
0x37: {  	_ =	swait.ge [sflag:s4], $0x400  }
0x38: {  	[sflag:s4] =	ssyncset.done $0x0  }
0x39: {  	[sflag:s4] =	ssyncadd.s32 $0xFFFFFC00  }
0x3a: {  	[tilespmem:s6], [sflag:$0x2] =	stream.linear.gather [hbm4b:s5+s2], $0x8000, $0x38;
	[tilespmem:$0x8400] =	vst v63  }
0x3b: {  	_ =	swait.ge [sflag:s4], $0x8000  }
0x3c: {  	[sflag:s4] =	ssyncset.done $0x0  }
0x3d: {  	[sflag:s4] =	ssyncadd.s32 $0xFFFF8000  }
0x3e: {  	[hbm4b:s7+s8] =	stream.indirect.scatter [tilespmem:s6], [sflag:$0x1], $0x200, s2, s8, $0xb8;
	[tilespmem:$0x8400] =	vst v63  }
0x3f: {  	_ = 	snop  }
0x40: {  	[hbm4b:s7+s8] =	stream.indirect.scatter [tilespmem:s6], [sflag:$0x1], $0x200, s9, s8, $0xb8;
	[tilespmem:$0x8400] =	vst v63  }
0x41: {  	_ = 	snop  }
0x42: {  	[hbm4b:s7+s8] =	stream.indirect.scatter [tilespmem:s6], [sflag:$0x1], $0x200, s10, s8, $0xb8;
	[tilespmem:$0x8400] =	vst v63  }
0x43: {  	_ = 	snop  }
0x44: {  	[hbm4b:s7+s8] =	stream.indirect.scatter [tilespmem:s6], [sflag:$0x1], $0x200, s11, s8, $0xb8;
	[tilespmem:$0x8400] =	vst v63  }
0x45: {  	_ = 	snop  }
0x46: {  	[hbm4b:s7+s8] =	stream.indirect.scatter [tilespmem:s6], [sflag:$0x1], $0x200, s12, s8, $0xb8;
	[tilespmem:$0x8400] =	vst v63  }
0x47: {  	_ = 	snop  }
0x48: {  	[hbm4b:s7+s8] =	stream.indirect.scatter [tilespmem:s6], [sflag:$0x1], $0x200, s13, s8, $0xb8;
	[tilespmem:$0x8400] =	vst v63  }
0x49: {  	_ = 	snop  }
0x4a: {  	[hbm4b:s7+s8] =	stream.indirect.scatter [tilespmem:s6], [sflag:$0x1], $0x200, s14, s8, $0xb8;
	[tilespmem:$0x8400] =	vst v63  }
0x4b: {  	_ = 	snop  }
0x4c: {  	[hbm4b:s7+s8] =	stream.indirect.scatter [tilespmem:s6], [sflag:$0x1], $0x200, s16, s8, $0xb8;
	[tilespmem:$0x8400] =	vst v63  }
0x4d: {  	_ =	swait.ge [sflag:s15], $0x8000  }
0x4e: {  	[sflag:s15] =	ssyncset.done $0x0  }
0x4f: {  	[sflag:s15] =	ssyncadd.s32 $0xFFFF8000  }
0x50: {  	_ =	swait.ge [sflag:s15], $0x8000  }
0x51: {  	[sflag:s15] =	ssyncset.done $0x0  }
0x52: {  	[sflag:s15] =	ssyncadd.s32 $0xFFFF8000  }
0x53: {  	_ =	swait.ge [sflag:s15], $0x8000  }
0x54: {  	[sflag:s15] =	ssyncset.done $0x0  }
0x55: {  	[sflag:s15] =	ssyncadd.s32 $0xFFFF8000  }
0x56: {  	_ =	swait.ge [sflag:s15], $0x8000  }
0x57: {  	[sflag:s15] =	ssyncset.done $0x0  }
0x58: {  	[sflag:s15] =	ssyncadd.s32 $0xFFFF8000  }
0x59: {  	_ =	swait.ge [sflag:s15], $0x8000  }
0x5a: {  	[sflag:s15] =	ssyncset.done $0x0  }
0x5b: {  	[sflag:s15] =	ssyncadd.s32 $0xFFFF8000  }
0x5c: {  	_ =	swait.ge [sflag:s15], $0x8000  }
0x5d: {  	[sflag:s15] =	ssyncset.done $0x0  }
0x5e: {  	[sflag:s15] =	ssyncadd.s32 $0xFFFF8000  }
.Ltmp1:
0x5f: {  	_ =	swait.ge [sflag:s15], $0x8000;
	(pc) =	sbr.rel @p0 .LBB2_1-.Ltmp1, $4  }
0x60: {  	[sflag:s15] =	ssyncset.done $0x0  }
0x61: {  	[sflag:s15] =	ssyncadd.s32 $0xFFFF8000  }
0x62: {  	_ =	swait.ge [sflag:s15], $0x8000  }
0x63: {  	[sflag:s15] =	ssyncset.done $0x0  }
.LBB2_2:
0x64: {  	[sflag:s15] =	ssyncadd.s32 $0xFFFF8000  }
0x65: {  	_ =	sfence.sel $0x180000  }
0x66: {  	[bflag:$0x0] =	sbarrier.arrive $0xFFFF  }
0x67: {  	p0 =	sne.s32 s0, $0x0;
	_ =	strace $0x90000047  }
0x68: {  	s0 =	sadd.s32 @!p0 $0x100000, s1;
	[bflag:$0x2] =	sbarrier.arrive $0xFFFF  }
0x69: {  	[sflag:s0] =	ssyncadd.tile.s32 @!p0 $0x1;
	_ =	shalt  }
.Lfunc_end2:
_tile_overlayer_lowered:
.L_overlay_start_2:
0x6a: {  	(tag) =	ssettag $0x2  }
0x6b: {  	s0 =	rddreg [dreg:$0x0];
	s2 =	stileid.u32  }
0x6c: {  	s1 =	rddreg [dreg:$0x1];
	p0 =	sne.s32 s2, $0x0  }
0x6d: {  	s3 =	rddreg [dreg:$0x2];
	[bflag:$0x3] =	sbarrier.arrive $0xFFFF;
	s2 =	simm.s32 @!p0 $0x1C02  }
0x6e: {  	[timem:s3], [sflag:s2] =	dma.local @!p0 [hbm:s0], s1  }
0x6f: {  	s0 =	simm.s32 @!p0 $0x2  }
0x70: {  	_ =	swait.ge @!p0 [sflag:s0], s1  }
0x71: {  	s1 =	ssub.s32 @!p0 $0x0, s1;
	[sflag:s0] =	ssyncset.done @!p0 $0x0  }
0x72: {  	[sflag:s0] =	ssyncadd.s32 @!p0 s1  }
0x73: {  	[bflag:$0x3] =	sbarrier.arrive $0xFFFF  }
0x74: {  	_ =	shalt  }

// kernel: sparse-core-data-format-call.1.cloned.1.call-start
scs
called_computation.1_lowered:
.L_overlay_start_0:
0x0: {  	s1 =	sld [smem:$0x3FD9]  }
0x1: {  	s2 =	sld [smem:$0x3FFE];
	_ =	sdelay $0x1  }
0x2: {  	s3 =	srdreg.scid  }
0x3: {  	s0 =	sand.u32 $0x1, s3  }
0x4: {  	s17 =	sshll.u32 s0, $0xA;
	s1 =	sadd.s32 s2, s1  }
0x5: {  	s1 =	sadd.s32 s1, s17  }
0x6: {  	[smem:$0x3FC0] =	sst s1  }
0x7: {  	_ = 	snop  }
0x8: {  	(tm) =	ssettm $0x1  }
0x9: {  	s18 =	sld [smem:$0x3FFB];
	_ =	sdelay $0x3  }
0xa: {  	_ =	strace s18  }
0xb: {  	s1 =	sld [smem:$0x3FFC];
	_ =	sdelay $0x3  }
0xc: {  	_ =	strace s1  }
0xd: {  	s1 =	sld [smem:$0x3FFD];
	_ =	sdelay $0x3  }
0xe: {  	_ =	strace s1  }
0xf: {  	_ =	strace $0x8FFFFFFF  }
0x10: {  	s19 =	sld [smem:$0x3FDB];
	_ =	sdelay $0x1  }
0x11: {  	s20 =	simm.s32 $_scs_section_size  }
0x12: {  	s4 =	simm.s32 $_size__tile_overlayer_lowered;
	s5 =	simm.s32 $_tile_overlayer_lowered  }
0x13: {  	s23 =	simm.s32 $0x1BFF;
	s22 =	sshll.u32 s5, $0x1;
	s1 =	sadd.s32 s20, s19  }
0x14: {  	s6 =	simm.s32 $0x0;
	s21 =	sshll.u32 s4, $0x1;
	s4 =	sadd.s32 s22, s1  }
0x15: {  	[timem:s6], [sflag:s23] =	dma.local [hbm:s4], s21  }
0x16: {  	_ =	swait.ge [sflag:s23], s21  }
0x17: {  	s2 =	ssub.s32 $0x0, s21;
	[sflag:s23] =	ssyncset.done $0x0  }
0x18: {  	[sflag:s23] =	ssyncadd.s32 s2;
	_ =	sdelay $0x1  }
0x19: {  	s24 =	simm.s32 $0x1B8B  }
0x1a: {  	_ =	swait.ge [sflag:s24], $0x1  }
0x1b: {  	[sflag:s24] =	ssyncset.done $0x0  }
0x1c: {  	s26 =	simm.s32 $0x1B8E;
	s25 =	sld [smem:$0x3FFE];
	[sflag:s24] =	ssyncadd.s32 $0xFFFFFFFF  }
0x1d: {  	s27 =	simm.s32 $execute0_lowered;
	[smem:$0x3FD2] =	sst s26  }
0x1e: {  	s4 =	sshll.u32 s27, $0x1;
	_ =	strace $0x80000055;
	[dreg:$0x1] =	wrdreg $0xFFFFFFFF  }
0x1f: {  	s28 =	simm.s32 $_size_execute0_lowered;
	s1 =	sadd.s32 s1, s4;
	[dreg:$0x0] =	wrdreg $0x0  }
0x20: {  	s4 =	sshll.u32 s28, $0x1;
	[dreg:$0x2] =	wrdreg s1  }
0x21: {  	[dreg:$0x3] =	wrdreg s4  }
0x22: {  	[dreg:$0x4] =	wrdreg $0xC0  }
0x23: {  	_ =	task [dreg:s6], $0x5FFFF  }
0x24: {  	[dreg:$0x1] =	wrdreg $0xFFFFFFFF  }
0x25: {  	[dreg:$0x0] =	wrdreg $0x60  }
0x26: {  	[dreg:$0x2] =	wrdreg s25  }
0x27: {  	[dreg:$0x3] =	wrdreg $0x9  }
0x28: {  	_ =	task.clear_ibuf [dreg:s6], $0x4FFFF;
	_ =	strace $0x90000055  }
0x29: {  	s29 =	simm.s32 $0x9;
	_ =	strace $0x80000057  }
0x2a: {  	_ =	swait.ge [sflag:s29], $0x1  }
0x2b: {  	[sflag:s29] =	ssyncadd.s32 $0xFFFFFFFF  }
0x2c: {  	_ =	strace $0x90000057  }
0x2d: {  	_ =	sfence  }
0x2e: {  	s30 =	sld [smem:$0x0];
	_ =	sdelay $0x2  }
0x2f: {  	s31 =	sshll.u32 s3, $0xD;
	s3 =	sshrl.u32 s3, $0x2  }
0x30: {  	s2 =	sand.u32 $0x4000, s31;
	s1 =	sadd.s32 s3, s30  }
0x31: {  	s0 =	sor.u32 s2, s0;
	s1 =	sshll.u32 s1, $0x11  }
0x32: {  	s0 =	sor.u32 s1, s0  }
0x33: {  	s0 =	sadd.s32 $0x8F2B, s0  }
0x34: {  	[sflag:s0] =	ssyncadd.remote.s32 $0x1  }
0x35: {  	_ =	sfence.sel $0xFFFF  }
0x36: {  	[dreg:$0x0] =	wrdreg $0xFFFFFFFF;
	(pc) =	sbr.abs _section_cstart, $3  }
0x37: {  	[dreg:$0x1] =	wrdreg $0xFFFFFFFF  }
0x38: {  	_ =	task.clear_ibuf [dreg:s6], $0x2FFFF;
	_ =	strace $0x9FFFFFFF  }
0x39: {  	(tm) =	ssettm $0x7FFFFFFF  }
tec
execute0_lowered:
.L_overlay_start_1:
0x0: {  	(tag) =	ssettag $0x1  }
0x1: {  	s0 =	srdreg.scid  }
0x2: {  	s1 =	sshll.u32 s0, $0x4  }
0x3: {  	s6 =	rddreg [dreg:$0x0];
	s0 =	stileid.u32;
	s1 =	sand.u32 $0x10, s1  }
0x4: {  	s5 =	simm.s32 $0x1;
	s31 =	simm.s32 $0x2;
	s1 =	sor.u32 s0, s1  }
0x5: {  	s12 =	simm.s32 $0x0;
	s8 =	simm.s32 $0x20000;
	s2 =	sshll.u32 s1, $0x7  }
0x6: {  	s13 =	simm.s32 $0x0;
	s9 =	simm.s32 $0x0;
	s3 =	ssub.s32 $0x4000, s2  }
0x7: {  	s11 =	simm.s32 $0x0;
	s1 =	rddreg [dreg:$0x1];
	s4 =	sand.u32 $0xF80, s3  }
.Ltmp0:
0x8: {  	_ =	strace $0x80000056;
	p0 =	sne.s32 s4, $0x0;
	(pc) =	sbr.rel .LBB1_1-.Ltmp0, $4  }
0x9: {  	s10 =	smov.u32 s2;
	s7 =	sshrl.u32 s3, $0xC;
	s5 =	simm.s32 @!p0 $0x0  }
0xa: {  	s3 =	sadd.s32 $0x12C800, s6;
	s4 =	simm.s32 $0x1;
	s5 =	sadd.s32 s5, s7  }
0xb: {  	s6 =	sadd.s32 $0x2B800, s6;
	[sflag:s4] =	ssyncpa.u1 $0x0;
	s5 =	sshll.u32 s5, $0x2  }
0xc: {  	p0 =	por $0x0, $0x0;
	[sflag:s31] =	ssyncpa.u1 $0x0;
	s7 =	sor.u32 $0x1, s5  }
.LBB1_4:
0xd: {  	v5 =	vld [tilespmem:s17+$0xFFFFFFD0];
	[tilespmem:s16+$0x2040 ss:$0x81] =	vst.msk $0xffff, v1  }
0xe: {  	v58 =	vld [tilespmem:s17+$0xFFFFFFE0];
	[tilespmem:s16+$0x2850 ss:$0x81] =	vst.msk $0xffff, v2  }
0xf: {  	s18 =	sshra.s32 s18, $0x2;
	v59 =	vld [tilespmem:s17+$0xFFFFFFF0];
	[tilespmem:s16+$0x3060 ss:$0x81] =	vst.msk $0xffff, v3  }
0x10: {  	v60 =	vld [tilespmem:s17+$0x0];
	[tilespmem:s16+$0x0 ss:$0x81] =	vst.msk $0xffff, v0;
	s15 =	sadd.s32 s18, s15  }
0x11: {  	v61 =	vld [tilespmem:s17+$0x10];
	[tilespmem:s15+$0x3870 ss:$0x81] =	vst.msk $0xffff, v4  }
0x12: {  	v62 =	vld [tilespmem:s17+$0x20];
	[tilespmem:s15+$0x810 ss:$0x81] =	vst.msk $0xffff, v5  }
0x13: {  	v63 =	vld [tilespmem:s17+$0xFFFFFFC0];
	[tilespmem:s15+$0x1020 ss:$0x81] =	vst.msk $0xffff, v58  }
0x14: {  	s28 =	sshll.u32 s13, $0x3;
	s29 =	sand.u32 $0x78, s13;
	[tilespmem:s15+$0x1830 ss:$0x81] =	vst.msk $0xffff, v59  }
0x15: {  	s30 =	sand.u32 $0x3F800, s13;
	s12 =	sshll.u32 s12, $0x12;
	s16 =	sand.u32 $0x3C00, s28;
	[tilespmem:s15+$0x2040 ss:$0x81] =	vst.msk $0xffff, v60  }
0x16: {  	s31 =	sand.u32 $0x7, s13;
	s17 =	sadd.s32 s6, s30;
	s16 =	sor.u32 s29, s16;
	[tilespmem:s15+$0x2850 ss:$0x81] =	vst.msk $0xffff, v61  }
0x17: {  	s13 =	sshll.u32 s31, $0x12;
	s12 =	sadd.s32 s12, s17;
	s16 =	sshrl.u32 s16, $0x3;
	[tilespmem:s15+$0x3060 ss:$0x81] =	vst.msk $0xffff, v62  }
0x18: {  	s13 =	sor.u32 $0x400, s13;
	s12 =	sadd.s32 s16, s12;
	[tilespmem:s15+$0x0 ss:$0x81] =	vst.msk $0xffff, v63  }
0x19: {  	[hbm4b:s12+s13] =	stream.strided.scatter [tilespmem:s14], [sflag:$0x2], $0x4000, s8, s13, $0x20;
	[tilespmem:$0x10100] =	vst v63  }
.LBB1_5:
0x1a: {  	s14 =	sadd.s32 $0x1, s9  }
0x1b: {  	s12 =	sadd.s32 $0x1000, s10;
	s16 =	smov.u32 s10;
	p2 =	sgt.s32 s14, $0x3  }
0x1c: {  	s16 =	smov.u32 @p2 s12  }
0x1d: {  	s14 =	simm.s32 @p2 $0x0;
	p2 =	sgt.s32 s16, $0x3FFF  }
0x1e: {  	s16 =	smov.u32 @p2 s2;
	p2 =	sne.s32 s11, s7  }
.Ltmp1:
0x1f: {  	p1 =	slt.u32 s11, $0x2;
	(pc) =	sbr.rel @!p2 .LBB1_6-.Ltmp1, $4  }
0x20: {  	s15 =	simm.s32 @!p1 $0x2  }
0x21: {  	s13 =	smov.u32 s10;
	p0 =	por !p0, !p0;
	_ =	swait.ge @!p1 [sflag:s15], $0x4000  }
0x22: {  	s12 =	smov.u32 s9;
	[sflag:s15] =	ssyncset.done @!p1 $0x0;
	s9 =	smov.u32 s14  }
0x23: {  	s11 =	sadd.s32 $0x1, s11;
	[sflag:s15] =	ssyncadd.s32 @!p1 $0xFFFFC000;
	s10 =	smov.u32 s16  }
.LBB1_1:
0x24: {  	p1 =	sge.u32 s11, s5  }
0x25: {  	s31 =	sadd.s32 $0xFFFFFFFF, s11;
	s14 =	sxor.u32 @!p1 $0xFFFFFFFF, s11  }
0x26: {  	s15 =	sshll.u32 @!p1 s10, $0x6;
	s16 =	sshll.u32 @!p1 s9, $0x4;
	s17 =	simm.s32 @!p1 $0x200  }
0x27: {  	s14 =	sshll.u32 @!p1 s14, $0xE;
	s16 =	sand.u32 @!p1 $0x30, s16;
	s15 =	sadd.s32 @!p1 s3, s15  }
0x28: {  	s14 =	sand.u32 @!p1 $0x4000, s14;
	s15 =	sadd.s32 @!p1 s16, s15;
	s16 =	simm.s32 @!p1 $0x80  }
0x29: {  	[tilespmem:s14], [sflag:$0x1] =	stream.strided.gather @!p1 [hbm4b:s15+s16], $0x4000, s17, s16, $0x38;
	[tilespmem:$0x10100] =	vst v63  }
0x2a: {  	p1 =	sge.u32 s31, s5  }
.Ltmp2:
0x2b: {  	_ = 	snop;
	(pc) =	sbr.rel @p1 .LBB1_5-.Ltmp2, $1  }
0x2c: {  	_ =	sdelay $0x3  }
0x2d: {  	s14 =	simm.s32 $0x1  }
0x2e: {  	_ =	swait.ge [sflag:s4], $0x4000;
	s14 =	simm.s32 @!p0 $0x0  }
0x2f: {  	[sflag:s4] =	ssyncset.done $0x0;
	s15 =	sshll.u32 s14, $0xE  }
0x30: {  	[sflag:s4] =	ssyncadd.s32 $0xFFFFC000;
	s17 =	sor.u32 $0x40, s15  }
0x31: {  	s14 =	smul.u32 $0x10200, s14;
	v0 =	vld [tilespmem:s17+$0x30]  }
0x32: {  	v3 =	vld [tilespmem:s17+$0xFFFFFFD0]  }
0x33: {  	s14 =	sshrl.u32 s14, $0x2;
	v4 =	vld [tilespmem:s17+$0xFFFFFFE0]  }
0x34: {  	v5 =	vld [tilespmem:s17+$0xFFFFFFF0];
	s15 =	sor.u32 $0x8000, s14  }
0x35: {  	s31 =	sand.u32 $0x1, s11;
	v1 =	vld [tilespmem:s17+$0x0];
	s16 =	sadd.s32 $0x0, s15  }
0x36: {  	v2 =	vld [tilespmem:s17+$0x10];
	s14 =	smul.u32 $0x10200, s31;
	[tilespmem:s16+$0x3870 ss:$0x81] =	vst.msk $0xffff, v0  }
0x37: {  	[tilespmem:s16+$0x810 ss:$0x81] =	vst.msk $0xffff, v3;
	v3 =	vld [tilespmem:s17+$0x20]  }
0x38: {  	s14 =	sshrl.u32 s14, $0x2;
	v0 =	vld [tilespmem:s17+$0xFFFFFFC0];
	[tilespmem:s16+$0x1020 ss:$0x81] =	vst.msk $0xffff, v4;
	s17 =	sadd.s32 $0x80, s17  }
0x39: {  	s18 =	simm.s32 $0x4;
	s19 =	simm.s32 $0x8;
	s14 =	sor.u32 $0x8000, s14;
	[tilespmem:s16+$0x1830 ss:$0x81] =	vst.msk $0xffff, v5;
	v4 =	vld [tilespmem:s17+$0x30]  }
.LBB1_3:
0x3a: {  	p1 =	sne.s32 s19, $0x1FC;
	v5 =	vld [tilespmem:s17+$0xFFFFFFD0];
	[tilespmem:s16+$0x2040 ss:$0x81] =	vst.msk $0xffff, v1  }
0x3b: {  	v6 =	vld [tilespmem:s17+$0xFFFFFFE0];
	[tilespmem:s16+$0x2850 ss:$0x81] =	vst.msk $0xffff, v2  }
0x3c: {  	s20 =	sshra.s32 s18, $0x2;
	s18 =	smov.u32 s19;
	v7 =	vld [tilespmem:s17+$0xFFFFFFF0];
	[tilespmem:s16+$0x3060 ss:$0x81] =	vst.msk $0xffff, v3  }
.Ltmp3:
0x3d: {  	v1 =	vld [tilespmem:s17+$0x0];
	[tilespmem:s16+$0x0 ss:$0x81] =	vst.msk $0xffff, v0;
	s16 =	sadd.s32 s20, s15;
	(pc) =	sbr.rel @p1 .LBB1_3-.Ltmp3, $4  }
0x3e: {  	v2 =	vld [tilespmem:s17+$0x10];
	[tilespmem:s16+$0x3870 ss:$0x81] =	vst.msk $0xffff, v4  }
0x3f: {  	[tilespmem:s16+$0x810 ss:$0x81] =	vst.msk $0xffff, v5;
	v3 =	vld [tilespmem:s17+$0x20]  }
0x40: {  	v0 =	vld [tilespmem:s17+$0xFFFFFFC0];
	[tilespmem:s16+$0x1020 ss:$0x81] =	vst.msk $0xffff, v6;
	s17 =	sadd.s32 $0x80, s17  }
0x41: {  	s19 =	sadd.s32 $0x4, s19;
	v4 =	vld [tilespmem:s17+$0x30];
	[tilespmem:s16+$0x1830 ss:$0x81] =	vst.msk $0xffff, v7  }
.Ltmp4:
0x42: {  	_ = 	snop;
	(pc) =	sbr.rel .LBB1_4-.Ltmp4, $1  }
0x43: {  	_ =	sdelay $0x3  }
.LBB1_6:
0x44: {  	_ =	sfence.sel $0x180000  }
0x45: {  	s2 =	simm.s32 $0x1;
	[bflag:$0x0] =	sbarrier.arrive $0xFFFF  }
0x46: {  	s31 =	simm.s32 $0x2;
	[sflag:s2] =	ssyncpa.u1 $0x1  }
0x47: {  	[sflag:s31] =	ssyncpa.u1 $0x1  }
0x48: {  	p0 =	sne.s32 s0, $0x0;
	_ =	strace $0x90000056  }
0x49: {  	s0 =	sadd.s32 @!p0 $0x100000, s1;
	[bflag:$0x2] =	sbarrier.arrive $0xFFFF  }
0x4a: {  	[sflag:s0] =	ssyncadd.tile.s32 @!p0 $0x1;
	_ =	shalt  }
.Lfunc_end1:
_tile_overlayer_lowered:
.L_overlay_start_2:
0x4b: {  	(tag) =	ssettag $0x2  }
0x4c: {  	s0 =	rddreg [dreg:$0x0];
	s2 =	stileid.u32  }
0x4d: {  	s1 =	rddreg [dreg:$0x1];
	p0 =	sne.s32 s2, $0x0  }
0x4e: {  	s3 =	rddreg [dreg:$0x2];
	[bflag:$0x3] =	sbarrier.arrive $0xFFFF;
	s2 =	simm.s32 @!p0 $0x1C01  }
0x4f: {  	[timem:s3], [sflag:s2] =	dma.local @!p0 [hbm:s0], s1  }
0x50: {  	s0 =	simm.s32 @!p0 $0x1  }
0x51: {  	_ =	swait.ge @!p0 [sflag:s0], s1  }
0x52: {  	s1 =	ssub.s32 @!p0 $0x0, s1;
	[sflag:s0] =	ssyncset.done @!p0 $0x0  }
0x53: {  	[sflag:s0] =	ssyncadd.s32 @!p0 s1  }
0x54: {  	[bflag:$0x3] =	sbarrier.arrive $0xFFFF  }
0x55: {  	_ =	shalt  }

// kernel: sparse-core-data-format-call.2.cloned.1.call-start
scs
called_computation.2_lowered:
.L_overlay_start_0:
0x0: {  	s1 =	sld [smem:$0x3FD9]  }
0x1: {  	s2 =	sld [smem:$0x3FFE];
	_ =	sdelay $0x1  }
0x2: {  	s3 =	srdreg.scid  }
0x3: {  	s0 =	sand.u32 $0x1, s3  }
0x4: {  	s17 =	sshll.u32 s0, $0xA;
	s1 =	sadd.s32 s2, s1  }
0x5: {  	s1 =	sadd.s32 s1, s17  }
0x6: {  	[smem:$0x3FC0] =	sst s1  }
0x7: {  	_ = 	snop  }
0x8: {  	(tm) =	ssettm $0x1  }
0x9: {  	s18 =	sld [smem:$0x3FFB];
	_ =	sdelay $0x3  }
0xa: {  	_ =	strace s18  }
0xb: {  	s1 =	sld [smem:$0x3FFC];
	_ =	sdelay $0x3  }
0xc: {  	_ =	strace s1  }
0xd: {  	s1 =	sld [smem:$0x3FFD];
	_ =	sdelay $0x3  }
0xe: {  	_ =	strace s1  }
0xf: {  	_ =	strace $0x8FFFFFFF  }
0x10: {  	s19 =	sld [smem:$0x3FDB];
	_ =	sdelay $0x1  }
0x11: {  	s20 =	simm.s32 $_scs_section_size  }
0x12: {  	s4 =	simm.s32 $_size__tile_overlayer_lowered;
	s5 =	simm.s32 $_tile_overlayer_lowered  }
0x13: {  	s23 =	simm.s32 $0x1BFF;
	s22 =	sshll.u32 s5, $0x1;
	s1 =	sadd.s32 s20, s19  }
0x14: {  	s6 =	simm.s32 $0x0;
	s21 =	sshll.u32 s4, $0x1;
	s4 =	sadd.s32 s22, s1  }
0x15: {  	[timem:s6], [sflag:s23] =	dma.local [hbm:s4], s21  }
0x16: {  	_ =	swait.ge [sflag:s23], s21  }
0x17: {  	s2 =	ssub.s32 $0x0, s21;
	[sflag:s23] =	ssyncset.done $0x0  }
0x18: {  	[sflag:s23] =	ssyncadd.s32 s2;
	_ =	sdelay $0x1  }
0x19: {  	s24 =	simm.s32 $0x1B8B  }
0x1a: {  	_ =	swait.ge [sflag:s24], $0x1  }
0x1b: {  	[sflag:s24] =	ssyncset.done $0x0  }
0x1c: {  	s26 =	simm.s32 $0x1B8E;
	s25 =	sld [smem:$0x3FFE];
	[sflag:s24] =	ssyncadd.s32 $0xFFFFFFFF  }
0x1d: {  	s27 =	simm.s32 $execute0_lowered;
	[smem:$0x3FD2] =	sst s26  }
0x1e: {  	s4 =	sshll.u32 s27, $0x1;
	_ =	strace $0x8000004F;
	[dreg:$0x1] =	wrdreg $0xFFFFFFFF  }
0x1f: {  	s28 =	simm.s32 $_size_execute0_lowered;
	s1 =	sadd.s32 s1, s4;
	[dreg:$0x0] =	wrdreg $0x0  }
0x20: {  	s4 =	sshll.u32 s28, $0x1;
	[dreg:$0x2] =	wrdreg s1  }
0x21: {  	[dreg:$0x3] =	wrdreg s4  }
0x22: {  	[dreg:$0x4] =	wrdreg $0xC0  }
0x23: {  	_ =	task [dreg:s6], $0x5FFFF  }
0x24: {  	[dreg:$0x1] =	wrdreg $0xFFFFFFFF  }
0x25: {  	[dreg:$0x0] =	wrdreg $0x60  }
0x26: {  	[dreg:$0x2] =	wrdreg s25  }
0x27: {  	[dreg:$0x3] =	wrdreg $0x9  }
0x28: {  	_ =	task.clear_ibuf [dreg:s6], $0x4FFFF;
	_ =	strace $0x9000004F  }
0x29: {  	s29 =	simm.s32 $0x9;
	_ =	strace $0x80000051  }
0x2a: {  	_ =	swait.ge [sflag:s29], $0x1  }
0x2b: {  	[sflag:s29] =	ssyncadd.s32 $0xFFFFFFFF  }
0x2c: {  	_ =	strace $0x90000051  }
0x2d: {  	_ =	sfence  }
0x2e: {  	s30 =	sld [smem:$0x0];
	_ =	sdelay $0x2  }
0x2f: {  	s31 =	sshll.u32 s3, $0xD;
	s3 =	sshrl.u32 s3, $0x2  }
0x30: {  	s2 =	sand.u32 $0x4000, s31;
	s1 =	sadd.s32 s3, s30  }
0x31: {  	s0 =	sor.u32 s2, s0;
	s1 =	sshll.u32 s1, $0x11  }
0x32: {  	s0 =	sor.u32 s1, s0  }
0x33: {  	s0 =	sadd.s32 $0x8F2B, s0  }
0x34: {  	[sflag:s0] =	ssyncadd.remote.s32 $0x1  }
0x35: {  	_ =	sfence.sel $0xFFFF  }
0x36: {  	[dreg:$0x0] =	wrdreg $0xFFFFFFFF;
	(pc) =	sbr.abs _section_cstart, $3  }
0x37: {  	[dreg:$0x1] =	wrdreg $0xFFFFFFFF  }
0x38: {  	_ =	task.clear_ibuf [dreg:s6], $0x2FFFF;
	_ =	strace $0x9FFFFFFF  }
0x39: {  	(tm) =	ssettm $0x7FFFFFFF  }
tec
execute0_lowered:
.L_overlay_start_1:
0x0: {  	(tag) =	ssettag $0x1  }
0x1: {  	s0 =	srdreg.scid  }
0x2: {  	s1 =	sshll.u32 s0, $0x4  }
0x3: {  	s6 =	rddreg [dreg:$0x0];
	s0 =	stileid.u32;
	s1 =	sand.u32 $0x10, s1  }
0x4: {  	s5 =	simm.s32 $0x1;
	s31 =	simm.s32 $0x2;
	s1 =	sor.u32 s0, s1  }
0x5: {  	s12 =	simm.s32 $0x0;
	s8 =	simm.s32 $0x28000;
	s2 =	sshll.u32 s1, $0x7  }
0x6: {  	s13 =	simm.s32 $0x0;
	s9 =	simm.s32 $0x0;
	s3 =	ssub.s32 $0x5000, s2  }
0x7: {  	s11 =	simm.s32 $0x0;
	s1 =	rddreg [dreg:$0x1];
	s4 =	sand.u32 $0xF80, s3  }
.Ltmp0:
0x8: {  	_ =	strace $0x80000050;
	p0 =	sne.s32 s4, $0x0;
	(pc) =	sbr.rel .LBB1_1-.Ltmp0, $4  }
0x9: {  	s10 =	smov.u32 s2;
	s7 =	sshrl.u32 s3, $0xC;
	s5 =	simm.s32 @!p0 $0x0  }
0xa: {  	s3 =	sadd.s32 $0x16C800, s6;
	s4 =	simm.s32 $0x1;
	s5 =	sadd.s32 s5, s7  }
0xb: {  	s6 =	sadd.s32 $0x3EC800, s6;
	[sflag:s4] =	ssyncpa.u1 $0x0;
	s5 =	sshll.u32 s5, $0x3  }
0xc: {  	p0 =	por $0x0, $0x0;
	[sflag:s31] =	ssyncpa.u1 $0x0;
	s7 =	sor.u32 $0x1, s5  }
.LBB1_4:
0xd: {  	s19 =	sshrl.u32 s12, $0x3  }
0xe: {  	s20 =	sshll.u32 s13, $0x3;
	s24 =	sshll.u32 s12, $0x7;
	s19 =	smul.u32 $0x28000, s19  }
0xf: {  	v5 =	vld [tilespmem:s17+$0xFFFFFFD0];
	[tilespmem:s16+$0x2040 ss:$0x81] =	vst.msk $0xffff, v4;
	s25 =	sand.u32 $0x7F, s13;
	s20 =	sand.u32 $0xFFFFFC00, s20;
	s12 =	sand.u32 $0x380, s24  }
0x10: {  	v58 =	vld [tilespmem:s17+$0xFFFFFFE0];
	[tilespmem:s16+$0x2850 ss:$0x81] =	vst.msk $0xffff, v2;
	s12 =	sor.u32 s25, s12;
	s19 =	sadd.s32 s20, s19  }
0x11: {  	s26 =	sshra.s32 s18, $0x2;
	v59 =	vld [tilespmem:s17+$0xFFFFFFF0];
	[tilespmem:s16+$0x3060 ss:$0x81] =	vst.msk $0xffff, v3;
	s12 =	sor.u32 s19, s12  }
0x12: {  	v60 =	vld [tilespmem:s17+$0x0];
	[tilespmem:s16+$0x0 ss:$0x81] =	vst.msk $0xffff, v0;
	s13 =	sadd.s32 s26, s15;
	s27 =	smulhi.u32 $0xCCCCCCCD, s12  }
0x13: {  	v61 =	vld [tilespmem:s17+$0x10];
	[tilespmem:s13+$0x3870 ss:$0x81] =	vst.msk $0xffff, v1  }
0x14: {  	v62 =	vld [tilespmem:s17+$0x20];
	s28 =	smulhi.u32 $0xCCCCCCCD, s19;
	[tilespmem:s13+$0x810 ss:$0x81] =	vst.msk $0xffff, v5;
	s15 =	sshrl.u32 s27, $0xE  }
0x15: {  	v63 =	vld [tilespmem:s17+$0xFFFFFFC0];
	[tilespmem:s13+$0x1020 ss:$0x81] =	vst.msk $0xffff, v58;
	s15 =	smul.u32 $0x5000, s15  }
0x16: {  	[tilespmem:s13+$0x1830 ss:$0x81] =	vst.msk $0xffff, v59;
	s16 =	sshrl.u32 s28, $0xE  }
0x17: {  	[tilespmem:s13+$0x2040 ss:$0x81] =	vst.msk $0xffff, v60;
	s29 =	sand.u32 $0x3FF, s16;
	s12 =	ssub.s32 s12, s15  }
0x18: {  	[tilespmem:s13+$0x2850 ss:$0x81] =	vst.msk $0xffff, v61;
	s15 =	smul.u32 $0xA00, s29;
	s30 =	sshrl.u32 s12, $0x3;
	s12 =	sand.u32 $0x7, s12  }
0x19: {  	[tilespmem:s13+$0x3060 ss:$0x81] =	vst.msk $0xffff, v62;
	s16 =	sadd.s32 s6, s30;
	s12 =	sshll.u32 s12, $0x12  }
0x1a: {  	[tilespmem:s13+$0x0 ss:$0x81] =	vst.msk $0xffff, v63;
	s31 =	sadd.s32 s15, s16;
	s12 =	sor.u32 $0x400, s12  }
0x1b: {  	[hbm4b:s31+s12] =	stream.strided.scatter [tilespmem:s14], [sflag:$0x2], $0x4000, s8, s12, $0x20;
	[tilespmem:$0x10100] =	vst v63  }
.LBB1_5:
0x1c: {  	s14 =	sadd.s32 $0x80, s9  }
0x1d: {  	s12 =	sadd.s32 $0x1000, s10;
	s16 =	smov.u32 s10;
	p2 =	sgt.s32 s14, $0x3FF  }
0x1e: {  	s16 =	smov.u32 @p2 s12  }
0x1f: {  	s14 =	simm.s32 @p2 $0x0;
	p2 =	sgt.s32 s16, $0x4FFF  }
0x20: {  	s16 =	smov.u32 @p2 s2;
	p2 =	sne.s32 s11, s7  }
.Ltmp1:
0x21: {  	p1 =	slt.u32 s11, $0x2;
	(pc) =	sbr.rel @!p2 .LBB1_6-.Ltmp1, $4  }
0x22: {  	s15 =	simm.s32 @!p1 $0x2  }
0x23: {  	s13 =	smov.u32 s10;
	p0 =	por !p0, !p0;
	_ =	swait.ge @!p1 [sflag:s15], $0x4000  }
0x24: {  	s12 =	smov.u32 s9;
	[sflag:s15] =	ssyncset.done @!p1 $0x0;
	s9 =	smov.u32 s14  }
0x25: {  	s11 =	sadd.s32 $0x1, s11;
	[sflag:s15] =	ssyncadd.s32 @!p1 $0xFFFFC000;
	s10 =	smov.u32 s16  }
.LBB1_1:
0x26: {  	p1 =	sge.u32 s11, s5  }
0x27: {  	s14 =	sshll.u32 @!p1 s10, $0xA  }
0x28: {  	s15 =	sshll.u32 @!p1 s9, $0x3;
	s14 =	sand.u32 @!p1 $0xFFFFE000, s14  }
0x29: {  	s14 =	sadd.s32 @!p1 s14, s15  }
0x2a: {  	s14 =	sshrl.u32 @!p1 s14, $0xA  }
0x2b: {  	s15 =	smulhi.u32 @!p1 $0xCCCCD, s14  }
0x2c: {  	s16 =	sxor.u32 @!p1 $0xFFFFFFFF, s11  }
0x2d: {  	s17 =	sshll.u32 @!p1 s10, $0x7;
	s18 =	sand.u32 @!p1 $0x78, s9;
	s15 =	sshrl.u32 @!p1 s15, $0x2  }
0x2e: {  	s16 =	sshll.u32 @!p1 s16, $0xE;
	s17 =	sand.u32 @!p1 $0x380, s17;
	s15 =	smul.u32 @!p1 $0x5000, s15  }
0x2f: {  	s31 =	sadd.s32 $0xFFFFFFFF, s11;
	s17 =	sor.u32 @!p1 s18, s17;
	s16 =	sand.u32 @!p1 $0x4000, s16  }
0x30: {  	s14 =	ssub.s32 @!p1 s14, s15;
	s15 =	sshrl.u32 @!p1 s17, $0x3;
	s17 =	sand.u32 @!p1 $0x7, s9  }
0x31: {  	s14 =	sshll.u32 @!p1 s14, $0x7;
	s15 =	sadd.s32 @!p1 s3, s15;
	s17 =	sshll.u32 @!p1 s17, $0x12  }
0x32: {  	s14 =	sadd.s32 @!p1 s14, s15;
	s15 =	sor.u32 @!p1 $0x400, s17;
	s17 =	simm.s32 @!p1 $0x2000  }
0x33: {  	[tilespmem:s16], [sflag:$0x1] =	stream.strided.gather @!p1 [hbm4b:s14+s15], $0x4000, s17, s15, $0x38;
	[tilespmem:$0x10100] =	vst v63  }
0x34: {  	p1 =	sge.u32 s31, s5  }
.Ltmp2:
0x35: {  	_ = 	snop;
	(pc) =	sbr.rel @p1 .LBB1_5-.Ltmp2, $1  }
0x36: {  	_ =	sdelay $0x3  }
0x37: {  	s14 =	simm.s32 $0x1  }
0x38: {  	_ =	swait.ge [sflag:s4], $0x4000;
	s14 =	simm.s32 @!p0 $0x0  }
0x39: {  	[sflag:s4] =	ssyncset.done $0x0;
	s15 =	sshll.u32 s14, $0xE  }
0x3a: {  	[sflag:s4] =	ssyncadd.s32 $0xFFFFC000;
	s17 =	sor.u32 $0x40, s15  }
0x3b: {  	s14 =	smul.u32 $0x10200, s14;
	v0 =	vld [tilespmem:s17+$0x30]  }
0x3c: {  	v1 =	vld [tilespmem:s17+$0xFFFFFFD0]  }
0x3d: {  	s14 =	sshrl.u32 s14, $0x2;
	v5 =	vld [tilespmem:s17+$0xFFFFFFE0]  }
0x3e: {  	v6 =	vld [tilespmem:s17+$0xFFFFFFF0];
	s15 =	sor.u32 $0x8000, s14  }
0x3f: {  	s31 =	sand.u32 $0x1, s11;
	v4 =	vld [tilespmem:s17+$0x0];
	s16 =	sadd.s32 $0x0, s15  }
0x40: {  	v2 =	vld [tilespmem:s17+$0x10];
	s14 =	smul.u32 $0x10200, s31;
	[tilespmem:s16+$0x3870 ss:$0x81] =	vst.msk $0xffff, v0  }
0x41: {  	v3 =	vld [tilespmem:s17+$0x20];
	[tilespmem:s16+$0x810 ss:$0x81] =	vst.msk $0xffff, v1  }
0x42: {  	s14 =	sshrl.u32 s14, $0x2;
	v0 =	vld [tilespmem:s17+$0xFFFFFFC0];
	[tilespmem:s16+$0x1020 ss:$0x81] =	vst.msk $0xffff, v5;
	s17 =	sadd.s32 $0x80, s17  }
0x43: {  	s18 =	simm.s32 $0x4;
	s19 =	simm.s32 $0x8;
	s14 =	sor.u32 $0x8000, s14;
	[tilespmem:s16+$0x1830 ss:$0x81] =	vst.msk $0xffff, v6;
	v1 =	vld [tilespmem:s17+$0x30]  }
.LBB1_3:
0x44: {  	p1 =	sne.s32 s19, $0x1FC;
	v5 =	vld [tilespmem:s17+$0xFFFFFFD0];
	[tilespmem:s16+$0x2040 ss:$0x81] =	vst.msk $0xffff, v4  }
0x45: {  	v6 =	vld [tilespmem:s17+$0xFFFFFFE0];
	[tilespmem:s16+$0x2850 ss:$0x81] =	vst.msk $0xffff, v2  }
0x46: {  	s20 =	sshra.s32 s18, $0x2;
	s18 =	smov.u32 s19;
	v7 =	vld [tilespmem:s17+$0xFFFFFFF0];
	[tilespmem:s16+$0x3060 ss:$0x81] =	vst.msk $0xffff, v3  }
.Ltmp3:
0x47: {  	v4 =	vld [tilespmem:s17+$0x0];
	[tilespmem:s16+$0x0 ss:$0x81] =	vst.msk $0xffff, v0;
	s16 =	sadd.s32 s20, s15;
	(pc) =	sbr.rel @p1 .LBB1_3-.Ltmp3, $4  }
0x48: {  	v2 =	vld [tilespmem:s17+$0x10];
	[tilespmem:s16+$0x3870 ss:$0x81] =	vst.msk $0xffff, v1  }
0x49: {  	[tilespmem:s16+$0x810 ss:$0x81] =	vst.msk $0xffff, v5;
	v3 =	vld [tilespmem:s17+$0x20]  }
0x4a: {  	v0 =	vld [tilespmem:s17+$0xFFFFFFC0];
	[tilespmem:s16+$0x1020 ss:$0x81] =	vst.msk $0xffff, v6;
	s17 =	sadd.s32 $0x80, s17  }
0x4b: {  	s19 =	sadd.s32 $0x4, s19;
	v1 =	vld [tilespmem:s17+$0x30];
	[tilespmem:s16+$0x1830 ss:$0x81] =	vst.msk $0xffff, v7  }
.Ltmp4:
0x4c: {  	_ = 	snop;
	(pc) =	sbr.rel .LBB1_4-.Ltmp4, $1  }
0x4d: {  	_ =	sdelay $0x3  }
.LBB1_6:
0x4e: {  	_ =	sfence.sel $0x180000  }
0x4f: {  	s2 =	simm.s32 $0x1;
	[bflag:$0x0] =	sbarrier.arrive $0xFFFF  }
0x50: {  	s31 =	simm.s32 $0x2;
	[sflag:s2] =	ssyncpa.u1 $0x1  }
0x51: {  	[sflag:s31] =	ssyncpa.u1 $0x1  }
0x52: {  	p0 =	sne.s32 s0, $0x0;
	_ =	strace $0x90000050  }
0x53: {  	s0 =	sadd.s32 @!p0 $0x100000, s1;
	[bflag:$0x2] =	sbarrier.arrive $0xFFFF  }
0x54: {  	[sflag:s0] =	ssyncadd.tile.s32 @!p0 $0x1;
	_ =	shalt  }
.Lfunc_end1:
_tile_overlayer_lowered:
.L_overlay_start_2:
0x55: {  	(tag) =	ssettag $0x2  }
0x56: {  	s0 =	rddreg [dreg:$0x0];
	s2 =	stileid.u32  }
0x57: {  	s1 =	rddreg [dreg:$0x1];
	p0 =	sne.s32 s2, $0x0  }
0x58: {  	s3 =	rddreg [dreg:$0x2];
	[bflag:$0x3] =	sbarrier.arrive $0xFFFF;
	s2 =	simm.s32 @!p0 $0x1C01  }
0x59: {  	[timem:s3], [sflag:s2] =	dma.local @!p0 [hbm:s0], s1  }
0x5a: {  	s0 =	simm.s32 @!p0 $0x1  }
0x5b: {  	_ =	swait.ge @!p0 [sflag:s0], s1  }
0x5c: {  	s1 =	ssub.s32 @!p0 $0x0, s1;
	[sflag:s0] =	ssyncset.done @!p0 $0x0  }
0x5d: {  	[sflag:s0] =	ssyncadd.s32 @!p0 s1  }
0x5e: {  	[bflag:$0x3] =	sbarrier.arrive $0xFFFF  }
0x5f: {  	_ =	shalt  }

// kernel: sparse-core-data-format-call.3.cloned.1.call-start
scs
called_computation.3_lowered:
.L_overlay_start_0:
0x0: {  	s1 =	sld [smem:$0x3FD9]  }
0x1: {  	s2 =	sld [smem:$0x3FFE];
	_ =	sdelay $0x1  }
0x2: {  	s3 =	srdreg.scid  }
0x3: {  	s0 =	sand.u32 $0x1, s3  }
0x4: {  	s17 =	sshll.u32 s0, $0xA;
	s1 =	sadd.s32 s2, s1  }
0x5: {  	s1 =	sadd.s32 s1, s17  }
0x6: {  	[smem:$0x3FC0] =	sst s1  }
0x7: {  	_ = 	snop  }
0x8: {  	(tm) =	ssettm $0x1  }
0x9: {  	s18 =	sld [smem:$0x3FFB];
	_ =	sdelay $0x3  }
0xa: {  	_ =	strace s18  }
0xb: {  	s1 =	sld [smem:$0x3FFC];
	_ =	sdelay $0x3  }
0xc: {  	_ =	strace s1  }
0xd: {  	s1 =	sld [smem:$0x3FFD];
	_ =	sdelay $0x3  }
0xe: {  	_ =	strace s1  }
0xf: {  	_ =	strace $0x8FFFFFFF  }
0x10: {  	s19 =	sld [smem:$0x3FDB];
	_ =	sdelay $0x1  }
0x11: {  	s20 =	simm.s32 $_scs_section_size  }
0x12: {  	s4 =	simm.s32 $_size__tile_overlayer_lowered;
	s5 =	simm.s32 $_tile_overlayer_lowered  }
0x13: {  	s23 =	simm.s32 $0x1BFF;
	s22 =	sshll.u32 s5, $0x1;
	s1 =	sadd.s32 s20, s19  }
0x14: {  	s6 =	simm.s32 $0x0;
	s21 =	sshll.u32 s4, $0x1;
	s4 =	sadd.s32 s22, s1  }
0x15: {  	[timem:s6], [sflag:s23] =	dma.local [hbm:s4], s21  }
0x16: {  	_ =	swait.ge [sflag:s23], s21  }
0x17: {  	s2 =	ssub.s32 $0x0, s21;
	[sflag:s23] =	ssyncset.done $0x0  }
0x18: {  	[sflag:s23] =	ssyncadd.s32 s2;
	_ =	sdelay $0x1  }
0x19: {  	s24 =	simm.s32 $0x1B8B  }
0x1a: {  	_ =	swait.ge [sflag:s24], $0x1  }
0x1b: {  	[sflag:s24] =	ssyncset.done $0x0  }
0x1c: {  	s26 =	simm.s32 $0x1B8E;
	s25 =	sld [smem:$0x3FFE];
	[sflag:s24] =	ssyncadd.s32 $0xFFFFFFFF  }
0x1d: {  	s27 =	simm.s32 $execute0_lowered;
	[smem:$0x3FD2] =	sst s26  }
0x1e: {  	s4 =	sshll.u32 s27, $0x1;
	_ =	strace $0x8000004C;
	[dreg:$0x1] =	wrdreg $0xFFFFFFFF  }
0x1f: {  	s28 =	simm.s32 $_size_execute0_lowered;
	s1 =	sadd.s32 s1, s4;
	[dreg:$0x0] =	wrdreg $0x0  }
0x20: {  	s4 =	sshll.u32 s28, $0x1;
	[dreg:$0x2] =	wrdreg s1  }
0x21: {  	[dreg:$0x3] =	wrdreg s4  }
0x22: {  	[dreg:$0x4] =	wrdreg $0xC0  }
0x23: {  	_ =	task [dreg:s6], $0x5FFFF  }
0x24: {  	[dreg:$0x1] =	wrdreg $0xFFFFFFFF  }
0x25: {  	[dreg:$0x0] =	wrdreg $0x60  }
0x26: {  	[dreg:$0x2] =	wrdreg s25  }
0x27: {  	[dreg:$0x3] =	wrdreg $0x9  }
0x28: {  	_ =	task.clear_ibuf [dreg:s6], $0x4FFFF;
	_ =	strace $0x9000004C  }
0x29: {  	s29 =	simm.s32 $0x9;
	_ =	strace $0x8000004E  }
0x2a: {  	_ =	swait.ge [sflag:s29], $0x1  }
0x2b: {  	[sflag:s29] =	ssyncadd.s32 $0xFFFFFFFF  }
0x2c: {  	_ =	strace $0x9000004E  }
0x2d: {  	_ =	sfence  }
0x2e: {  	s30 =	sld [smem:$0x0];
	_ =	sdelay $0x2  }
0x2f: {  	s31 =	sshll.u32 s3, $0xD;
	s3 =	sshrl.u32 s3, $0x2  }
0x30: {  	s2 =	sand.u32 $0x4000, s31;
	s1 =	sadd.s32 s3, s30  }
0x31: {  	s0 =	sor.u32 s2, s0;
	s1 =	sshll.u32 s1, $0x11  }
0x32: {  	s0 =	sor.u32 s1, s0  }
0x33: {  	s0 =	sadd.s32 $0x8F2B, s0  }
0x34: {  	[sflag:s0] =	ssyncadd.remote.s32 $0x1  }
0x35: {  	_ =	sfence.sel $0xFFFF  }
0x36: {  	[dreg:$0x0] =	wrdreg $0xFFFFFFFF;
	(pc) =	sbr.abs _section_cstart, $3  }
0x37: {  	[dreg:$0x1] =	wrdreg $0xFFFFFFFF  }
0x38: {  	_ =	task.clear_ibuf [dreg:s6], $0x2FFFF;
	_ =	strace $0x9FFFFFFF  }
0x39: {  	(tm) =	ssettm $0x7FFFFFFF  }
tec
execute0_lowered:
.L_overlay_start_1:
0x0: {  	(tag) =	ssettag $0x1  }
0x1: {  	s0 =	stileid.u32;
	s1 =	srdreg.scid  }
0x2: {  	s7 =	rddreg [dreg:$0x0];
	s31 =	simm.s32 $0x2;
	s14 =	simm.s32 $0x0  }
0x3: {  	s13 =	simm.s32 $0x0;
	s12 =	simm.s32 $0x0;
	s2 =	sshll.u32 s0, $0x7  }
0x4: {  	s3 =	sshll.u32 s0, $0x4;
	s1 =	sshll.u32 s1, $0x8;
	s2 =	sand.u32 $0x380, s2  }
0x5: {  	s3 =	sor.u32 s3, s1;
	s1 =	rddreg [dreg:$0x1];
	_ =	strace $0x8000004D  }
0x6: {  	s3 =	sand.u32 $0x180, s3;
	s4 =	ssub.s32 $0x400, s2;
	s11 =	smov.u32 s2  }
0x7: {  	s5 =	sand.u32 $0x380, s4;
	s6 =	ssub.s32 $0x5000, s3;
	s9 =	sshrl.u32 s4, $0xA  }
0x8: {  	p0 =	sne.s32 s5, $0x0;
	s5 =	simm.s32 $0x1;
	s8 =	sand.u32 $0x180, s6  }
0x9: {  	s5 =	simm.s32 @!p0 $0x0;
	p0 =	sne.s32 s8, $0x0;
	s8 =	simm.s32 $0x1  }
.Ltmp0:
0xa: {  	s6 =	sshrl.u32 s6, $0x9;
	s8 =	simm.s32 @!p0 $0x0;
	(pc) =	sbr.rel .LBB1_1-.Ltmp0, $4  }
0xb: {  	s4 =	simm.s32 $0x1;
	s5 =	sadd.s32 s5, s9;
	s6 =	sadd.s32 s8, s6  }
0xc: {  	s10 =	smov.u32 s3;
	[sflag:s4] =	ssyncpa.u1 $0x0;
	s5 =	smul.u32 s5, s6  }
0xd: {  	[sflag:s31] =	ssyncpa.u1 $0x0;
	p0 =	por $0x0, $0x0;
	s9 =	simm.s32 $0x2000  }
0xe: {  	s6 =	sadd.s32 $0x3EC800, s7;
	s7 =	sadd.s32 $0x2C800, s7;
	s8 =	sadd.s32 $0x1, s5  }
.LBB1_4:
0xf: {  	v5 =	vld [tilespmem:s18+$0xFFFFFFD0];
	[tilespmem:s17+$0x2040 ss:$0x81] =	vst.msk $0xffff, v4;
	s20 =	sshll.u32 s14, $0xA;
	s21 =	sshll.u32 s13, $0x3  }
0x10: {  	v58 =	vld [tilespmem:s18+$0xFFFFFFE0];
	[tilespmem:s17+$0x2850 ss:$0x81] =	vst.msk $0xffff, v3;
	s20 =	sand.u32 $0xFFFFE000, s20;
	s21 =	sand.u32 $0xFFFFFC00, s21  }
0x11: {  	s19 =	sshra.s32 s19, $0x2;
	v59 =	vld [tilespmem:s18+$0xFFFFFFF0];
	[tilespmem:s17+$0x3060 ss:$0x81] =	vst.msk $0xffff, v2;
	s20 =	sadd.s32 s21, s20  }
0x12: {  	v60 =	vld [tilespmem:s18+$0x0];
	[tilespmem:s17+$0x0 ss:$0x81] =	vst.msk $0xffff, v0;
	s16 =	sadd.s32 s19, s16;
	s26 =	sshrl.u32 s20, $0xA  }
0x13: {  	v61 =	vld [tilespmem:s18+$0x10];
	[tilespmem:s16+$0x3870 ss:$0x81] =	vst.msk $0xffff, v1;
	s27 =	smulhi.u32 $0xCCCCD, s26  }
0x14: {  	v62 =	vld [tilespmem:s18+$0x20];
	[tilespmem:s16+$0x810 ss:$0x81] =	vst.msk $0xffff, v5  }
0x15: {  	v63 =	vld [tilespmem:s18+$0xFFFFFFC0];
	s28 =	sshll.u32 s14, $0x7;
	[tilespmem:s16+$0x1020 ss:$0x81] =	vst.msk $0xffff, v58;
	s29 =	sshrl.u32 s27, $0x2  }
0x16: {  	s30 =	sand.u32 $0x78, s13;
	s14 =	sand.u32 $0x380, s28;
	[tilespmem:s16+$0x1830 ss:$0x81] =	vst.msk $0xffff, v59;
	s18 =	smul.u32 $0x5000, s29  }
0x17: {  	s14 =	sor.u32 s30, s14;
	[tilespmem:s16+$0x2040 ss:$0x81] =	vst.msk $0xffff, v60  }
0x18: {  	s31 =	sand.u32 $0x7, s13;
	s14 =	sshrl.u32 s14, $0x3;
	[tilespmem:s16+$0x2850 ss:$0x81] =	vst.msk $0xffff, v61;
	s17 =	ssub.s32 s26, s18  }
0x19: {  	s13 =	sshll.u32 s31, $0x12;
	s14 =	sadd.s32 s7, s14;
	[tilespmem:s16+$0x3060 ss:$0x81] =	vst.msk $0xffff, v62;
	s17 =	sshll.u32 s17, $0x7  }
0x1a: {  	s13 =	sor.u32 $0x400, s13;
	[tilespmem:s16+$0x0 ss:$0x81] =	vst.msk $0xffff, v63;
	s14 =	sadd.s32 s17, s14  }
0x1b: {  	[hbm4b:s14+s13] =	stream.strided.scatter [tilespmem:s15], [sflag:$0x2], $0x4000, s9, s13, $0x20;
	[tilespmem:$0x10100] =	vst v63  }
.LBB1_5:
0x1c: {  	s15 =	sadd.s32 $0x200, s10  }
0x1d: {  	s13 =	sadd.s32 $0x400, s11;
	s17 =	smov.u32 s11;
	p2 =	sgt.s32 s15, $0x4FFF  }
0x1e: {  	s17 =	smov.u32 @p2 s13  }
0x1f: {  	s15 =	smov.u32 @p2 s3;
	p2 =	sgt.s32 s17, $0x3FF  }
0x20: {  	s17 =	smov.u32 @p2 s2;
	p2 =	sne.s32 s12, s8  }
.Ltmp1:
0x21: {  	p1 =	slt.u32 s12, $0x2;
	(pc) =	sbr.rel @!p2 .LBB1_6-.Ltmp1, $4  }
0x22: {  	s16 =	simm.s32 @!p1 $0x2  }
0x23: {  	s14 =	smov.u32 s10;
	p0 =	por !p0, !p0;
	_ =	swait.ge @!p1 [sflag:s16], $0x4000  }
0x24: {  	s13 =	smov.u32 s11;
	[sflag:s16] =	ssyncset.done @!p1 $0x0;
	s10 =	smov.u32 s15  }
0x25: {  	s12 =	sadd.s32 $0x1, s12;
	[sflag:s16] =	ssyncadd.s32 @!p1 $0xFFFFC000;
	s11 =	smov.u32 s17  }
.LBB1_1:
0x26: {  	p1 =	sge.u32 s12, s5  }
0x27: {  	s15 =	sshrl.u32 @!p1 s11, $0x3  }
0x28: {  	s16 =	sshll.u32 @!p1 s10, $0x3;
	s17 =	sshll.u32 @!p1 s11, $0x7;
	s15 =	smul.u32 @!p1 $0x28000, s15  }
0x29: {  	s18 =	sand.u32 @!p1 $0x7F, s10;
	s16 =	sand.u32 @!p1 $0xFFFFFC00, s16;
	s17 =	sand.u32 @!p1 $0x380, s17  }
0x2a: {  	s15 =	sadd.s32 @!p1 s15, s16;
	s16 =	sor.u32 @!p1 s18, s17  }
0x2b: {  	s16 =	sor.u32 @!p1 s15, s16  }
0x2c: {  	s17 =	smulhi.u32 @!p1 $0xCCCCCCCD, s16;
	_ =	sdelay $0x1  }
0x2d: {  	s15 =	smulhi.u32 @!p1 $0xCCCCCCCD, s15;
	s17 =	sshrl.u32 @!p1 s17, $0xE  }
0x2e: {  	s17 =	smul.u32 @!p1 $0x5000, s17  }
0x2f: {  	s31 =	sadd.s32 $0xFFFFFFFF, s12;
	s18 =	sxor.u32 @!p1 $0xFFFFFFFF, s12;
	s15 =	sshrl.u32 @!p1 s15, $0xE  }
0x30: {  	s18 =	sshll.u32 @!p1 s18, $0xE;
	s15 =	sand.u32 @!p1 $0x3FF, s15;
	s16 =	ssub.s32 @!p1 s16, s17  }
0x31: {  	s15 =	smul.u32 @!p1 $0xA00, s15;
	s17 =	sshrl.u32 @!p1 s16, $0x3;
	s16 =	sand.u32 @!p1 $0x7, s16  }
0x32: {  	s18 =	sand.u32 @!p1 $0x4000, s18;
	s17 =	sadd.s32 @!p1 s6, s17;
	s16 =	sshll.u32 @!p1 s16, $0x12  }
0x33: {  	s15 =	sadd.s32 @!p1 s15, s17;
	s16 =	sor.u32 @!p1 $0x400, s16;
	s17 =	simm.s32 @!p1 $0x28000  }
0x34: {  	[tilespmem:s18], [sflag:$0x1] =	stream.strided.gather @!p1 [hbm4b:s15+s16], $0x4000, s17, s16, $0x38;
	[tilespmem:$0x10100] =	vst v63  }
0x35: {  	p1 =	sge.u32 s31, s5  }
.Ltmp2:
0x36: {  	_ = 	snop;
	(pc) =	sbr.rel @p1 .LBB1_5-.Ltmp2, $1  }
0x37: {  	_ =	sdelay $0x3  }
0x38: {  	s15 =	simm.s32 $0x1  }
0x39: {  	_ =	swait.ge [sflag:s4], $0x4000;
	s15 =	simm.s32 @!p0 $0x0  }
0x3a: {  	[sflag:s4] =	ssyncset.done $0x0;
	s16 =	sshll.u32 s15, $0xE  }
0x3b: {  	[sflag:s4] =	ssyncadd.s32 $0xFFFFC000;
	s18 =	sor.u32 $0x40, s16  }
0x3c: {  	s15 =	smul.u32 $0x10200, s15;
	v0 =	vld [tilespmem:s18+$0x30]  }
0x3d: {  	v1 =	vld [tilespmem:s18+$0xFFFFFFD0]  }
0x3e: {  	s15 =	sshrl.u32 s15, $0x2;
	v5 =	vld [tilespmem:s18+$0xFFFFFFE0]  }
0x3f: {  	v6 =	vld [tilespmem:s18+$0xFFFFFFF0];
	s16 =	sor.u32 $0x8000, s15  }
0x40: {  	s31 =	sand.u32 $0x1, s12;
	v4 =	vld [tilespmem:s18+$0x0];
	s17 =	sadd.s32 $0x0, s16  }
0x41: {  	v3 =	vld [tilespmem:s18+$0x10];
	s15 =	smul.u32 $0x10200, s31;
	[tilespmem:s17+$0x3870 ss:$0x81] =	vst.msk $0xffff, v0  }
0x42: {  	v2 =	vld [tilespmem:s18+$0x20];
	[tilespmem:s17+$0x810 ss:$0x81] =	vst.msk $0xffff, v1  }
0x43: {  	s15 =	sshrl.u32 s15, $0x2;
	v0 =	vld [tilespmem:s18+$0xFFFFFFC0];
	[tilespmem:s17+$0x1020 ss:$0x81] =	vst.msk $0xffff, v5;
	s18 =	sadd.s32 $0x80, s18  }
0x44: {  	s19 =	simm.s32 $0x4;
	s20 =	simm.s32 $0x8;
	s15 =	sor.u32 $0x8000, s15;
	[tilespmem:s17+$0x1830 ss:$0x81] =	vst.msk $0xffff, v6;
	v1 =	vld [tilespmem:s18+$0x30]  }
.LBB1_3:
0x45: {  	p1 =	sne.s32 s20, $0x1FC;
	v5 =	vld [tilespmem:s18+$0xFFFFFFD0];
	[tilespmem:s17+$0x2040 ss:$0x81] =	vst.msk $0xffff, v4  }
0x46: {  	v6 =	vld [tilespmem:s18+$0xFFFFFFE0];
	[tilespmem:s17+$0x2850 ss:$0x81] =	vst.msk $0xffff, v3  }
0x47: {  	s21 =	sshra.s32 s19, $0x2;
	s19 =	smov.u32 s20;
	v7 =	vld [tilespmem:s18+$0xFFFFFFF0];
	[tilespmem:s17+$0x3060 ss:$0x81] =	vst.msk $0xffff, v2  }
.Ltmp3:
0x48: {  	v4 =	vld [tilespmem:s18+$0x0];
	[tilespmem:s17+$0x0 ss:$0x81] =	vst.msk $0xffff, v0;
	s17 =	sadd.s32 s21, s16;
	(pc) =	sbr.rel @p1 .LBB1_3-.Ltmp3, $4  }
0x49: {  	v3 =	vld [tilespmem:s18+$0x10];
	[tilespmem:s17+$0x3870 ss:$0x81] =	vst.msk $0xffff, v1  }
0x4a: {  	[tilespmem:s17+$0x810 ss:$0x81] =	vst.msk $0xffff, v5;
	v2 =	vld [tilespmem:s18+$0x20]  }
0x4b: {  	v0 =	vld [tilespmem:s18+$0xFFFFFFC0];
	[tilespmem:s17+$0x1020 ss:$0x81] =	vst.msk $0xffff, v6;
	s18 =	sadd.s32 $0x80, s18  }
0x4c: {  	s20 =	sadd.s32 $0x4, s20;
	v1 =	vld [tilespmem:s18+$0x30];
	[tilespmem:s17+$0x1830 ss:$0x81] =	vst.msk $0xffff, v7  }
.Ltmp4:
0x4d: {  	_ = 	snop;
	(pc) =	sbr.rel .LBB1_4-.Ltmp4, $1  }
0x4e: {  	_ =	sdelay $0x3  }
.LBB1_6:
0x4f: {  	_ =	sfence.sel $0x180000  }
0x50: {  	s2 =	simm.s32 $0x1;
	[bflag:$0x0] =	sbarrier.arrive $0xFFFF  }
0x51: {  	s31 =	simm.s32 $0x2;
	[sflag:s2] =	ssyncpa.u1 $0x1  }
0x52: {  	[sflag:s31] =	ssyncpa.u1 $0x1  }
0x53: {  	p0 =	sne.s32 s0, $0x0;
	_ =	strace $0x9000004D  }
0x54: {  	s0 =	sadd.s32 @!p0 $0x100000, s1;
	[bflag:$0x2] =	sbarrier.arrive $0xFFFF  }
0x55: {  	[sflag:s0] =	ssyncadd.tile.s32 @!p0 $0x1;
	_ =	shalt  }
.Lfunc_end1:
_tile_overlayer_lowered:
.L_overlay_start_2:
0x56: {  	(tag) =	ssettag $0x2  }
0x57: {  	s0 =	rddreg [dreg:$0x0];
	s2 =	stileid.u32  }
0x58: {  	s1 =	rddreg [dreg:$0x1];
	p0 =	sne.s32 s2, $0x0  }
0x59: {  	s3 =	rddreg [dreg:$0x2];
	[bflag:$0x3] =	sbarrier.arrive $0xFFFF;
	s2 =	simm.s32 @!p0 $0x1C01  }
0x5a: {  	[timem:s3], [sflag:s2] =	dma.local @!p0 [hbm:s0], s1  }
0x5b: {  	s0 =	simm.s32 @!p0 $0x1  }
0x5c: {  	_ =	swait.ge @!p0 [sflag:s0], s1  }
0x5d: {  	s1 =	ssub.s32 @!p0 $0x0, s1;
	[sflag:s0] =	ssyncset.done @!p0 $0x0  }
0x5e: {  	[sflag:s0] =	ssyncadd.s32 @!p0 s1  }
0x5f: {  	[bflag:$0x3] =	sbarrier.arrive $0xFFFF  }
0x60: {  	_ =	shalt  }

// kernel: sparse-core-data-format-call.4.cloned.1.call-start
scs
called_computation.4_lowered:
.L_overlay_start_0:
0x0: {  	s1 =	sld [smem:$0x3FD9]  }
0x1: {  	s2 =	sld [smem:$0x3FFE];
	_ =	sdelay $0x1  }
0x2: {  	s3 =	srdreg.scid  }
0x3: {  	s0 =	sand.u32 $0x1, s3  }
0x4: {  	s17 =	sshll.u32 s0, $0xA;
	s1 =	sadd.s32 s2, s1  }
0x5: {  	s1 =	sadd.s32 s1, s17  }
0x6: {  	[smem:$0x3FC0] =	sst s1  }
0x7: {  	_ = 	snop  }
0x8: {  	(tm) =	ssettm $0x1  }
0x9: {  	s18 =	sld [smem:$0x3FFB];
	_ =	sdelay $0x3  }
0xa: {  	_ =	strace s18  }
0xb: {  	s1 =	sld [smem:$0x3FFC];
	_ =	sdelay $0x3  }
0xc: {  	_ =	strace s1  }
0xd: {  	s1 =	sld [smem:$0x3FFD];
	_ =	sdelay $0x3  }
0xe: {  	_ =	strace s1  }
0xf: {  	_ =	strace $0x8FFFFFFF  }
0x10: {  	s19 =	sld [smem:$0x3FDB];
	_ =	sdelay $0x1  }
0x11: {  	s20 =	simm.s32 $_scs_section_size  }
0x12: {  	s4 =	simm.s32 $_size__tile_overlayer_lowered;
	s5 =	simm.s32 $_tile_overlayer_lowered  }
0x13: {  	s23 =	simm.s32 $0x1BFF;
	s22 =	sshll.u32 s5, $0x1;
	s1 =	sadd.s32 s20, s19  }
0x14: {  	s6 =	simm.s32 $0x0;
	s21 =	sshll.u32 s4, $0x1;
	s4 =	sadd.s32 s22, s1  }
0x15: {  	[timem:s6], [sflag:s23] =	dma.local [hbm:s4], s21  }
0x16: {  	_ =	swait.ge [sflag:s23], s21  }
0x17: {  	s2 =	ssub.s32 $0x0, s21;
	[sflag:s23] =	ssyncset.done $0x0  }
0x18: {  	[sflag:s23] =	ssyncadd.s32 s2;
	_ =	sdelay $0x1  }
0x19: {  	s24 =	simm.s32 $0x1B8B  }
0x1a: {  	_ =	swait.ge [sflag:s24], $0x1  }
0x1b: {  	[sflag:s24] =	ssyncset.done $0x0  }
0x1c: {  	s26 =	simm.s32 $0x1B8E;
	s25 =	sld [smem:$0x3FFE];
	[sflag:s24] =	ssyncadd.s32 $0xFFFFFFFF  }
0x1d: {  	s27 =	simm.s32 $execute0_lowered;
	[smem:$0x3FD2] =	sst s26  }
0x1e: {  	s4 =	sshll.u32 s27, $0x1;
	_ =	strace $0x80000049;
	[dreg:$0x1] =	wrdreg $0xFFFFFFFF  }
0x1f: {  	s28 =	simm.s32 $_size_execute0_lowered;
	s1 =	sadd.s32 s1, s4;
	[dreg:$0x0] =	wrdreg $0x0  }
0x20: {  	s4 =	sshll.u32 s28, $0x1;
	[dreg:$0x2] =	wrdreg s1  }
0x21: {  	[dreg:$0x3] =	wrdreg s4  }
0x22: {  	[dreg:$0x4] =	wrdreg $0xC0  }
0x23: {  	_ =	task [dreg:s6], $0x5FFFF  }
0x24: {  	[dreg:$0x1] =	wrdreg $0xFFFFFFFF  }
0x25: {  	[dreg:$0x0] =	wrdreg $0x60  }
0x26: {  	[dreg:$0x2] =	wrdreg s25  }
0x27: {  	[dreg:$0x3] =	wrdreg $0x9  }
0x28: {  	_ =	task.clear_ibuf [dreg:s6], $0x4FFFF;
	_ =	strace $0x90000049  }
0x29: {  	s29 =	simm.s32 $0x9;
	_ =	strace $0x8000004B  }
0x2a: {  	_ =	swait.ge [sflag:s29], $0x1  }
0x2b: {  	[sflag:s29] =	ssyncadd.s32 $0xFFFFFFFF  }
0x2c: {  	_ =	strace $0x9000004B  }
0x2d: {  	_ =	sfence  }
0x2e: {  	s30 =	sld [smem:$0x0];
	_ =	sdelay $0x2  }
0x2f: {  	s31 =	sshll.u32 s3, $0xD;
	s3 =	sshrl.u32 s3, $0x2  }
0x30: {  	s2 =	sand.u32 $0x4000, s31;
	s1 =	sadd.s32 s3, s30  }
0x31: {  	s0 =	sor.u32 s2, s0;
	s1 =	sshll.u32 s1, $0x11  }
0x32: {  	s0 =	sor.u32 s1, s0  }
0x33: {  	s0 =	sadd.s32 $0x8F2B, s0  }
0x34: {  	[sflag:s0] =	ssyncadd.remote.s32 $0x1  }
0x35: {  	_ =	sfence.sel $0xFFFF  }
0x36: {  	[dreg:$0x0] =	wrdreg $0xFFFFFFFF;
	(pc) =	sbr.abs _section_cstart, $3  }
0x37: {  	[dreg:$0x1] =	wrdreg $0xFFFFFFFF  }
0x38: {  	_ =	task.clear_ibuf [dreg:s6], $0x2FFFF;
	_ =	strace $0x9FFFFFFF  }
0x39: {  	(tm) =	ssettm $0x7FFFFFFF  }
tec
execute0_lowered:
.L_overlay_start_1:
0x0: {  	(tag) =	ssettag $0x1  }
0x1: {  	s0 =	srdreg.scid  }
0x2: {  	s1 =	sshll.u32 s0, $0x4  }
0x3: {  	s6 =	rddreg [dreg:$0x0];
	s0 =	stileid.u32;
	s1 =	sand.u32 $0x10, s1  }
0x4: {  	s5 =	simm.s32 $0x1;
	s31 =	simm.s32 $0x2;
	s1 =	sor.u32 s0, s1  }
0x5: {  	s12 =	simm.s32 $0x0;
	s8 =	simm.s32 $0x28000;
	s2 =	sshll.u32 s1, $0x7  }
0x6: {  	s13 =	simm.s32 $0x0;
	s9 =	simm.s32 $0x0;
	s3 =	ssub.s32 $0x5000, s2  }
0x7: {  	s11 =	simm.s32 $0x0;
	s1 =	rddreg [dreg:$0x1];
	s4 =	sand.u32 $0xF80, s3  }
.Ltmp0:
0x8: {  	_ =	strace $0x8000004A;
	p0 =	sne.s32 s4, $0x0;
	(pc) =	sbr.rel .LBB1_1-.Ltmp0, $4  }
0x9: {  	s10 =	smov.u32 s2;
	s7 =	sshrl.u32 s3, $0xC;
	s5 =	simm.s32 @!p0 $0x0  }
0xa: {  	s3 =	sadd.s32 $0x16C800, s6;
	s4 =	simm.s32 $0x1;
	s5 =	sadd.s32 s5, s7  }
0xb: {  	s6 =	sadd.s32 $0x2C800, s6;
	[sflag:s4] =	ssyncpa.u1 $0x0;
	s5 =	sshll.u32 s5, $0x2  }
0xc: {  	p0 =	por $0x0, $0x0;
	[sflag:s31] =	ssyncpa.u1 $0x0;
	s7 =	sor.u32 $0x1, s5  }
.LBB1_4:
0xd: {  	v5 =	vld [tilespmem:s17+$0xFFFFFFD0];
	[tilespmem:s16+$0x2040 ss:$0x81] =	vst.msk $0xffff, v3;
	s19 =	sshll.u32 s13, $0x3  }
0xe: {  	v58 =	vld [tilespmem:s17+$0xFFFFFFE0];
	[tilespmem:s16+$0x2850 ss:$0x81] =	vst.msk $0xffff, v4;
	s24 =	sand.u32 $0x7F, s13;
	s20 =	sand.u32 $0xFFFFFC00, s19  }
0xf: {  	s18 =	sshra.s32 s18, $0x2;
	v59 =	vld [tilespmem:s17+$0xFFFFFFF0];
	[tilespmem:s16+$0x3060 ss:$0x81] =	vst.msk $0xffff, v2;
	s13 =	sor.u32 s24, s20  }
0x10: {  	v60 =	vld [tilespmem:s17+$0x0];
	[tilespmem:s16+$0x0 ss:$0x81] =	vst.msk $0xffff, v0;
	s15 =	sadd.s32 s18, s15;
	s25 =	smulhi.u32 $0xCCCCCCCD, s13  }
0x11: {  	v61 =	vld [tilespmem:s17+$0x10];
	s26 =	smulhi.u32 $0xCCCCCCCD, s19;
	[tilespmem:s15+$0x3870 ss:$0x81] =	vst.msk $0xffff, v1  }
0x12: {  	v62 =	vld [tilespmem:s17+$0x20];
	[tilespmem:s15+$0x810 ss:$0x81] =	vst.msk $0xffff, v5;
	s16 =	sshrl.u32 s25, $0xE  }
0x13: {  	v63 =	vld [tilespmem:s17+$0xFFFFFFC0];
	s27 =	sshrl.u32 s26, $0xE;
	[tilespmem:s15+$0x1020 ss:$0x81] =	vst.msk $0xffff, v58;
	s16 =	smul.u32 $0x5000, s16  }
0x14: {  	s12 =	smul.u32 $0x50000, s12;
	s17 =	sand.u32 $0x7F, s27;
	[tilespmem:s15+$0x1830 ss:$0x81] =	vst.msk $0xffff, v59  }
0x15: {  	[tilespmem:s15+$0x2040 ss:$0x81] =	vst.msk $0xffff, v60;
	s28 =	smul.u32 $0xA00, s17;
	s13 =	ssub.s32 s13, s16  }
0x16: {  	s12 =	sadd.s32 s6, s12;
	[tilespmem:s15+$0x2850 ss:$0x81] =	vst.msk $0xffff, v61;
	s29 =	sand.u32 $0x7, s13  }
0x17: {  	[tilespmem:s15+$0x3060 ss:$0x81] =	vst.msk $0xffff, v62;
	s12 =	sadd.s32 s28, s12;
	s13 =	sshrl.u32 s13, $0x3;
	s30 =	sshll.u32 s29, $0x12  }
0x18: {  	[tilespmem:s15+$0x0 ss:$0x81] =	vst.msk $0xffff, v63;
	s12 =	sadd.s32 s13, s12;
	s31 =	sor.u32 $0x400, s30  }
0x19: {  	[hbm4b:s12+s31] =	stream.strided.scatter [tilespmem:s14], [sflag:$0x2], $0x4000, s8, s31, $0x20;
	[tilespmem:$0x10100] =	vst v63  }
.LBB1_5:
0x1a: {  	s14 =	sadd.s32 $0x1, s9  }
0x1b: {  	s12 =	sadd.s32 $0x1000, s10;
	s16 =	smov.u32 s10;
	p2 =	sgt.s32 s14, $0x3  }
0x1c: {  	s16 =	smov.u32 @p2 s12  }
0x1d: {  	s14 =	simm.s32 @p2 $0x0;
	p2 =	sgt.s32 s16, $0x4FFF  }
0x1e: {  	s16 =	smov.u32 @p2 s2;
	p2 =	sne.s32 s11, s7  }
.Ltmp1:
0x1f: {  	p1 =	slt.u32 s11, $0x2;
	(pc) =	sbr.rel @!p2 .LBB1_6-.Ltmp1, $4  }
0x20: {  	s15 =	simm.s32 @!p1 $0x2  }
0x21: {  	s13 =	smov.u32 s10;
	p0 =	por !p0, !p0;
	_ =	swait.ge @!p1 [sflag:s15], $0x4000  }
0x22: {  	s12 =	smov.u32 s9;
	[sflag:s15] =	ssyncset.done @!p1 $0x0;
	s9 =	smov.u32 s14  }
0x23: {  	s11 =	sadd.s32 $0x1, s11;
	[sflag:s15] =	ssyncadd.s32 @!p1 $0xFFFFC000;
	s10 =	smov.u32 s16  }
.LBB1_1:
0x24: {  	p1 =	sge.u32 s11, s5  }
0x25: {  	s31 =	sadd.s32 $0xFFFFFFFF, s11;
	s14 =	sxor.u32 @!p1 $0xFFFFFFFF, s11  }
0x26: {  	s15 =	sshll.u32 @!p1 s10, $0x6;
	s16 =	sshll.u32 @!p1 s9, $0x4;
	s17 =	simm.s32 @!p1 $0x200  }
0x27: {  	s14 =	sshll.u32 @!p1 s14, $0xE;
	s16 =	sand.u32 @!p1 $0x30, s16;
	s15 =	sadd.s32 @!p1 s3, s15  }
0x28: {  	s14 =	sand.u32 @!p1 $0x4000, s14;
	s15 =	sadd.s32 @!p1 s16, s15;
	s16 =	simm.s32 @!p1 $0x80  }
0x29: {  	[tilespmem:s14], [sflag:$0x1] =	stream.strided.gather @!p1 [hbm4b:s15+s16], $0x4000, s17, s16, $0x38;
	[tilespmem:$0x10100] =	vst v63  }
0x2a: {  	p1 =	sge.u32 s31, s5  }
.Ltmp2:
0x2b: {  	_ = 	snop;
	(pc) =	sbr.rel @p1 .LBB1_5-.Ltmp2, $1  }
0x2c: {  	_ =	sdelay $0x3  }
0x2d: {  	s14 =	simm.s32 $0x1  }
0x2e: {  	_ =	swait.ge [sflag:s4], $0x4000;
	s14 =	simm.s32 @!p0 $0x0  }
0x2f: {  	[sflag:s4] =	ssyncset.done $0x0;
	s15 =	sshll.u32 s14, $0xE  }
0x30: {  	[sflag:s4] =	ssyncadd.s32 $0xFFFFC000;
	s17 =	sor.u32 $0x40, s15  }
0x31: {  	s14 =	smul.u32 $0x10200, s14;
	v0 =	vld [tilespmem:s17+$0x30]  }
0x32: {  	v1 =	vld [tilespmem:s17+$0xFFFFFFD0]  }
0x33: {  	s14 =	sshrl.u32 s14, $0x2;
	v5 =	vld [tilespmem:s17+$0xFFFFFFE0]  }
0x34: {  	v6 =	vld [tilespmem:s17+$0xFFFFFFF0];
	s15 =	sor.u32 $0x8000, s14  }
0x35: {  	s31 =	sand.u32 $0x1, s11;
	v3 =	vld [tilespmem:s17+$0x0];
	s16 =	sadd.s32 $0x0, s15  }
0x36: {  	v4 =	vld [tilespmem:s17+$0x10];
	s14 =	smul.u32 $0x10200, s31;
	[tilespmem:s16+$0x3870 ss:$0x81] =	vst.msk $0xffff, v0  }
0x37: {  	v2 =	vld [tilespmem:s17+$0x20];
	[tilespmem:s16+$0x810 ss:$0x81] =	vst.msk $0xffff, v1  }
0x38: {  	s14 =	sshrl.u32 s14, $0x2;
	v0 =	vld [tilespmem:s17+$0xFFFFFFC0];
	[tilespmem:s16+$0x1020 ss:$0x81] =	vst.msk $0xffff, v5;
	s17 =	sadd.s32 $0x80, s17  }
0x39: {  	s18 =	simm.s32 $0x4;
	s19 =	simm.s32 $0x8;
	s14 =	sor.u32 $0x8000, s14;
	[tilespmem:s16+$0x1830 ss:$0x81] =	vst.msk $0xffff, v6;
	v1 =	vld [tilespmem:s17+$0x30]  }
.LBB1_3:
0x3a: {  	p1 =	sne.s32 s19, $0x1FC;
	v5 =	vld [tilespmem:s17+$0xFFFFFFD0];
	[tilespmem:s16+$0x2040 ss:$0x81] =	vst.msk $0xffff, v3  }
0x3b: {  	v6 =	vld [tilespmem:s17+$0xFFFFFFE0];
	[tilespmem:s16+$0x2850 ss:$0x81] =	vst.msk $0xffff, v4  }
0x3c: {  	s20 =	sshra.s32 s18, $0x2;
	s18 =	smov.u32 s19;
	v7 =	vld [tilespmem:s17+$0xFFFFFFF0];
	[tilespmem:s16+$0x3060 ss:$0x81] =	vst.msk $0xffff, v2  }
.Ltmp3:
0x3d: {  	v3 =	vld [tilespmem:s17+$0x0];
	[tilespmem:s16+$0x0 ss:$0x81] =	vst.msk $0xffff, v0;
	s16 =	sadd.s32 s20, s15;
	(pc) =	sbr.rel @p1 .LBB1_3-.Ltmp3, $4  }
0x3e: {  	v4 =	vld [tilespmem:s17+$0x10];
	[tilespmem:s16+$0x3870 ss:$0x81] =	vst.msk $0xffff, v1  }
0x3f: {  	[tilespmem:s16+$0x810 ss:$0x81] =	vst.msk $0xffff, v5;
	v2 =	vld [tilespmem:s17+$0x20]  }
0x40: {  	v0 =	vld [tilespmem:s17+$0xFFFFFFC0];
	[tilespmem:s16+$0x1020 ss:$0x81] =	vst.msk $0xffff, v6;
	s17 =	sadd.s32 $0x80, s17  }
0x41: {  	s19 =	sadd.s32 $0x4, s19;
	v1 =	vld [tilespmem:s17+$0x30];
	[tilespmem:s16+$0x1830 ss:$0x81] =	vst.msk $0xffff, v7  }
.Ltmp4:
0x42: {  	_ = 	snop;
	(pc) =	sbr.rel .LBB1_4-.Ltmp4, $1  }
0x43: {  	_ =	sdelay $0x3  }
.LBB1_6:
0x44: {  	_ =	sfence.sel $0x180000  }
0x45: {  	s2 =	simm.s32 $0x1;
	[bflag:$0x0] =	sbarrier.arrive $0xFFFF  }
0x46: {  	s31 =	simm.s32 $0x2;
	[sflag:s2] =	ssyncpa.u1 $0x1  }
0x47: {  	[sflag:s31] =	ssyncpa.u1 $0x1  }
0x48: {  	p0 =	sne.s32 s0, $0x0;
	_ =	strace $0x9000004A  }
0x49: {  	s0 =	sadd.s32 @!p0 $0x100000, s1;
	[bflag:$0x2] =	sbarrier.arrive $0xFFFF  }
0x4a: {  	[sflag:s0] =	ssyncadd.tile.s32 @!p0 $0x1;
	_ =	shalt  }
.Lfunc_end1:
_tile_overlayer_lowered:
.L_overlay_start_2:
0x4b: {  	(tag) =	ssettag $0x2  }
0x4c: {  	s0 =	rddreg [dreg:$0x0];
	s2 =	stileid.u32  }
0x4d: {  	s1 =	rddreg [dreg:$0x1];
	p0 =	sne.s32 s2, $0x0  }
0x4e: {  	s3 =	rddreg [dreg:$0x2];
	[bflag:$0x3] =	sbarrier.arrive $0xFFFF;
	s2 =	simm.s32 @!p0 $0x1C01  }
0x4f: {  	[timem:s3], [sflag:s2] =	dma.local @!p0 [hbm:s0], s1  }
0x50: {  	s0 =	simm.s32 @!p0 $0x1  }
0x51: {  	_ =	swait.ge @!p0 [sflag:s0], s1  }
0x52: {  	s1 =	ssub.s32 @!p0 $0x0, s1;
	[sflag:s0] =	ssyncset.done @!p0 $0x0  }
0x53: {  	[sflag:s0] =	ssyncadd.s32 @!p0 s1  }
0x54: {  	[bflag:$0x3] =	sbarrier.arrive $0xFFFF  }
0x55: {  	_ =	shalt  }

// kernel: sparse-core-data-format-call.cloned.1.call-start
scs
called_computation_lowered:
.L_overlay_start_0:
0x0: {  	s1 =	sld [smem:$0x3FD9]  }
0x1: {  	s2 =	sld [smem:$0x3FFE];
	_ =	sdelay $0x1  }
0x2: {  	s3 =	srdreg.scid  }
0x3: {  	s0 =	sand.u32 $0x1, s3  }
0x4: {  	s17 =	sshll.u32 s0, $0xA;
	s1 =	sadd.s32 s2, s1  }
0x5: {  	s1 =	sadd.s32 s1, s17  }
0x6: {  	[smem:$0x3FC0] =	sst s1  }
0x7: {  	_ = 	snop  }
0x8: {  	(tm) =	ssettm $0x1  }
0x9: {  	s18 =	sld [smem:$0x3FFB];
	_ =	sdelay $0x3  }
0xa: {  	_ =	strace s18  }
0xb: {  	s1 =	sld [smem:$0x3FFC];
	_ =	sdelay $0x3  }
0xc: {  	_ =	strace s1  }
0xd: {  	s1 =	sld [smem:$0x3FFD];
	_ =	sdelay $0x3  }
0xe: {  	_ =	strace s1  }
0xf: {  	_ =	strace $0x8FFFFFFF  }
0x10: {  	s19 =	sld [smem:$0x3FDB];
	_ =	sdelay $0x1  }
0x11: {  	s20 =	simm.s32 $_scs_section_size  }
0x12: {  	s4 =	simm.s32 $_size__tile_overlayer_lowered;
	s5 =	simm.s32 $_tile_overlayer_lowered  }
0x13: {  	s23 =	simm.s32 $0x1BFF;
	s22 =	sshll.u32 s5, $0x1;
	s1 =	sadd.s32 s20, s19  }
0x14: {  	s6 =	simm.s32 $0x0;
	s21 =	sshll.u32 s4, $0x1;
	s4 =	sadd.s32 s22, s1  }
0x15: {  	[timem:s6], [sflag:s23] =	dma.local [hbm:s4], s21  }
0x16: {  	_ =	swait.ge [sflag:s23], s21  }
0x17: {  	s2 =	ssub.s32 $0x0, s21;
	[sflag:s23] =	ssyncset.done $0x0  }
0x18: {  	[sflag:s23] =	ssyncadd.s32 s2;
	_ =	sdelay $0x1  }
0x19: {  	s24 =	simm.s32 $0x1B8B  }
0x1a: {  	_ =	swait.ge [sflag:s24], $0x1  }
0x1b: {  	[sflag:s24] =	ssyncset.done $0x0  }
0x1c: {  	s26 =	simm.s32 $0x1B8E;
	s25 =	sld [smem:$0x3FFE];
	[sflag:s24] =	ssyncadd.s32 $0xFFFFFFFF  }
0x1d: {  	s27 =	simm.s32 $execute0_lowered;
	[smem:$0x3FD2] =	sst s26  }
0x1e: {  	s4 =	sshll.u32 s27, $0x1;
	_ =	strace $0x80000058;
	[dreg:$0x1] =	wrdreg $0xFFFFFFFF  }
0x1f: {  	s28 =	simm.s32 $_size_execute0_lowered;
	s1 =	sadd.s32 s1, s4;
	[dreg:$0x0] =	wrdreg $0x0  }
0x20: {  	s4 =	sshll.u32 s28, $0x1;
	[dreg:$0x2] =	wrdreg s1  }
0x21: {  	[dreg:$0x3] =	wrdreg s4  }
0x22: {  	[dreg:$0x4] =	wrdreg $0xC0  }
0x23: {  	_ =	task [dreg:s6], $0x5FFFF  }
0x24: {  	[dreg:$0x1] =	wrdreg $0xFFFFFFFF  }
0x25: {  	[dreg:$0x0] =	wrdreg $0x60  }
0x26: {  	[dreg:$0x2] =	wrdreg s25  }
0x27: {  	[dreg:$0x3] =	wrdreg $0x9  }
0x28: {  	_ =	task.clear_ibuf [dreg:s6], $0x4FFFF;
	_ =	strace $0x90000058  }
0x29: {  	s29 =	simm.s32 $0x9;
	_ =	strace $0x8000005A  }
0x2a: {  	_ =	swait.ge [sflag:s29], $0x1  }
0x2b: {  	[sflag:s29] =	ssyncadd.s32 $0xFFFFFFFF  }
0x2c: {  	_ =	strace $0x9000005A  }
0x2d: {  	_ =	sfence  }
0x2e: {  	s30 =	sld [smem:$0x0];
	_ =	sdelay $0x2  }
0x2f: {  	s31 =	sshll.u32 s3, $0xD;
	s3 =	sshrl.u32 s3, $0x2  }
0x30: {  	s2 =	sand.u32 $0x4000, s31;
	s1 =	sadd.s32 s3, s30  }
0x31: {  	s0 =	sor.u32 s2, s0;
	s1 =	sshll.u32 s1, $0x11  }
0x32: {  	s0 =	sor.u32 s1, s0  }
0x33: {  	s0 =	sadd.s32 $0x8F2B, s0  }
0x34: {  	[sflag:s0] =	ssyncadd.remote.s32 $0x1  }
0x35: {  	_ =	sfence.sel $0xFFFF  }
0x36: {  	[dreg:$0x0] =	wrdreg $0xFFFFFFFF;
	(pc) =	sbr.abs _section_cstart, $3  }
0x37: {  	[dreg:$0x1] =	wrdreg $0xFFFFFFFF  }
0x38: {  	_ =	task.clear_ibuf [dreg:s6], $0x2FFFF;
	_ =	strace $0x9FFFFFFF  }
0x39: {  	(tm) =	ssettm $0x7FFFFFFF  }
tec
execute0_lowered:
.L_overlay_start_1:
0x0: {  	(tag) =	ssettag $0x1  }
0x1: {  	s4 =	rddreg [dreg:$0x0]  }
0x2: {  	s1 =	stileid.u32;
	s0 =	rddreg [dreg:$0x1]  }
0x3: {  	_ =	strace $0x80000059;
	s5 =	srdreg.scid;
	s31 =	simm.s32 $0x2  }
0x4: {  	s16 =	simm.s32 $0x0;
	s9 =	simm.s32 $0x2000;
	s15 =	simm.s32 $0x0  }
0x5: {  	s14 =	simm.s32 $0x0;
	s10 =	simm.s32 $0x0;
	s2 =	sshll.u32 s1, $0x7  }
0x6: {  	s13 =	simm.s32 $0x0;
	s5 =	sshll.u32 s5, $0x4;
	s2 =	sand.u32 $0x380, s2  }
0x7: {  	s3 =	sadd.s32 $0x32B800, s4;
	s5 =	sand.u32 $0x10, s5;
	s6 =	ssub.s32 $0x400, s2  }
0x8: {  	s4 =	sadd.s32 $0x2B800, s4;
	s5 =	sor.u32 s1, s5;
	s7 =	sand.u32 $0x380, s6  }
.Ltmp0:
0x9: {  	p0 =	sne.s32 s7, $0x0;
	s7 =	simm.s32 $0x1;
	(pc) =	sbr.rel .LBB1_1-.Ltmp0, $4  }
0xa: {  	s12 =	smov.u32 s2;
	s8 =	sshrl.u32 s6, $0xA;
	s7 =	simm.s32 @!p0 $0x0  }
0xb: {  	s5 =	sshrl.u32 s5, $0x3;
	s6 =	simm.s32 $0x1;
	s7 =	sadd.s32 s7, s8  }
0xc: {  	[sflag:s6] =	ssyncpa.u1 $0x0;
	s11 =	smov.u32 s5;
	s7 =	sshll.u32 s7, $0x5  }
0xd: {  	[sflag:s31] =	ssyncpa.u1 $0x0;
	p0 =	por $0x0, $0x0;
	s8 =	sor.u32 $0x1, s7  }
.LBB1_4:
0xe: {  	v5 =	vld [tilespmem:s20+$0xFFFFFFD0];
	[tilespmem:s19+$0x2040 ss:$0x81] =	vst.msk $0xffff, v1  }
0xf: {  	v58 =	vld [tilespmem:s20+$0xFFFFFFE0];
	[tilespmem:s19+$0x2850 ss:$0x81] =	vst.msk $0xffff, v2  }
0x10: {  	s21 =	sshra.s32 s21, $0x2;
	v59 =	vld [tilespmem:s20+$0xFFFFFFF0];
	[tilespmem:s19+$0x3060 ss:$0x81] =	vst.msk $0xffff, v3  }
0x11: {  	v60 =	vld [tilespmem:s20+$0x0];
	[tilespmem:s19+$0x0 ss:$0x81] =	vst.msk $0xffff, v0;
	s18 =	sadd.s32 s21, s18  }
0x12: {  	v61 =	vld [tilespmem:s20+$0x10];
	[tilespmem:s18+$0x3870 ss:$0x81] =	vst.msk $0xffff, v4  }
0x13: {  	v62 =	vld [tilespmem:s20+$0x20];
	s26 =	sshll.u32 s16, $0xA;
	s27 =	sshll.u32 s14, $0x3;
	[tilespmem:s18+$0x810 ss:$0x81] =	vst.msk $0xffff, v5  }
0x14: {  	v63 =	vld [tilespmem:s20+$0xFFFFFFC0];
	s29 =	sshll.u32 s16, $0x7;
	s30 =	sand.u32 $0x78, s14;
	s15 =	sshll.u32 s15, $0x12;
	[tilespmem:s18+$0x1020 ss:$0x81] =	vst.msk $0xffff, v58  }
0x15: {  	s19 =	sand.u32 $0x1FE000, s26;
	s28 =	sand.u32 $0x1FFC00, s27;
	s16 =	sand.u32 $0x380, s29;
	[tilespmem:s18+$0x1830 ss:$0x81] =	vst.msk $0xffff, v59  }
0x16: {  	s31 =	sand.u32 $0x7, s14;
	s19 =	sadd.s32 s28, s19;
	s16 =	sor.u32 s30, s16;
	[tilespmem:s18+$0x2040 ss:$0x81] =	vst.msk $0xffff, v60  }
0x17: {  	s15 =	sadd.s32 s4, s15;
	s19 =	sshrl.u32 s19, $0x3;
	s16 =	sshrl.u32 s16, $0x3;
	[tilespmem:s18+$0x2850 ss:$0x81] =	vst.msk $0xffff, v61  }
0x18: {  	s14 =	sshll.u32 s31, $0x12;
	s19 =	sand.u32 $0x3FF80, s19;
	s15 =	sadd.s32 s16, s15;
	[tilespmem:s18+$0x3060 ss:$0x81] =	vst.msk $0xffff, v62  }
0x19: {  	s14 =	sor.u32 $0x400, s14;
	[tilespmem:s18+$0x0 ss:$0x81] =	vst.msk $0xffff, v63;
	s15 =	sadd.s32 s19, s15  }
0x1a: {  	[hbm4b:s15+s14] =	stream.strided.scatter [tilespmem:s17], [sflag:$0x2], $0x4000, s9, s14, $0x20;
	[tilespmem:$0x10100] =	vst v63  }
.LBB1_5:
0x1b: {  	s17 =	sadd.s32 $0x80, s10  }
0x1c: {  	s14 =	sadd.s32 $0x4, s11;
	s18 =	smov.u32 s11;
	p2 =	sgt.s32 s17, $0x7FF  }
0x1d: {  	s18 =	smov.u32 @p2 s14  }
0x1e: {  	s20 =	smov.u32 s12;
	s14 =	sadd.s32 $0x400, s12;
	p3 =	sgt.s32 s18, $0x7  }
0x1f: {  	s20 =	smov.u32 @p3 s14  }
0x20: {  	s17 =	simm.s32 @p2 $0x0;
	p2 =	sgt.s32 s20, $0x3FF  }
0x21: {  	p1 =	slt.u32 s13, $0x2;
	s20 =	smov.u32 @p2 s2;
	p2 =	sne.s32 s13, s8  }
.Ltmp1:
0x22: {  	s19 =	simm.s32 @!p1 $0x2;
	(pc) =	sbr.rel @!p2 .LBB1_6-.Ltmp1, $4  }
0x23: {  	s16 =	smov.u32 s10;
	s15 =	smov.u32 s11;
	_ =	swait.ge @!p1 [sflag:s19], $0x4000  }
0x24: {  	p0 =	por !p0, !p0;
	[sflag:s19] =	ssyncset.done @!p1 $0x0;
	s10 =	smov.u32 s17  }
0x25: {  	s18 =	smov.u32 @p3 s5;
	s14 =	smov.u32 s12;
	[sflag:s19] =	ssyncadd.s32 @!p1 $0xFFFFC000  }
0x26: {  	s11 =	smov.u32 s18;
	s13 =	sadd.s32 $0x1, s13;
	s12 =	smov.u32 s20  }
.LBB1_1:
0x27: {  	p1 =	sge.u32 s13, s7  }
0x28: {  	s31 =	sadd.s32 $0xFFFFFFFF, s13;
	s17 =	sxor.u32 @!p1 $0xFFFFFFFF, s13;
	s18 =	sshll.u32 @!p1 s11, $0x7  }
0x29: {  	s19 =	sand.u32 @!p1 $0x78, s10;
	s20 =	sshll.u32 @!p1 s10, $0x3;
	s18 =	sand.u32 @!p1 $0x380, s18  }
0x2a: {  	s20 =	sand.u32 @!p1 $0x400, s20;
	s18 =	sor.u32 @!p1 s18, s19;
	s19 =	sshll.u32 @!p1 s12, $0xB  }
0x2b: {  	s18 =	sor.u32 @!p1 s20, s18;
	s20 =	sand.u32 @!p1 $0x700, s10;
	s19 =	sadd.s32 @!p1 s3, s19  }
0x2c: {  	s17 =	sshll.u32 @!p1 s17, $0xE;
	s19 =	sadd.s32 @!p1 s20, s19;
	s20 =	sand.u32 @!p1 $0x7, s10  }
0x2d: {  	s17 =	sand.u32 @!p1 $0x4000, s17;
	s18 =	sshrl.u32 @!p1 s18, $0x3;
	s20 =	sshll.u32 @!p1 s20, $0x12  }
0x2e: {  	s18 =	sadd.s32 @!p1 s18, s19;
	s19 =	sor.u32 @!p1 $0x80, s20;
	s20 =	simm.s32 @!p1 $0x4000  }
0x2f: {  	[tilespmem:s17], [sflag:$0x1] =	stream.strided.gather @!p1 [hbm4b:s18+s19], $0x4000, s20, s19, $0x38;
	[tilespmem:$0x10100] =	vst v63  }
0x30: {  	p1 =	sge.u32 s31, s7  }
.Ltmp2:
0x31: {  	_ = 	snop;
	(pc) =	sbr.rel @p1 .LBB1_5-.Ltmp2, $1  }
0x32: {  	_ =	sdelay $0x3  }
0x33: {  	s17 =	simm.s32 $0x1  }
0x34: {  	_ =	swait.ge [sflag:s6], $0x4000;
	s17 =	simm.s32 @!p0 $0x0  }
0x35: {  	[sflag:s6] =	ssyncset.done $0x0;
	s18 =	sshll.u32 s17, $0xE  }
0x36: {  	[sflag:s6] =	ssyncadd.s32 $0xFFFFC000;
	s20 =	sor.u32 $0x40, s18  }
0x37: {  	s17 =	smul.u32 $0x10200, s17;
	v0 =	vld [tilespmem:s20+$0x30]  }
0x38: {  	v3 =	vld [tilespmem:s20+$0xFFFFFFD0]  }
0x39: {  	s17 =	sshrl.u32 s17, $0x2;
	v4 =	vld [tilespmem:s20+$0xFFFFFFE0]  }
0x3a: {  	v5 =	vld [tilespmem:s20+$0xFFFFFFF0];
	s18 =	sor.u32 $0x8000, s17  }
0x3b: {  	s31 =	sand.u32 $0x1, s13;
	v1 =	vld [tilespmem:s20+$0x0];
	s19 =	sadd.s32 $0x0, s18  }
0x3c: {  	v2 =	vld [tilespmem:s20+$0x10];
	s17 =	smul.u32 $0x10200, s31;
	[tilespmem:s19+$0x3870 ss:$0x81] =	vst.msk $0xffff, v0  }
0x3d: {  	[tilespmem:s19+$0x810 ss:$0x81] =	vst.msk $0xffff, v3;
	v3 =	vld [tilespmem:s20+$0x20]  }
0x3e: {  	s17 =	sshrl.u32 s17, $0x2;
	v0 =	vld [tilespmem:s20+$0xFFFFFFC0];
	[tilespmem:s19+$0x1020 ss:$0x81] =	vst.msk $0xffff, v4;
	s20 =	sadd.s32 $0x80, s20  }
0x3f: {  	s21 =	simm.s32 $0x4;
	s22 =	simm.s32 $0x8;
	s17 =	sor.u32 $0x8000, s17;
	[tilespmem:s19+$0x1830 ss:$0x81] =	vst.msk $0xffff, v5;
	v4 =	vld [tilespmem:s20+$0x30]  }
.LBB1_3:
0x40: {  	p1 =	sne.s32 s22, $0x1FC;
	v5 =	vld [tilespmem:s20+$0xFFFFFFD0];
	[tilespmem:s19+$0x2040 ss:$0x81] =	vst.msk $0xffff, v1  }
0x41: {  	v6 =	vld [tilespmem:s20+$0xFFFFFFE0];
	[tilespmem:s19+$0x2850 ss:$0x81] =	vst.msk $0xffff, v2  }
0x42: {  	s23 =	sshra.s32 s21, $0x2;
	s21 =	smov.u32 s22;
	v7 =	vld [tilespmem:s20+$0xFFFFFFF0];
	[tilespmem:s19+$0x3060 ss:$0x81] =	vst.msk $0xffff, v3  }
.Ltmp3:
0x43: {  	v1 =	vld [tilespmem:s20+$0x0];
	[tilespmem:s19+$0x0 ss:$0x81] =	vst.msk $0xffff, v0;
	s19 =	sadd.s32 s23, s18;
	(pc) =	sbr.rel @p1 .LBB1_3-.Ltmp3, $4  }
0x44: {  	v2 =	vld [tilespmem:s20+$0x10];
	[tilespmem:s19+$0x3870 ss:$0x81] =	vst.msk $0xffff, v4  }
0x45: {  	[tilespmem:s19+$0x810 ss:$0x81] =	vst.msk $0xffff, v5;
	v3 =	vld [tilespmem:s20+$0x20]  }
0x46: {  	v0 =	vld [tilespmem:s20+$0xFFFFFFC0];
	[tilespmem:s19+$0x1020 ss:$0x81] =	vst.msk $0xffff, v6;
	s20 =	sadd.s32 $0x80, s20  }
0x47: {  	s22 =	sadd.s32 $0x4, s22;
	v4 =	vld [tilespmem:s20+$0x30];
	[tilespmem:s19+$0x1830 ss:$0x81] =	vst.msk $0xffff, v7  }
.Ltmp4:
0x48: {  	_ = 	snop;
	(pc) =	sbr.rel .LBB1_4-.Ltmp4, $1  }
0x49: {  	_ =	sdelay $0x3  }
.LBB1_6:
0x4a: {  	_ =	sfence.sel $0x180000  }
0x4b: {  	s2 =	simm.s32 $0x1;
	[bflag:$0x0] =	sbarrier.arrive $0xFFFF  }
0x4c: {  	s31 =	simm.s32 $0x2;
	[sflag:s2] =	ssyncpa.u1 $0x1  }
0x4d: {  	[sflag:s31] =	ssyncpa.u1 $0x1  }
0x4e: {  	p0 =	sne.s32 s1, $0x0;
	_ =	strace $0x90000059  }
0x4f: {  	s0 =	sadd.s32 @!p0 $0x100000, s0;
	[bflag:$0x2] =	sbarrier.arrive $0xFFFF  }
0x50: {  	[sflag:s0] =	ssyncadd.tile.s32 @!p0 $0x1;
	_ =	shalt  }
.Lfunc_end1:
_tile_overlayer_lowered:
.L_overlay_start_2:
0x51: {  	(tag) =	ssettag $0x2  }
0x52: {  	s0 =	rddreg [dreg:$0x0];
	s2 =	stileid.u32  }
0x53: {  	s1 =	rddreg [dreg:$0x1];
	p0 =	sne.s32 s2, $0x0  }
0x54: {  	s3 =	rddreg [dreg:$0x2];
	[bflag:$0x3] =	sbarrier.arrive $0xFFFF;
	s2 =	simm.s32 @!p0 $0x1C01  }
0x55: {  	[timem:s3], [sflag:s2] =	dma.local @!p0 [hbm:s0], s1  }
0x56: {  	s0 =	simm.s32 @!p0 $0x1  }
0x57: {  	_ =	swait.ge @!p0 [sflag:s0], s1  }
0x58: {  	s1 =	ssub.s32 @!p0 $0x0, s1;
	[sflag:s0] =	ssyncset.done @!p0 $0x0  }
0x59: {  	[sflag:s0] =	ssyncadd.s32 @!p0 s1  }
0x5a: {  	[bflag:$0x3] =	sbarrier.arrive $0xFFFF  }
0x5b: {  	_ =	shalt  }

</sc_bundles>
